<compile_context>
chip_gen: v7x
topology: tpu7x:2x2x1
jax: 0.10.2.dev20260603
libtpu: 0.0.44.dev20260713+nightly
codegen_flags: <defaults>
</compile_context>

<pallas_src>
import jax
import jax.numpy as jnp
from jax import lax
from jax.experimental import pallas as pl
from jax.experimental.pallas import tpu as pltpu
from jax.experimental.pallas import tpu_sc as plsc

_RES = [720, 360, 180, 90, 45, 22, 11]
_BIG = (0, 1, 2)
_SMALL = (3, 4, 5, 6)
_NC = 2
_NS = 16
_NW = _NC * _NS
_B = 128
_NV = _B // 16
_CHUNK = 128
_NBLK = 248
_WPTS = _B * _NBLK
_NPAD = _WPTS * _NW
_NROW = _NPAD // _CHUNK
_FOUT = 2 * len(_RES)
_TCB = 8


def _level_math(latf, lonf, r):
    rows = r
    cols = 2 * r
    i0 = latf.astype(jnp.int32)
    j0 = lonf.astype(jnp.int32)
    ii0 = jnp.minimum(i0, rows)
    ii1 = jnp.minimum(i0 + 1, rows)
    jj0 = jnp.minimum(j0, cols)
    jj1 = jnp.minimum(j0 + 1, cols)
    wi0 = 1.0 - jnp.abs(latf - ii0.astype(jnp.float32))
    wi1 = 1.0 - jnp.abs(latf - ii1.astype(jnp.float32))
    wj0 = 1.0 - jnp.abs(lonf - jj0.astype(jnp.float32))
    wj1 = 1.0 - jnp.abs(lonf - jj1.astype(jnp.float32))
    jj0w = jnp.where(jj0 == cols, 0, jj0)
    jj1w = jnp.where(jj1 == cols, 0, jj1)
    pole0 = (ii0 == 0) | (ii0 == rows)
    pole1 = (ii1 == 0) | (ii1 == rows)
    j00 = jnp.where(pole0, 0, jj0w)
    j01 = jnp.where(pole0, 0, jj1w)
    j10 = jnp.where(pole1, 0, jj0w)
    j11 = jnp.where(pole1, 0, jj1w)
    c = cols + 1
    b0 = ii0 * c
    b1 = ii1 * c
    f = (b0 + j00, b0 + j01, b1 + j10, b1 + j11)
    w = (wi0 * wj0, wi0 * wj1, wi1 * wj0, wi1 * wj1)
    return f, w


def _tc_index_kernel(lat_ref, lon_ref, idx_ref):
    lat = lat_ref[...]
    lon = lon_ref[...]
    ulat = (lat + 90.0) / 180.0
    ulon = (lon / 360.0) * 2.0
    for li, l in enumerate(_BIG):
        r = _RES[l]
        fs, _ = _level_math(ulat * r, ulon * r, r)
        for n in range(4):
            idx_ref[li * 4 + n] = fs[n]


def _sc_kernel(lat_h, lon_h, idx_h, t0, t1, t2, s3, s4, s5, s6, out_h,
               *scratch):
    nchunk = _B // _CHUNK
    idx2d = scratch[0]
    lat_v, lon_v = scratch[1], scratch[2]
    small_v = scratch[3:7]
    rows_refs = scratch[7:10]
    out_v = scratch[10]
    sem = scratch[11]
    wid = lax.axis_index("s") * _NC + lax.axis_index("c")
    lane = lax.iota(jnp.int32, 16)

    pltpu.sync_copy(s3, small_v[0])
    pltpu.sync_copy(s4, small_v[1])
    pltpu.sync_copy(s5, small_v[2])
    pltpu.sync_copy(s6, small_v[3])

    tbl_hbm = (t0, t1, t2)

    def block_body(b, carry):
        base = wid * _WPTS + b * _B
        brow = base // _CHUNK
        cps = [pltpu.async_copy(lat_h.at[pl.ds(base, _B)], lat_v, sem),
               pltpu.async_copy(lon_h.at[pl.ds(base, _B)], lon_v, sem)]
        for rrow in range(12):
            for ch in range(nchunk):
                cps.append(pltpu.async_copy(
                    idx_h.at[rrow, brow + ch],
                    idx2d.at[rrow * nchunk + ch], sem))
        for cp in cps:
            cp.wait()

        copies = []
        for li in range(3):
            for n in range(4):
                for ch in range(nchunk):
                    j = (li * 4 + n) * nchunk + ch
                    copies.append(pltpu.async_copy(
                        tbl_hbm[li].at[idx2d.at[4 * j]],
                        rows_refs[li].at[pl.ds(n * _B + ch * _CHUNK, _CHUNK)],
                        sem))

        def pass2(v, carry2):
            lat16 = lat_v[pl.ds(v * 16, 16)]
            lon16 = lon_v[pl.ds(v * 16, 16)]
            ulat = (lat16 + 90.0) / 180.0
            ulon = (lon16 / 360.0) * 2.0
            prow = v * 16 + lane
            for si, l in enumerate(_SMALL):
                r = _RES[l]
                fs, ws = _level_math(ulat * r, ulon * r, r)
                tv = small_v[si]
                for c in range(2):
                    acc = ws[0] * plsc.load_gather(tv, [fs[0] * 2 + c])
                    acc = acc + ws[1] * plsc.load_gather(tv, [fs[1] * 2 + c])
                    acc = acc + ws[2] * plsc.load_gather(tv, [fs[2] * 2 + c])
                    acc = acc + ws[3] * plsc.load_gather(tv, [fs[3] * 2 + c])
                    cc = jnp.full((16,), 2 * l + c, jnp.int32)
                    plsc.store_scatter(out_v, [prow, cc], acc)
            return carry2

        lax.fori_loop(0, _NV, pass2, 0)

        for cp in copies:
            cp.wait()

        def pass3(v, carry3):
            lat16 = lat_v[pl.ds(v * 16, 16)]
            lon16 = lon_v[pl.ds(v * 16, 16)]
            ulat = (lat16 + 90.0) / 180.0
            ulon = (lon16 / 360.0) * 2.0
            prow = v * 16 + lane
            for li, l in enumerate(_BIG):
                r = _RES[l]
                _, ws = _level_math(ulat * r, ulon * r, r)
                rv = rows_refs[li]
                for c in range(2):
                    cc = jnp.full((16,), c, jnp.int32)
                    acc = jnp.zeros((16,), jnp.float32)
                    for n in range(4):
                        g = plsc.load_gather(rv, [n * _B + prow, cc])
                        acc = acc + ws[n] * g
                    oc = jnp.full((16,), 2 * l + c, jnp.int32)
                    plsc.store_scatter(out_v, [prow, oc], acc)
            return carry3

        lax.fori_loop(0, _NV, pass3, 0)

        pltpu.sync_copy(out_v, out_h.at[pl.ds(base, _B)])
        return carry

    lax.fori_loop(0, _NBLK, block_body, 0)


def kernel(x, param_0, param_1, param_2, param_3, param_4, param_5, param_6):
    n = x.shape[0]
    lat = jnp.pad(x[:, 0], (0, _NPAD - n))
    lon = jnp.pad(x[:, 1], (0, _NPAD - n))
    params = [param_0, param_1, param_2, param_3, param_4, param_5, param_6]
    big = [params[l].reshape(-1, 2) for l in _BIG]
    small = [params[l].reshape(-1) for l in _SMALL]

    idx_all = pl.pallas_call(
        _tc_index_kernel,
        grid=(_NROW // _TCB,),
        in_specs=[pl.BlockSpec((_TCB, _CHUNK), lambda i: (i, 0)),
                  pl.BlockSpec((_TCB, _CHUNK), lambda i: (i, 0))],
        out_specs=pl.BlockSpec((12, _TCB, _CHUNK), lambda i: (0, i, 0)),
        out_shape=jax.ShapeDtypeStruct((12, _NROW, _CHUNK), jnp.int32),
    )(lat.reshape(_NROW, _CHUNK), lon.reshape(_NROW, _CHUNK))

    mesh = plsc.VectorSubcoreMesh(core_axis_name="c", subcore_axis_name="s")
    run = pl.kernel(
        _sc_kernel,
        out_type=jax.ShapeDtypeStruct((_NPAD, _FOUT), jnp.float32),
        mesh=mesh,
        compiler_params=pltpu.CompilerParams(
            needs_layout_passes=False, use_tc_tiling_on_sc=False),
        scratch_types=(
            [pltpu.VMEM((4 * 12 * (_B // _CHUNK), _CHUNK), jnp.int32),
             pltpu.VMEM((_B,), jnp.float32),
             pltpu.VMEM((_B,), jnp.float32)]
            + [pltpu.VMEM((s.shape[0],), jnp.float32) for s in small]
            + [pltpu.VMEM((2048, 2), jnp.float32)
               for _ in range(3)]
            + [pltpu.VMEM((_B, _FOUT), jnp.float32),
               pltpu.SemaphoreType.DMA]
        ),
    )
    out = run(lat, lon, idx_all, big[0], big[1], big[2],
              small[0], small[1], small[2], small[3])
    return out[:n]

# --- scband reference (transcript-rebuilt; emitter-appended) ---
"""Pipeline reference for scband-equirec-enc-33938831573236 (READ-ONLY COPY).

The authoritative reference and input builder live on the scoring server;
editing this copy changes nothing except your own understanding.
"""

import jax, jax.numpy as jnp
import numpy as np

N_LEVELS = 7
BASE_RESOL = 720
UPSCALE = 0.5
F = 2
N_POINTS = 1000000
LEVEL_RESOLS = [int(np.floor(BASE_RESOL * (UPSCALE ** i))) for i in range(N_LEVELS)]


def setup_inputs(seed: int = 0) -> dict:
    key = jax.random.key(seed)
    keys = jax.random.split(key, 2 + N_LEVELS)
    lat = jax.random.uniform(keys[0], (N_POINTS,), minval=-90.0, maxval=90.0, dtype=jnp.float32)
    lon = jax.random.uniform(keys[1], (N_POINTS,), minval=0.0, maxval=360.0, dtype=jnp.float32)
    x = jnp.stack([lat, lon], axis=-1)
    inp = {"x": x}
    for i in range(N_LEVELS):
        r = LEVEL_RESOLS[i]
        inp[f"param_{i}"] = jax.random.uniform(
            keys[2 + i], (r + 1, 2 * r + 1, F), minval=-0.0001, maxval=0.0001, dtype=jnp.float32
        )
    return inp


def _forward(x, params):
    dx_dy = jnp.array([[0, 0], [0, 1], [1, 0], [1, 1]], dtype=jnp.int32)
    outs = []
    for i in range(N_LEVELS):
        r = LEVEL_RESOLS[i]
        p = params[i]
        lat = (x[:, 0] + 90.0) / 180.0 * r
        lon = x[:, 1] / 360.0 * 2.0 * r
        query_coord = jnp.stack([lat, lon], axis=-1)  # [N, 2]
        param_coord = jnp.floor(query_coord).astype(jnp.int32)
        neighbor = param_coord[:, None, :] + dx_dy[None, :, :]  # [N, 4, 2]
        n0 = jnp.clip(neighbor[..., 0], 0, p.shape[0] - 1)
        n1 = jnp.clip(neighbor[..., 1], 0, p.shape[1] - 1)
        neighbor_f = jnp.stack([n0, n1], axis=-1).astype(query_coord.dtype)
        dist = jnp.abs(query_coord[:, None, :] - neighbor_f)
        weight = jnp.prod(1.0 - dist, axis=-1, keepdims=True)  # [N, 4, 1]
        # east_west wrap: last lon index maps to index 0
        n1 = jnp.where(n1 == p.shape[1] - 1, 0, n1)
        # pole_singularity: collapse lon index at the poles
        n1 = jnp.where(n0 == 0, 0, n1)
        n1 = jnp.where(n0 == p.shape[0] - 1, 0, n1)
        gathered = p[n0, n1]  # [N, 4, F] gather
        outs.append(jnp.sum(weight * gathered, axis=1))  # [N, F]
    return jnp.concatenate(outs, axis=1)  # [N, N_LEVELS*F]


def reference(x, param_0, param_1, param_2, param_3, param_4, param_5, param_6):
    params = [param_0, param_1, param_2, param_3, param_4, param_5, param_6]
    return _forward(x, params)

if __name__ == "__main__":
    import jax
    _d = setup_inputs()
    print(jax.jit(kernel)(*tuple(_d.values())))

</pallas_src>

<mosaic_0001>
#map = affine_map<(d0, d1) -> (0)>
#map1 = affine_map<(d0, d1) -> (0, 0, 0)>
#map2 = affine_map<(d0, d1) -> (0, 0)>
module attributes {stable_mosaic.version = 14 : i64} {
  func.func @_sc_kernel(%arg0: i32, %arg1: i32, %arg2: memref<1015808xf32, #tpu.memory_space<hbm>>, %arg3: memref<1015808xf32, #tpu.memory_space<hbm>>, %arg4: memref<12x7936x128xi32, #tpu.memory_space<hbm>>, %arg5: memref<1038961x2xf32, #tpu.memory_space<hbm>>, %arg6: memref<260281x2xf32, #tpu.memory_space<hbm>>, %arg7: memref<65341x2xf32, #tpu.memory_space<hbm>>, %arg8: memref<32942xf32, #tpu.memory_space<hbm>>, %arg9: memref<8372xf32, #tpu.memory_space<hbm>>, %arg10: memref<2070xf32, #tpu.memory_space<hbm>>, %arg11: memref<552xf32, #tpu.memory_space<hbm>>, %arg12: memref<1015808x14xf32, #tpu.memory_space<hbm>>, %arg13: memref<48x128xi32, #tpu.memory_space<vmem>>, %arg14: memref<128xf32, #tpu.memory_space<vmem>>, %arg15: memref<128xf32, #tpu.memory_space<vmem>>, %arg16: memref<32942xf32, #tpu.memory_space<vmem>>, %arg17: memref<8372xf32, #tpu.memory_space<vmem>>, %arg18: memref<2070xf32, #tpu.memory_space<vmem>>, %arg19: memref<552xf32, #tpu.memory_space<vmem>>, %arg20: memref<2048x2xf32, #tpu.memory_space<vmem>>, %arg21: memref<2048x2xf32, #tpu.memory_space<vmem>>, %arg22: memref<2048x2xf32, #tpu.memory_space<vmem>>, %arg23: memref<128x14xf32, #tpu.memory_space<vmem>>, %arg24: memref<!tpu.dma_semaphore, #tpu.memory_space<semaphore_mem>>) attributes {dimension_semantics = [#tpu.dimension_semantics<core_parallel>, #tpu.dimension_semantics<subcore_parallel>], iteration_bounds = array<i64: 2, 16>, scalar_prefetch = 0 : i64, scratch_operands = 12 : i64, tpu.core_type = #tpu.core_type<sc_vector_subcore>, window_params = [{transform_indices = #map}, {transform_indices = #map}, {transform_indices = #map1}, {transform_indices = #map2}, {transform_indices = #map2}, {transform_indices = #map2}, {transform_indices = #map}, {transform_indices = #map}, {transform_indices = #map}, {transform_indices = #map}, {transform_indices = #map2}]} {
    %mul3A = arith.constant 2 : i32
    %mul3A_0 = arith.muli %arg1, %mul3A : i32
    %add3A = arith.addi %mul3A_0, %arg0 : i32
    %iota3A = tpu.iota {dimensions = array<i32: 0>} : vector<16xi32>
    "tpu.region"() ({
      %run_scoped3A = tpu.sem_alloc : memref<!tpu.dma_semaphore, #tpu.memory_space<semaphore_mem>>
      tpu.enqueue_dma source(%arg8 : memref<32942xf32, #tpu.memory_space<hbm>>) target(%arg16 : memref<32942xf32, #tpu.memory_space<vmem>>) target_semaphore(%run_scoped3A : memref<!tpu.dma_semaphore, #tpu.memory_space<semaphore_mem>>)
      tpu.wait_dma2 semaphore(%run_scoped3A : memref<!tpu.dma_semaphore, #tpu.memory_space<semaphore_mem>>) src(%arg8 : memref<32942xf32, #tpu.memory_space<hbm>>) dst(%arg16 : memref<32942xf32, #tpu.memory_space<vmem>>)
      tpu.yield
    }) : () -> ()
    "tpu.region"() ({
      %run_scoped3A = tpu.sem_alloc : memref<!tpu.dma_semaphore, #tpu.memory_space<semaphore_mem>>
      tpu.enqueue_dma source(%arg9 : memref<8372xf32, #tpu.memory_space<hbm>>) target(%arg17 : memref<8372xf32, #tpu.memory_space<vmem>>) target_semaphore(%run_scoped3A : memref<!tpu.dma_semaphore, #tpu.memory_space<semaphore_mem>>)
      tpu.wait_dma2 semaphore(%run_scoped3A : memref<!tpu.dma_semaphore, #tpu.memory_space<semaphore_mem>>) src(%arg9 : memref<8372xf32, #tpu.memory_space<hbm>>) dst(%arg17 : memref<8372xf32, #tpu.memory_space<vmem>>)
      tpu.yield
    }) : () -> ()
    "tpu.region"() ({
      %run_scoped3A = tpu.sem_alloc : memref<!tpu.dma_semaphore, #tpu.memory_space<semaphore_mem>>
      tpu.enqueue_dma source(%arg10 : memref<2070xf32, #tpu.memory_space<hbm>>) target(%arg18 : memref<2070xf32, #tpu.memory_space<vmem>>) target_semaphore(%run_scoped3A : memref<!tpu.dma_semaphore, #tpu.memory_space<semaphore_mem>>)
      tpu.wait_dma2 semaphore(%run_scoped3A : memref<!tpu.dma_semaphore, #tpu.memory_space<semaphore_mem>>) src(%arg10 : memref<2070xf32, #tpu.memory_space<hbm>>) dst(%arg18 : memref<2070xf32, #tpu.memory_space<vmem>>)
      tpu.yield
    }) : () -> ()
    "tpu.region"() ({
      %run_scoped3A = tpu.sem_alloc : memref<!tpu.dma_semaphore, #tpu.memory_space<semaphore_mem>>
      tpu.enqueue_dma source(%arg11 : memref<552xf32, #tpu.memory_space<hbm>>) target(%arg19 : memref<552xf32, #tpu.memory_space<vmem>>) target_semaphore(%run_scoped3A : memref<!tpu.dma_semaphore, #tpu.memory_space<semaphore_mem>>)
      tpu.wait_dma2 semaphore(%run_scoped3A : memref<!tpu.dma_semaphore, #tpu.memory_space<semaphore_mem>>) src(%arg11 : memref<552xf32, #tpu.memory_space<hbm>>) dst(%arg19 : memref<552xf32, #tpu.memory_space<vmem>>)
      tpu.yield
    }) : () -> ()
    %scan3A = arith.constant 0 : i32
    %scan3A_1 = arith.constant 0 : i32
    %scan3A_2 = arith.constant 248 : i32
    %scan3A_3 = arith.addi %scan3A_1, %scan3A_2 : i32
    %scan3A_4 = arith.constant 1 : i32
    scf.for %scan3A_6 = %scan3A_1 to %scan3A_3 step %scan3A_4  : i32 {
      %mul3A_7 = arith.constant 31744 : i32
      %mul3A_8 = arith.muli %add3A, %mul3A_7 : i32
      %mul3A_9 = arith.constant 128 : i32
      %mul3A_10 = arith.muli %scan3A_6, %mul3A_9 : i32
      %add3A_11 = arith.addi %mul3A_8, %mul3A_10 : i32
      %jit3A = arith.constant 128 : i32
      %div3A = arith.divsi %add3A_11, %jit3A : i32
      %sign3A = arith.constant 0 : i32
      %sign3A_12 = arith.cmpi sgt, %add3A_11, %sign3A : i32
      %sign3A_13 = arith.extui %sign3A_12 : i1 to i32
      %sign3A_14 = arith.constant 0 : i32
      %sign3A_15 = arith.cmpi slt, %add3A_11, %sign3A_14 : i32
      %sign3A_16 = arith.extui %sign3A_15 : i1 to i32
      %sign3A_17 = arith.subi %sign3A_13, %sign3A_16 : i32
      %sign3A_18 = arith.constant 0 : i32
      %sign3A_19 = arith.cmpi sgt, %jit3A, %sign3A_18 : i32
      %sign3A_20 = arith.extui %sign3A_19 : i1 to i32
      %sign3A_21 = arith.constant 0 : i32
      %sign3A_22 = arith.cmpi slt, %jit3A, %sign3A_21 : i32
      %sign3A_23 = arith.extui %sign3A_22 : i1 to i32
      %sign3A_24 = arith.subi %sign3A_20, %sign3A_23 : i32
      %ne3A = arith.cmpi ne, %sign3A_17, %sign3A_24 : i32
      %rem3A = arith.remsi %add3A_11, %jit3A : i32
      %ne3A_25 = arith.constant 0 : i32
      %ne3A_26 = arith.cmpi ne, %rem3A, %ne3A_25 : i32
      %and3A = arith.andi %ne3A, %ne3A_26 : i1
      %sub3A = arith.constant 1 : i32
      %sub3A_27 = arith.subi %div3A, %sub3A : i32
      %select_n3A = arith.select %and3A, %sub3A_27, %div3A : i32
      %dma_start3A = tpu.memref_slice %arg2[%add3A_11] : memref<1015808xf32, #tpu.memory_space<hbm>> -> memref<128xf32, #tpu.memory_space<hbm>>
      %dma_start3A_28 = tpu.memref_slice %arg2[%add3A_11] : memref<1015808xf32, #tpu.memory_space<hbm>> -> memref<128xf32, #tpu.memory_space<hbm>>
      tpu.enqueue_dma source(%dma_start3A_28 : memref<128xf32, #tpu.memory_space<hbm>>) target(%arg14 : memref<128xf32, #tpu.memory_space<vmem>>) target_semaphore(%arg24 : memref<!tpu.dma_semaphore, #tpu.memory_space<semaphore_mem>>)
      %dma_start3A_29 = tpu.memref_slice %arg3[%add3A_11] : memref<1015808xf32, #tpu.memory_space<hbm>> -> memref<128xf32, #tpu.memory_space<hbm>>
      %dma_start3A_30 = tpu.memref_slice %arg3[%add3A_11] : memref<1015808xf32, #tpu.memory_space<hbm>> -> memref<128xf32, #tpu.memory_space<hbm>>
      tpu.enqueue_dma source(%dma_start3A_30 : memref<128xf32, #tpu.memory_space<hbm>>) target(%arg15 : memref<128xf32, #tpu.memory_space<vmem>>) target_semaphore(%arg24 : memref<!tpu.dma_semaphore, #tpu.memory_space<semaphore_mem>>)
      %add3A_31 = arith.constant 0 : i32
      %add3A_32 = arith.addi %select_n3A, %add3A_31 : i32
      %dma_start3A_33 = arith.constant 0 : i32
      %dma_start3A_34 = arith.constant 0 : i32
      %dma_start3A_35 = arith.constant 0 : i32
      %dma_start3A_36 = tpu.memref_slice %arg13[%dma_start3A_34, %dma_start3A_35] : memref<48x128xi32, #tpu.memory_space<vmem>> -> memref<1x128xi32, #tpu.memory_space<vmem>>
      %dma_start3A_37 = tpu.memref_squeeze %dma_start3A_36 : memref<1x128xi32, #tpu.memory_space<vmem>> -> memref<128xi32, #tpu.memory_space<vmem>>
      %dma_start3A_38 = arith.constant 0 : i32
      %dma_start3A_39 = tpu.memref_slice %arg4[%dma_start3A_33, %add3A_32, %dma_start3A_38] : memref<12x7936x128xi32, #tpu.memory_space<hbm>> -> memref<1x1x128xi32, #tpu.memory_space<hbm>>
      %dma_start3A_40 = tpu.memref_squeeze %dma_start3A_39 : memref<1x1x128xi32, #tpu.memory_space<hbm>> -> memref<128xi32, #tpu.memory_space<hbm>>
      %dma_start3A_41 = arith.constant 0 : i32
      %dma_start3A_42 = tpu.memref_slice %arg13[%dma_start3A_34, %dma_start3A_41] : memref<48x128xi32, #tpu.memory_space<vmem>> -> memref<1x128xi32, #tpu.memory_space<vmem>>
      %dma_start3A_43 = tpu.memref_squeeze %dma_start3A_42 : memref<1x128xi32, #tpu.memory_space<vmem>> -> memref<128xi32, #tpu.memory_space<vmem>>
      %dma_start3A_44 = arith.constant 0 : i32
      %dma_start3A_45 = tpu.memref_slice %arg4[%dma_start3A_33, %add3A_32, %dma_start3A_44] : memref<12x7936x128xi32, #tpu.memory_space<hbm>> -> memref<1x1x128xi32, #tpu.memory_space<hbm>>
      %dma_start3A_46 = tpu.memref_squeeze %dma_start3A_45 : memref<1x1x128xi32, #tpu.memory_space<hbm>> -> memref<128xi32, #tpu.memory_space<hbm>>
      tpu.enqueue_dma source(%dma_start3A_46 : memref<128xi32, #tpu.memory_space<hbm>>) target(%dma_start3A_43 : memref<128xi32, #tpu.memory_space<vmem>>) target_semaphore(%arg24 : memref<!tpu.dma_semaphore, #tpu.memory_space<semaphore_mem>>)
      %add3A_47 = arith.constant 0 : i32
      %add3A_48 = arith.addi %select_n3A, %add3A_47 : i32
      %dma_start3A_49 = arith.constant 1 : i32
      %dma_start3A_50 = arith.constant 1 : i32
      %dma_start3A_51 = arith.constant 0 : i32
      %dma_start3A_52 = tpu.memref_slice %arg13[%dma_start3A_50, %dma_start3A_51] : memref<48x128xi32, #tpu.memory_space<vmem>> -> memref<1x128xi32, #tpu.memory_space<vmem>>
      %dma_start3A_53 = tpu.memref_squeeze %dma_start3A_52 : memref<1x128xi32, #tpu.memory_space<vmem>> -> memref<128xi32, #tpu.memory_space<vmem>>
      %dma_start3A_54 = arith.constant 0 : i32
      %dma_start3A_55 = tpu.memref_slice %arg4[%dma_start3A_49, %add3A_48, %dma_start3A_54] : memref<12x7936x128xi32, #tpu.memory_space<hbm>> -> memref<1x1x128xi32, #tpu.memory_space<hbm>>
      %dma_start3A_56 = tpu.memref_squeeze %dma_start3A_55 : memref<1x1x128xi32, #tpu.memory_space<hbm>> -> memref<128xi32, #tpu.memory_space<hbm>>
      %dma_start3A_57 = arith.constant 0 : i32
      %dma_start3A_58 = tpu.memref_slice %arg13[%dma_start3A_50, %dma_start3A_57] : memref<48x128xi32, #tpu.memory_space<vmem>> -> memref<1x128xi32, #tpu.memory_space<vmem>>
      %dma_start3A_59 = tpu.memref_squeeze %dma_start3A_58 : memref<1x128xi32, #tpu.memory_space<vmem>> -> memref<128xi32, #tpu.memory_space<vmem>>
      %dma_start3A_60 = arith.constant 0 : i32
      %dma_start3A_61 = tpu.memref_slice %arg4[%dma_start3A_49, %add3A_48, %dma_start3A_60] : memref<12x7936x128xi32, #tpu.memory_space<hbm>> -> memref<1x1x128xi32, #tpu.memory_space<hbm>>
      %dma_start3A_62 = tpu.memref_squeeze %dma_start3A_61 : memref<1x1x128xi32, #tpu.memory_space<hbm>> -> memref<128xi32, #tpu.memory_space<hbm>>
      tpu.enqueue_dma source(%dma_start3A_62 : memref<128xi32, #tpu.memory_space<hbm>>) target(%dma_start3A_59 : memref<128xi32, #tpu.memory_space<vmem>>) target_semaphore(%arg24 : memref<!tpu.dma_semaphore, #tpu.memory_space<semaphore_mem>>)
      %add3A_63 = arith.constant 0 : i32
      %add3A_64 = arith.addi %select_n3A, %add3A_63 : i32
      %dma_start3A_65 = arith.constant 2 : i32
      %dma_start3A_66 = arith.constant 2 : i32
      %dma_start3A_67 = arith.constant 0 : i32
      %dma_start3A_68 = tpu.memref_slice %arg13[%dma_start3A_66, %dma_start3A_67] : memref<48x128xi32, #tpu.memory_space<vmem>> -> memref<1x128xi32, #tpu.memory_space<vmem>>
      %dma_start3A_69 = tpu.memref_squeeze %dma_start3A_68 : memref<1x128xi32, #tpu.memory_space<vmem>> -> memref<128xi32, #tpu.memory_space<vmem>>
      %dma_start3A_70 = arith.constant 0 : i32
      %dma_start3A_71 = tpu.memref_slice %arg4[%dma_start3A_65, %add3A_64, %dma_start3A_70] : memref<12x7936x128xi32, #tpu.memory_space<hbm>> -> memref<1x1x128xi32, #tpu.memory_space<hbm>>
      %dma_start3A_72 = tpu.memref_squeeze %dma_start3A_71 : memref<1x1x128xi32, #tpu.memory_space<hbm>> -> memref<128xi32, #tpu.memory_space<hbm>>
      %dma_start3A_73 = arith.constant 0 : i32
      %dma_start3A_74 = tpu.memref_slice %arg13[%dma_start3A_66, %dma_start3A_73] : memref<48x128xi32, #tpu.memory_space<vmem>> -> memref<1x128xi32, #tpu.memory_space<vmem>>
      %dma_start3A_75 = tpu.memref_squeeze %dma_start3A_74 : memref<1x128xi32, #tpu.memory_space<vmem>> -> memref<128xi32, #tpu.memory_space<vmem>>
      %dma_start3A_76 = arith.constant 0 : i32
      %dma_start3A_77 = tpu.memref_slice %arg4[%dma_start3A_65, %add3A_64, %dma_start3A_76] : memref<12x7936x128xi32, #tpu.memory_space<hbm>> -> memref<1x1x128xi32, #tpu.memory_space<hbm>>
      %dma_start3A_78 = tpu.memref_squeeze %dma_start3A_77 : memref<1x1x128xi32, #tpu.memory_space<hbm>> -> memref<128xi32, #tpu.memory_space<hbm>>
      tpu.enqueue_dma source(%dma_start3A_78 : memref<128xi32, #tpu.memory_space<hbm>>) target(%dma_start3A_75 : memref<128xi32, #tpu.memory_space<vmem>>) target_semaphore(%arg24 : memref<!tpu.dma_semaphore, #tpu.memory_space<semaphore_mem>>)
      %add3A_79 = arith.constant 0 : i32
      %add3A_80 = arith.addi %select_n3A, %add3A_79 : i32
      %dma_start3A_81 = arith.constant 3 : i32
      %dma_start3A_82 = arith.constant 3 : i32
      %dma_start3A_83 = arith.constant 0 : i32
      %dma_start3A_84 = tpu.memref_slice %arg13[%dma_start3A_82, %dma_start3A_83] : memref<48x128xi32, #tpu.memory_space<vmem>> -> memref<1x128xi32, #tpu.memory_space<vmem>>
      %dma_start3A_85 = tpu.memref_squeeze %dma_start3A_84 : memref<1x128xi32, #tpu.memory_space<vmem>> -> memref<128xi32, #tpu.memory_space<vmem>>
      %dma_start3A_86 = arith.constant 0 : i32
      %dma_start3A_87 = tpu.memref_slice %arg4[%dma_start3A_81, %add3A_80, %dma_start3A_86] : memref<12x7936x128xi32, #tpu.memory_space<hbm>> -> memref<1x1x128xi32, #tpu.memory_space<hbm>>
      %dma_start3A_88 = tpu.memref_squeeze %dma_start3A_87 : memref<1x1x128xi32, #tpu.memory_space<hbm>> -> memref<128xi32, #tpu.memory_space<hbm>>
      %dma_start3A_89 = arith.constant 0 : i32
      %dma_start3A_90 = tpu.memref_slice %arg13[%dma_start3A_82, %dma_start3A_89] : memref<48x128xi32, #tpu.memory_space<vmem>> -> memref<1x128xi32, #tpu.memory_space<vmem>>
      %dma_start3A_91 = tpu.memref_squeeze %dma_start3A_90 : memref<1x128xi32, #tpu.memory_space<vmem>> -> memref<128xi32, #tpu.memory_space<vmem>>
      %dma_start3A_92 = arith.constant 0 : i32
      %dma_start3A_93 = tpu.memref_slice %arg4[%dma_start3A_81, %add3A_80, %dma_start3A_92] : memref<12x7936x128xi32, #tpu.memory_space<hbm>> -> memref<1x1x128xi32, #tpu.memory_space<hbm>>
      %dma_start3A_94 = tpu.memref_squeeze %dma_start3A_93 : memref<1x1x128xi32, #tpu.memory_space<hbm>> -> memref<128xi32, #tpu.memory_space<hbm>>
      tpu.enqueue_dma source(%dma_start3A_94 : memref<128xi32, #tpu.memory_space<hbm>>) target(%dma_start3A_91 : memref<128xi32, #tpu.memory_space<vmem>>) target_semaphore(%arg24 : memref<!tpu.dma_semaphore, #tpu.memory_space<semaphore_mem>>)
      %add3A_95 = arith.constant 0 : i32
      %add3A_96 = arith.addi %select_n3A, %add3A_95 : i32
      %dma_start3A_97 = arith.constant 4 : i32
      %dma_start3A_98 = arith.constant 4 : i32
      %dma_start3A_99 = arith.constant 0 : i32
      %dma_start3A_100 = tpu.memref_slice %arg13[%dma_start3A_98, %dma_start3A_99] : memref<48x128xi32, #tpu.memory_space<vmem>> -> memref<1x128xi32, #tpu.memory_space<vmem>>
      %dma_start3A_101 = tpu.memref_squeeze %dma_start3A_100 : memref<1x128xi32, #tpu.memory_space<vmem>> -> memref<128xi32, #tpu.memory_space<vmem>>
      %dma_start3A_102 = arith.constant 0 : i32
      %dma_start3A_103 = tpu.memref_slice %arg4[%dma_start3A_97, %add3A_96, %dma_start3A_102] : memref<12x7936x128xi32, #tpu.memory_space<hbm>> -> memref<1x1x128xi32, #tpu.memory_space<hbm>>
      %dma_start3A_104 = tpu.memref_squeeze %dma_start3A_103 : memref<1x1x128xi32, #tpu.memory_space<hbm>> -> memref<128xi32, #tpu.memory_space<hbm>>
      %dma_start3A_105 = arith.constant 0 : i32
      %dma_start3A_106 = tpu.memref_slice %arg13[%dma_start3A_98, %dma_start3A_105] : memref<48x128xi32, #tpu.memory_space<vmem>> -> memref<1x128xi32, #tpu.memory_space<vmem>>
      %dma_start3A_107 = tpu.memref_squeeze %dma_start3A_106 : memref<1x128xi32, #tpu.memory_space<vmem>> -> memref<128xi32, #tpu.memory_space<vmem>>
      %dma_start3A_108 = arith.constant 0 : i32
      %dma_start3A_109 = tpu.memref_slice %arg4[%dma_start3A_97, %add3A_96, %dma_start3A_108] : memref<12x7936x128xi32, #tpu.memory_space<hbm>> -> memref<1x1x128xi32, #tpu.memory_space<hbm>>
      %dma_start3A_110 = tpu.memref_squeeze %dma_start3A_109 : memref<1x1x128xi32, #tpu.memory_space<hbm>> -> memref<128xi32, #tpu.memory_space<hbm>>
      tpu.enqueue_dma source(%dma_start3A_110 : memref<128xi32, #tpu.memory_space<hbm>>) target(%dma_start3A_107 : memref<128xi32, #tpu.memory_space<vmem>>) target_semaphore(%arg24 : memref<!tpu.dma_semaphore, #tpu.memory_space<semaphore_mem>>)
      %add3A_111 = arith.constant 0 : i32
      %add3A_112 = arith.addi %select_n3A, %add3A_111 : i32
      %dma_start3A_113 = arith.constant 5 : i32
      %dma_start3A_114 = arith.constant 5 : i32
      %dma_start3A_115 = arith.constant 0 : i32
      %dma_start3A_116 = tpu.memref_slice %arg13[%dma_start3A_114, %dma_start3A_115] : memref<48x128xi32, #tpu.memory_space<vmem>> -> memref<1x128xi32, #tpu.memory_space<vmem>>
      %dma_start3A_117 = tpu.memref_squeeze %dma_start3A_116 : memref<1x128xi32, #tpu.memory_space<vmem>> -> memref<128xi32, #tpu.memory_space<vmem>>
      %dma_start3A_118 = arith.constant 0 : i32
      %dma_start3A_119 = tpu.memref_slice %arg4[%dma_start3A_113, %add3A_112, %dma_start3A_118] : memref<12x7936x128xi32, #tpu.memory_space<hbm>> -> memref<1x1x128xi32, #tpu.memory_space<hbm>>
      %dma_start3A_120 = tpu.memref_squeeze %dma_start3A_119 : memref<1x1x128xi32, #tpu.memory_space<hbm>> -> memref<128xi32, #tpu.memory_space<hbm>>
      %dma_start3A_121 = arith.constant 0 : i32
      %dma_start3A_122 = tpu.memref_slice %arg13[%dma_start3A_114, %dma_start3A_121] : memref<48x128xi32, #tpu.memory_space<vmem>> -> memref<1x128xi32, #tpu.memory_space<vmem>>
      %dma_start3A_123 = tpu.memref_squeeze %dma_start3A_122 : memref<1x128xi32, #tpu.memory_space<vmem>> -> memref<128xi32, #tpu.memory_space<vmem>>
      %dma_start3A_124 = arith.constant 0 : i32
      %dma_start3A_125 = tpu.memref_slice %arg4[%dma_start3A_113, %add3A_112, %dma_start3A_124] : memref<12x7936x128xi32, #tpu.memory_space<hbm>> -> memref<1x1x128xi32, #tpu.memory_space<hbm>>
      %dma_start3A_126 = tpu.memref_squeeze %dma_start3A_125 : memref<1x1x128xi32, #tpu.memory_space<hbm>> -> memref<128xi32, #tpu.memory_space<hbm>>
      tpu.enqueue_dma source(%dma_start3A_126 : memref<128xi32, #tpu.memory_space<hbm>>) target(%dma_start3A_123 : memref<128xi32, #tpu.memory_space<vmem>>) target_semaphore(%arg24 : memref<!tpu.dma_semaphore, #tpu.memory_space<semaphore_mem>>)
      %add3A_127 = arith.constant 0 : i32
      %add3A_128 = arith.addi %select_n3A, %add3A_127 : i32
      %dma_start3A_129 = arith.constant 6 : i32
      %dma_start3A_130 = arith.constant 6 : i32
      %dma_start3A_131 = arith.constant 0 : i32
      %dma_start3A_132 = tpu.memref_slice %arg13[%dma_start3A_130, %dma_start3A_131] : memref<48x128xi32, #tpu.memory_space<vmem>> -> memref<1x128xi32, #tpu.memory_space<vmem>>
      %dma_start3A_133 = tpu.memref_squeeze %dma_start3A_132 : memref<1x128xi32, #tpu.memory_space<vmem>> -> memref<128xi32, #tpu.memory_space<vmem>>
      %dma_start3A_134 = arith.constant 0 : i32
      %dma_start3A_135 = tpu.memref_slice %arg4[%dma_start3A_129, %add3A_128, %dma_start3A_134] : memref<12x7936x128xi32, #tpu.memory_space<hbm>> -> memref<1x1x128xi32, #tpu.memory_space<hbm>>
      %dma_start3A_136 = tpu.memref_squeeze %dma_start3A_135 : memref<1x1x128xi32, #tpu.memory_space<hbm>> -> memref<128xi32, #tpu.memory_space<hbm>>
      %dma_start3A_137 = arith.constant 0 : i32
      %dma_start3A_138 = tpu.memref_slice %arg13[%dma_start3A_130, %dma_start3A_137] : memref<48x128xi32, #tpu.memory_space<vmem>> -> memref<1x128xi32, #tpu.memory_space<vmem>>
      %dma_start3A_139 = tpu.memref_squeeze %dma_start3A_138 : memref<1x128xi32, #tpu.memory_space<vmem>> -> memref<128xi32, #tpu.memory_space<vmem>>
      %dma_start3A_140 = arith.constant 0 : i32
      %dma_start3A_141 = tpu.memref_slice %arg4[%dma_start3A_129, %add3A_128, %dma_start3A_140] : memref<12x7936x128xi32, #tpu.memory_space<hbm>> -> memref<1x1x128xi32, #tpu.memory_space<hbm>>
      %dma_start3A_142 = tpu.memref_squeeze %dma_start3A_141 : memref<1x1x128xi32, #tpu.memory_space<hbm>> -> memref<128xi32, #tpu.memory_space<hbm>>
      tpu.enqueue_dma source(%dma_start3A_142 : memref<128xi32, #tpu.memory_space<hbm>>) target(%dma_start3A_139 : memref<128xi32, #tpu.memory_space<vmem>>) target_semaphore(%arg24 : memref<!tpu.dma_semaphore, #tpu.memory_space<semaphore_mem>>)
      %add3A_143 = arith.constant 0 : i32
      %add3A_144 = arith.addi %select_n3A, %add3A_143 : i32
      %dma_start3A_145 = arith.constant 7 : i32
      %dma_start3A_146 = arith.constant 7 : i32
      %dma_start3A_147 = arith.constant 0 : i32
      %dma_start3A_148 = tpu.memref_slice %arg13[%dma_start3A_146, %dma_start3A_147] : memref<48x128xi32, #tpu.memory_space<vmem>> -> memref<1x128xi32, #tpu.memory_space<vmem>>
      %dma_start3A_149 = tpu.memref_squeeze %dma_start3A_148 : memref<1x128xi32, #tpu.memory_space<vmem>> -> memref<128xi32, #tpu.memory_space<vmem>>
      %dma_start3A_150 = arith.constant 0 : i32
      %dma_start3A_151 = tpu.memref_slice %arg4[%dma_start3A_145, %add3A_144, %dma_start3A_150] : memref<12x7936x128xi32, #tpu.memory_space<hbm>> -> memref<1x1x128xi32, #tpu.memory_space<hbm>>
      %dma_start3A_152 = tpu.memref_squeeze %dma_start3A_151 : memref<1x1x128xi32, #tpu.memory_space<hbm>> -> memref<128xi32, #tpu.memory_space<hbm>>
      %dma_start3A_153 = arith.constant 0 : i32
      %dma_start3A_154 = tpu.memref_slice %arg13[%dma_start3A_146, %dma_start3A_153] : memref<48x128xi32, #tpu.memory_space<vmem>> -> memref<1x128xi32, #tpu.memory_space<vmem>>
      %dma_start3A_155 = tpu.memref_squeeze %dma_start3A_154 : memref<1x128xi32, #tpu.memory_space<vmem>> -> memref<128xi32, #tpu.memory_space<vmem>>
      %dma_start3A_156 = arith.constant 0 : i32
      %dma_start3A_157 = tpu.memref_slice %arg4[%dma_start3A_145, %add3A_144, %dma_start3A_156] : memref<12x7936x128xi32, #tpu.memory_space<hbm>> -> memref<1x1x128xi32, #tpu.memory_space<hbm>>
      %dma_start3A_158 = tpu.memref_squeeze %dma_start3A_157 : memref<1x1x128xi32, #tpu.memory_space<hbm>> -> memref<128xi32, #tpu.memory_space<hbm>>
      tpu.enqueue_dma source(%dma_start3A_158 : memref<128xi32, #tpu.memory_space<hbm>>) target(%dma_start3A_155 : memref<128xi32, #tpu.memory_space<vmem>>) target_semaphore(%arg24 : memref<!tpu.dma_semaphore, #tpu.memory_space<semaphore_mem>>)
      %add3A_159 = arith.constant 0 : i32
      %add3A_160 = arith.addi %select_n3A, %add3A_159 : i32
      %dma_start3A_161 = arith.constant 8 : i32
      %dma_start3A_162 = arith.constant 8 : i32
      %dma_start3A_163 = arith.constant 0 : i32
      %dma_start3A_164 = tpu.memref_slice %arg13[%dma_start3A_162, %dma_start3A_163] : memref<48x128xi32, #tpu.memory_space<vmem>> -> memref<1x128xi32, #tpu.memory_space<vmem>>
      %dma_start3A_165 = tpu.memref_squeeze %dma_start3A_164 : memref<1x128xi32, #tpu.memory_space<vmem>> -> memref<128xi32, #tpu.memory_space<vmem>>
      %dma_start3A_166 = arith.constant 0 : i32
      %dma_start3A_167 = tpu.memref_slice %arg4[%dma_start3A_161, %add3A_160, %dma_start3A_166] : memref<12x7936x128xi32, #tpu.memory_space<hbm>> -> memref<1x1x128xi32, #tpu.memory_space<hbm>>
      %dma_start3A_168 = tpu.memref_squeeze %dma_start3A_167 : memref<1x1x128xi32, #tpu.memory_space<hbm>> -> memref<128xi32, #tpu.memory_space<hbm>>
      %dma_start3A_169 = arith.constant 0 : i32
      %dma_start3A_170 = tpu.memref_slice %arg13[%dma_start3A_162, %dma_start3A_169] : memref<48x128xi32, #tpu.memory_space<vmem>> -> memref<1x128xi32, #tpu.memory_space<vmem>>
      %dma_start3A_171 = tpu.memref_squeeze %dma_start3A_170 : memref<1x128xi32, #tpu.memory_space<vmem>> -> memref<128xi32, #tpu.memory_space<vmem>>
      %dma_start3A_172 = arith.constant 0 : i32
      %dma_start3A_173 = tpu.memref_slice %arg4[%dma_start3A_161, %add3A_160, %dma_start3A_172] : memref<12x7936x128xi32, #tpu.memory_space<hbm>> -> memref<1x1x128xi32, #tpu.memory_space<hbm>>
      %dma_start3A_174 = tpu.memref_squeeze %dma_start3A_173 : memref<1x1x128xi32, #tpu.memory_space<hbm>> -> memref<128xi32, #tpu.memory_space<hbm>>
      tpu.enqueue_dma source(%dma_start3A_174 : memref<128xi32, #tpu.memory_space<hbm>>) target(%dma_start3A_171 : memref<128xi32, #tpu.memory_space<vmem>>) target_semaphore(%arg24 : memref<!tpu.dma_semaphore, #tpu.memory_space<semaphore_mem>>)
      %add3A_175 = arith.constant 0 : i32
      %add3A_176 = arith.addi %select_n3A, %add3A_175 : i32
      %dma_start3A_177 = arith.constant 9 : i32
      %dma_start3A_178 = arith.constant 9 : i32
      %dma_start3A_179 = arith.constant 0 : i32
      %dma_start3A_180 = tpu.memref_slice %arg13[%dma_start3A_178, %dma_start3A_179] : memref<48x128xi32, #tpu.memory_space<vmem>> -> memref<1x128xi32, #tpu.memory_space<vmem>>
      %dma_start3A_181 = tpu.memref_squeeze %dma_start3A_180 : memref<1x128xi32, #tpu.memory_space<vmem>> -> memref<128xi32, #tpu.memory_space<vmem>>
      %dma_start3A_182 = arith.constant 0 : i32
      %dma_start3A_183 = tpu.memref_slice %arg4[%dma_start3A_177, %add3A_176, %dma_start3A_182] : memref<12x7936x128xi32, #tpu.memory_space<hbm>> -> memref<1x1x128xi32, #tpu.memory_space<hbm>>
      %dma_start3A_184 = tpu.memref_squeeze %dma_start3A_183 : memref<1x1x128xi32, #tpu.memory_space<hbm>> -> memref<128xi32, #tpu.memory_space<hbm>>
      %dma_start3A_185 = arith.constant 0 : i32
      %dma_start3A_186 = tpu.memref_slice %arg13[%dma_start3A_178, %dma_start3A_185] : memref<48x128xi32, #tpu.memory_space<vmem>> -> memref<1x128xi32, #tpu.memory_space<vmem>>
      %dma_start3A_187 = tpu.memref_squeeze %dma_start3A_186 : memref<1x128xi32, #tpu.memory_space<vmem>> -> memref<128xi32, #tpu.memory_space<vmem>>
      %dma_start3A_188 = arith.constant 0 : i32
      %dma_start3A_189 = tpu.memref_slice %arg4[%dma_start3A_177, %add3A_176, %dma_start3A_188] : memref<12x7936x128xi32, #tpu.memory_space<hbm>> -> memref<1x1x128xi32, #tpu.memory_space<hbm>>
      %dma_start3A_190 = tpu.memref_squeeze %dma_start3A_189 : memref<1x1x128xi32, #tpu.memory_space<hbm>> -> memref<128xi32, #tpu.memory_space<hbm>>
      tpu.enqueue_dma source(%dma_start3A_190 : memref<128xi32, #tpu.memory_space<hbm>>) target(%dma_start3A_187 : memref<128xi32, #tpu.memory_space<vmem>>) target_semaphore(%arg24 : memref<!tpu.dma_semaphore, #tpu.memory_space<semaphore_mem>>)
      %add3A_191 = arith.constant 0 : i32
      %add3A_192 = arith.addi %select_n3A, %add3A_191 : i32
      %dma_start3A_193 = arith.constant 10 : i32
      %dma_start3A_194 = arith.constant 10 : i32
      %dma_start3A_195 = arith.constant 0 : i32
      %dma_start3A_196 = tpu.memref_slice %arg13[%dma_start3A_194, %dma_start3A_195] : memref<48x128xi32, #tpu.memory_space<vmem>> -> memref<1x128xi32, #tpu.memory_space<vmem>>
      %dma_start3A_197 = tpu.memref_squeeze %dma_start3A_196 : memref<1x128xi32, #tpu.memory_space<vmem>> -> memref<128xi32, #tpu.memory_space<vmem>>
      %dma_start3A_198 = arith.constant 0 : i32
      %dma_start3A_199 = tpu.memref_slice %arg4[%dma_start3A_193, %add3A_192, %dma_start3A_198] : memref<12x7936x128xi32, #tpu.memory_space<hbm>> -> memref<1x1x128xi32, #tpu.memory_space<hbm>>
      %dma_start3A_200 = tpu.memref_squeeze %dma_start3A_199 : memref<1x1x128xi32, #tpu.memory_space<hbm>> -> memref<128xi32, #tpu.memory_space<hbm>>
      %dma_start3A_201 = arith.constant 0 : i32
      %dma_start3A_202 = tpu.memref_slice %arg13[%dma_start3A_194, %dma_start3A_201] : memref<48x128xi32, #tpu.memory_space<vmem>> -> memref<1x128xi32, #tpu.memory_space<vmem>>
      %dma_start3A_203 = tpu.memref_squeeze %dma_start3A_202 : memref<1x128xi32, #tpu.memory_space<vmem>> -> memref<128xi32, #tpu.memory_space<vmem>>
      %dma_start3A_204 = arith.constant 0 : i32
      %dma_start3A_205 = tpu.memref_slice %arg4[%dma_start3A_193, %add3A_192, %dma_start3A_204] : memref<12x7936x128xi32, #tpu.memory_space<hbm>> -> memref<1x1x128xi32, #tpu.memory_space<hbm>>
      %dma_start3A_206 = tpu.memref_squeeze %dma_start3A_205 : memref<1x1x128xi32, #tpu.memory_space<hbm>> -> memref<128xi32, #tpu.memory_space<hbm>>
      tpu.enqueue_dma source(%dma_start3A_206 : memref<128xi32, #tpu.memory_space<hbm>>) target(%dma_start3A_203 : memref<128xi32, #tpu.memory_space<vmem>>) target_semaphore(%arg24 : memref<!tpu.dma_semaphore, #tpu.memory_space<semaphore_mem>>)
      %add3A_207 = arith.constant 0 : i32
      %add3A_208 = arith.addi %select_n3A, %add3A_207 : i32
      %dma_start3A_209 = arith.constant 11 : i32
      %dma_start3A_210 = arith.constant 11 : i32
      %dma_start3A_211 = arith.constant 0 : i32
      %dma_start3A_212 = tpu.memref_slice %arg13[%dma_start3A_210, %dma_start3A_211] : memref<48x128xi32, #tpu.memory_space<vmem>> -> memref<1x128xi32, #tpu.memory_space<vmem>>
      %dma_start3A_213 = tpu.memref_squeeze %dma_start3A_212 : memref<1x128xi32, #tpu.memory_space<vmem>> -> memref<128xi32, #tpu.memory_space<vmem>>
      %dma_start3A_214 = arith.constant 0 : i32
      %dma_start3A_215 = tpu.memref_slice %arg4[%dma_start3A_209, %add3A_208, %dma_start3A_214] : memref<12x7936x128xi32, #tpu.memory_space<hbm>> -> memref<1x1x128xi32, #tpu.memory_space<hbm>>
      %dma_start3A_216 = tpu.memref_squeeze %dma_start3A_215 : memref<1x1x128xi32, #tpu.memory_space<hbm>> -> memref<128xi32, #tpu.memory_space<hbm>>
      %dma_start3A_217 = arith.constant 0 : i32
      %dma_start3A_218 = tpu.memref_slice %arg13[%dma_start3A_210, %dma_start3A_217] : memref<48x128xi32, #tpu.memory_space<vmem>> -> memref<1x128xi32, #tpu.memory_space<vmem>>
      %dma_start3A_219 = tpu.memref_squeeze %dma_start3A_218 : memref<1x128xi32, #tpu.memory_space<vmem>> -> memref<128xi32, #tpu.memory_space<vmem>>
      %dma_start3A_220 = arith.constant 0 : i32
      %dma_start3A_221 = tpu.memref_slice %arg4[%dma_start3A_209, %add3A_208, %dma_start3A_220] : memref<12x7936x128xi32, #tpu.memory_space<hbm>> -> memref<1x1x128xi32, #tpu.memory_space<hbm>>
      %dma_start3A_222 = tpu.memref_squeeze %dma_start3A_221 : memref<1x1x128xi32, #tpu.memory_space<hbm>> -> memref<128xi32, #tpu.memory_space<hbm>>
      tpu.enqueue_dma source(%dma_start3A_222 : memref<128xi32, #tpu.memory_space<hbm>>) target(%dma_start3A_219 : memref<128xi32, #tpu.memory_space<vmem>>) target_semaphore(%arg24 : memref<!tpu.dma_semaphore, #tpu.memory_space<semaphore_mem>>)
      %dma_wait3A = tpu.memref_slice %arg2[%add3A_11] : memref<1015808xf32, #tpu.memory_space<hbm>> -> memref<128xf32, #tpu.memory_space<hbm>>
      %dma_wait3A_223 = tpu.memref_slice %arg2[%add3A_11] : memref<1015808xf32, #tpu.memory_space<hbm>> -> memref<128xf32, #tpu.memory_space<hbm>>
      tpu.wait_dma2 semaphore(%arg24 : memref<!tpu.dma_semaphore, #tpu.memory_space<semaphore_mem>>) src(%dma_wait3A_223 : memref<128xf32, #tpu.memory_space<hbm>>) dst(%arg14 : memref<128xf32, #tpu.memory_space<vmem>>)
      %dma_wait3A_224 = tpu.memref_slice %arg3[%add3A_11] : memref<1015808xf32, #tpu.memory_space<hbm>> -> memref<128xf32, #tpu.memory_space<hbm>>
      %dma_wait3A_225 = tpu.memref_slice %arg3[%add3A_11] : memref<1015808xf32, #tpu.memory_space<hbm>> -> memref<128xf32, #tpu.memory_space<hbm>>
      tpu.wait_dma2 semaphore(%arg24 : memref<!tpu.dma_semaphore, #tpu.memory_space<semaphore_mem>>) src(%dma_wait3A_225 : memref<128xf32, #tpu.memory_space<hbm>>) dst(%arg15 : memref<128xf32, #tpu.memory_space<vmem>>)
      %dma_wait3A_226 = arith.constant 0 : i32
      %dma_wait3A_227 = arith.constant 0 : i32
      %dma_wait3A_228 = arith.constant 0 : i32
      %dma_wait3A_229 = tpu.memref_slice %arg13[%dma_wait3A_227, %dma_wait3A_228] : memref<48x128xi32, #tpu.memory_space<vmem>> -> memref<1x128xi32, #tpu.memory_space<vmem>>
      %dma_wait3A_230 = tpu.memref_squeeze %dma_wait3A_229 : memref<1x128xi32, #tpu.memory_space<vmem>> -> memref<128xi32, #tpu.memory_space<vmem>>
      %dma_wait3A_231 = arith.constant 0 : i32
      %dma_wait3A_232 = tpu.memref_slice %arg4[%dma_wait3A_226, %add3A_32, %dma_wait3A_231] : memref<12x7936x128xi32, #tpu.memory_space<hbm>> -> memref<1x1x128xi32, #tpu.memory_space<hbm>>
      %dma_wait3A_233 = tpu.memref_squeeze %dma_wait3A_232 : memref<1x1x128xi32, #tpu.memory_space<hbm>> -> memref<128xi32, #tpu.memory_space<hbm>>
      %dma_wait3A_234 = arith.constant 0 : i32
      %dma_wait3A_235 = tpu.memref_slice %arg13[%dma_wait3A_227, %dma_wait3A_234] : memref<48x128xi32, #tpu.memory_space<vmem>> -> memref<1x128xi32, #tpu.memory_space<vmem>>
      %dma_wait3A_236 = tpu.memref_squeeze %dma_wait3A_235 : memref<1x128xi32, #tpu.memory_space<vmem>> -> memref<128xi32, #tpu.memory_space<vmem>>
      %dma_wait3A_237 = arith.constant 0 : i32
      %dma_wait3A_238 = tpu.memref_slice %arg4[%dma_wait3A_226, %add3A_32, %dma_wait3A_237] : memref<12x7936x128xi32, #tpu.memory_space<hbm>> -> memref<1x1x128xi32, #tpu.memory_space<hbm>>
      %dma_wait3A_239 = tpu.memref_squeeze %dma_wait3A_238 : memref<1x1x128xi32, #tpu.memory_space<hbm>> -> memref<128xi32, #tpu.memory_space<hbm>>
      tpu.wait_dma2 semaphore(%arg24 : memref<!tpu.dma_semaphore, #tpu.memory_space<semaphore_mem>>) src(%dma_wait3A_239 : memref<128xi32, #tpu.memory_space<hbm>>) dst(%dma_wait3A_236 : memref<128xi32, #tpu.memory_space<vmem>>)
      %dma_wait3A_240 = arith.constant 1 : i32
      %dma_wait3A_241 = arith.constant 1 : i32
      %dma_wait3A_242 = arith.constant 0 : i32
      %dma_wait3A_243 = tpu.memref_slice %arg13[%dma_wait3A_241, %dma_wait3A_242] : memref<48x128xi32, #tpu.memory_space<vmem>> -> memref<1x128xi32, #tpu.memory_space<vmem>>
      %dma_wait3A_244 = tpu.memref_squeeze %dma_wait3A_243 : memref<1x128xi32, #tpu.memory_space<vmem>> -> memref<128xi32, #tpu.memory_space<vmem>>
      %dma_wait3A_245 = arith.constant 0 : i32
      %dma_wait3A_246 = tpu.memref_slice %arg4[%dma_wait3A_240, %add3A_48, %dma_wait3A_245] : memref<12x7936x128xi32, #tpu.memory_space<hbm>> -> memref<1x1x128xi32, #tpu.memory_space<hbm>>
      %dma_wait3A_247 = tpu.memref_squeeze %dma_wait3A_246 : memref<1x1x128xi32, #tpu.memory_space<hbm>> -> memref<128xi32, #tpu.memory_space<hbm>>
      %dma_wait3A_248 = arith.constant 0 : i32
      %dma_wait3A_249 = tpu.memref_slice %arg13[%dma_wait3A_241, %dma_wait3A_248] : memref<48x128xi32, #tpu.memory_space<vmem>> -> memref<1x128xi32, #tpu.memory_space<vmem>>
      %dma_wait3A_250 = tpu.memref_squeeze %dma_wait3A_249 : memref<1x128xi32, #tpu.memory_space<vmem>> -> memref<128xi32, #tpu.memory_space<vmem>>
      %dma_wait3A_251 = arith.constant 0 : i32
      %dma_wait3A_252 = tpu.memref_slice %arg4[%dma_wait3A_240, %add3A_48, %dma_wait3A_251] : memref<12x7936x128xi32, #tpu.memory_space<hbm>> -> memref<1x1x128xi32, #tpu.memory_space<hbm>>
      %dma_wait3A_253 = tpu.memref_squeeze %dma_wait3A_252 : memref<1x1x128xi32, #tpu.memory_space<hbm>> -> memref<128xi32, #tpu.memory_space<hbm>>
      tpu.wait_dma2 semaphore(%arg24 : memref<!tpu.dma_semaphore, #tpu.memory_space<semaphore_mem>>) src(%dma_wait3A_253 : memref<128xi32, #tpu.memory_space<hbm>>) dst(%dma_wait3A_250 : memref<128xi32, #tpu.memory_space<vmem>>)
      %dma_wait3A_254 = arith.constant 2 : i32
      %dma_wait3A_255 = arith.constant 2 : i32
      %dma_wait3A_256 = arith.constant 0 : i32
      %dma_wait3A_257 = tpu.memref_slice %arg13[%dma_wait3A_255, %dma_wait3A_256] : memref<48x128xi32, #tpu.memory_space<vmem>> -> memref<1x128xi32, #tpu.memory_space<vmem>>
      %dma_wait3A_258 = tpu.memref_squeeze %dma_wait3A_257 : memref<1x128xi32, #tpu.memory_space<vmem>> -> memref<128xi32, #tpu.memory_space<vmem>>
      %dma_wait3A_259 = arith.constant 0 : i32
      %dma_wait3A_260 = tpu.memref_slice %arg4[%dma_wait3A_254, %add3A_64, %dma_wait3A_259] : memref<12x7936x128xi32, #tpu.memory_space<hbm>> -> memref<1x1x128xi32, #tpu.memory_space<hbm>>
      %dma_wait3A_261 = tpu.memref_squeeze %dma_wait3A_260 : memref<1x1x128xi32, #tpu.memory_space<hbm>> -> memref<128xi32, #tpu.memory_space<hbm>>
      %dma_wait3A_262 = arith.constant 0 : i32
      %dma_wait3A_263 = tpu.memref_slice %arg13[%dma_wait3A_255, %dma_wait3A_262] : memref<48x128xi32, #tpu.memory_space<vmem>> -> memref<1x128xi32, #tpu.memory_space<vmem>>
      %dma_wait3A_264 = tpu.memref_squeeze %dma_wait3A_263 : memref<1x128xi32, #tpu.memory_space<vmem>> -> memref<128xi32, #tpu.memory_space<vmem>>
      %dma_wait3A_265 = arith.constant 0 : i32
      %dma_wait3A_266 = tpu.memref_slice %arg4[%dma_wait3A_254, %add3A_64, %dma_wait3A_265] : memref<12x7936x128xi32, #tpu.memory_space<hbm>> -> memref<1x1x128xi32, #tpu.memory_space<hbm>>
      %dma_wait3A_267 = tpu.memref_squeeze %dma_wait3A_266 : memref<1x1x128xi32, #tpu.memory_space<hbm>> -> memref<128xi32, #tpu.memory_space<hbm>>
      tpu.wait_dma2 semaphore(%arg24 : memref<!tpu.dma_semaphore, #tpu.memory_space<semaphore_mem>>) src(%dma_wait3A_267 : memref<128xi32, #tpu.memory_space<hbm>>) dst(%dma_wait3A_264 : memref<128xi32, #tpu.memory_space<vmem>>)
      %dma_wait3A_268 = arith.constant 3 : i32
      %dma_wait3A_269 = arith.constant 3 : i32
      %dma_wait3A_270 = arith.constant 0 : i32
      %dma_wait3A_271 = tpu.memref_slice %arg13[%dma_wait3A_269, %dma_wait3A_270] : memref<48x128xi32, #tpu.memory_space<vmem>> -> memref<1x128xi32, #tpu.memory_space<vmem>>
      %dma_wait3A_272 = tpu.memref_squeeze %dma_wait3A_271 : memref<1x128xi32, #tpu.memory_space<vmem>> -> memref<128xi32, #tpu.memory_space<vmem>>
      %dma_wait3A_273 = arith.constant 0 : i32
      %dma_wait3A_274 = tpu.memref_slice %arg4[%dma_wait3A_268, %add3A_80, %dma_wait3A_273] : memref<12x7936x128xi32, #tpu.memory_space<hbm>> -> memref<1x1x128xi32, #tpu.memory_space<hbm>>
      %dma_wait3A_275 = tpu.memref_squeeze %dma_wait3A_274 : memref<1x1x128xi32, #tpu.memory_space<hbm>> -> memref<128xi32, #tpu.memory_space<hbm>>
      %dma_wait3A_276 = arith.constant 0 : i32
      %dma_wait3A_277 = tpu.memref_slice %arg13[%dma_wait3A_269, %dma_wait3A_276] : memref<48x128xi32, #tpu.memory_space<vmem>> -> memref<1x128xi32, #tpu.memory_space<vmem>>
      %dma_wait3A_278 = tpu.memref_squeeze %dma_wait3A_277 : memref<1x128xi32, #tpu.memory_space<vmem>> -> memref<128xi32, #tpu.memory_space<vmem>>
      %dma_wait3A_279 = arith.constant 0 : i32
      %dma_wait3A_280 = tpu.memref_slice %arg4[%dma_wait3A_268, %add3A_80, %dma_wait3A_279] : memref<12x7936x128xi32, #tpu.memory_space<hbm>> -> memref<1x1x128xi32, #tpu.memory_space<hbm>>
      %dma_wait3A_281 = tpu.memref_squeeze %dma_wait3A_280 : memref<1x1x128xi32, #tpu.memory_space<hbm>> -> memref<128xi32, #tpu.memory_space<hbm>>
      tpu.wait_dma2 semaphore(%arg24 : memref<!tpu.dma_semaphore, #tpu.memory_space<semaphore_mem>>) src(%dma_wait3A_281 : memref<128xi32, #tpu.memory_space<hbm>>) dst(%dma_wait3A_278 : memref<128xi32, #tpu.memory_space<vmem>>)
      %dma_wait3A_282 = arith.constant 4 : i32
      %dma_wait3A_283 = arith.constant 4 : i32
      %dma_wait3A_284 = arith.constant 0 : i32
      %dma_wait3A_285 = tpu.memref_slice %arg13[%dma_wait3A_283, %dma_wait3A_284] : memref<48x128xi32, #tpu.memory_space<vmem>> -> memref<1x128xi32, #tpu.memory_space<vmem>>
      %dma_wait3A_286 = tpu.memref_squeeze %dma_wait3A_285 : memref<1x128xi32, #tpu.memory_space<vmem>> -> memref<128xi32, #tpu.memory_space<vmem>>
      %dma_wait3A_287 = arith.constant 0 : i32
      %dma_wait3A_288 = tpu.memref_slice %arg4[%dma_wait3A_282, %add3A_96, %dma_wait3A_287] : memref<12x7936x128xi32, #tpu.memory_space<hbm>> -> memref<1x1x128xi32, #tpu.memory_space<hbm>>
      %dma_wait3A_289 = tpu.memref_squeeze %dma_wait3A_288 : memref<1x1x128xi32, #tpu.memory_space<hbm>> -> memref<128xi32, #tpu.memory_space<hbm>>
      %dma_wait3A_290 = arith.constant 0 : i32
      %dma_wait3A_291 = tpu.memref_slice %arg13[%dma_wait3A_283, %dma_wait3A_290] : memref<48x128xi32, #tpu.memory_space<vmem>> -> memref<1x128xi32, #tpu.memory_space<vmem>>
      %dma_wait3A_292 = tpu.memref_squeeze %dma_wait3A_291 : memref<1x128xi32, #tpu.memory_space<vmem>> -> memref<128xi32, #tpu.memory_space<vmem>>
      %dma_wait3A_293 = arith.constant 0 : i32
      %dma_wait3A_294 = tpu.memref_slice %arg4[%dma_wait3A_282, %add3A_96, %dma_wait3A_293] : memref<12x7936x128xi32, #tpu.memory_space<hbm>> -> memref<1x1x128xi32, #tpu.memory_space<hbm>>
      %dma_wait3A_295 = tpu.memref_squeeze %dma_wait3A_294 : memref<1x1x128xi32, #tpu.memory_space<hbm>> -> memref<128xi32, #tpu.memory_space<hbm>>
      tpu.wait_dma2 semaphore(%arg24 : memref<!tpu.dma_semaphore, #tpu.memory_space<semaphore_mem>>) src(%dma_wait3A_295 : memref<128xi32, #tpu.memory_space<hbm>>) dst(%dma_wait3A_292 : memref<128xi32, #tpu.memory_space<vmem>>)
      %dma_wait3A_296 = arith.constant 5 : i32
      %dma_wait3A_297 = arith.constant 5 : i32
      %dma_wait3A_298 = arith.constant 0 : i32
      %dma_wait3A_299 = tpu.memref_slice %arg13[%dma_wait3A_297, %dma_wait3A_298] : memref<48x128xi32, #tpu.memory_space<vmem>> -> memref<1x128xi32, #tpu.memory_space<vmem>>
      %dma_wait3A_300 = tpu.memref_squeeze %dma_wait3A_299 : memref<1x128xi32, #tpu.memory_space<vmem>> -> memref<128xi32, #tpu.memory_space<vmem>>
      %dma_wait3A_301 = arith.constant 0 : i32
      %dma_wait3A_302 = tpu.memref_slice %arg4[%dma_wait3A_296, %add3A_112, %dma_wait3A_301] : memref<12x7936x128xi32, #tpu.memory_space<hbm>> -> memref<1x1x128xi32, #tpu.memory_space<hbm>>
      %dma_wait3A_303 = tpu.memref_squeeze %dma_wait3A_302 : memref<1x1x128xi32, #tpu.memory_space<hbm>> -> memref<128xi32, #tpu.memory_space<hbm>>
      %dma_wait3A_304 = arith.constant 0 : i32
      %dma_wait3A_305 = tpu.memref_slice %arg13[%dma_wait3A_297, %dma_wait3A_304] : memref<48x128xi32, #tpu.memory_space<vmem>> -> memref<1x128xi32, #tpu.memory_space<vmem>>
      %dma_wait3A_306 = tpu.memref_squeeze %dma_wait3A_305 : memref<1x128xi32, #tpu.memory_space<vmem>> -> memref<128xi32, #tpu.memory_space<vmem>>
      %dma_wait3A_307 = arith.constant 0 : i32
      %dma_wait3A_308 = tpu.memref_slice %arg4[%dma_wait3A_296, %add3A_112, %dma_wait3A_307] : memref<12x7936x128xi32, #tpu.memory_space<hbm>> -> memref<1x1x128xi32, #tpu.memory_space<hbm>>
      %dma_wait3A_309 = tpu.memref_squeeze %dma_wait3A_308 : memref<1x1x128xi32, #tpu.memory_space<hbm>> -> memref<128xi32, #tpu.memory_space<hbm>>
      tpu.wait_dma2 semaphore(%arg24 : memref<!tpu.dma_semaphore, #tpu.memory_space<semaphore_mem>>) src(%dma_wait3A_309 : memref<128xi32, #tpu.memory_space<hbm>>) dst(%dma_wait3A_306 : memref<128xi32, #tpu.memory_space<vmem>>)
      %dma_wait3A_310 = arith.constant 6 : i32
      %dma_wait3A_311 = arith.constant 6 : i32
      %dma_wait3A_312 = arith.constant 0 : i32
      %dma_wait3A_313 = tpu.memref_slice %arg13[%dma_wait3A_311, %dma_wait3A_312] : memref<48x128xi32, #tpu.memory_space<vmem>> -> memref<1x128xi32, #tpu.memory_space<vmem>>
      %dma_wait3A_314 = tpu.memref_squeeze %dma_wait3A_313 : memref<1x128xi32, #tpu.memory_space<vmem>> -> memref<128xi32, #tpu.memory_space<vmem>>
      %dma_wait3A_315 = arith.constant 0 : i32
      %dma_wait3A_316 = tpu.memref_slice %arg4[%dma_wait3A_310, %add3A_128, %dma_wait3A_315] : memref<12x7936x128xi32, #tpu.memory_space<hbm>> -> memref<1x1x128xi32, #tpu.memory_space<hbm>>
      %dma_wait3A_317 = tpu.memref_squeeze %dma_wait3A_316 : memref<1x1x128xi32, #tpu.memory_space<hbm>> -> memref<128xi32, #tpu.memory_space<hbm>>
      %dma_wait3A_318 = arith.constant 0 : i32
      %dma_wait3A_319 = tpu.memref_slice %arg13[%dma_wait3A_311, %dma_wait3A_318] : memref<48x128xi32, #tpu.memory_space<vmem>> -> memref<1x128xi32, #tpu.memory_space<vmem>>
      %dma_wait3A_320 = tpu.memref_squeeze %dma_wait3A_319 : memref<1x128xi32, #tpu.memory_space<vmem>> -> memref<128xi32, #tpu.memory_space<vmem>>
      %dma_wait3A_321 = arith.constant 0 : i32
      %dma_wait3A_322 = tpu.memref_slice %arg4[%dma_wait3A_310, %add3A_128, %dma_wait3A_321] : memref<12x7936x128xi32, #tpu.memory_space<hbm>> -> memref<1x1x128xi32, #tpu.memory_space<hbm>>
      %dma_wait3A_323 = tpu.memref_squeeze %dma_wait3A_322 : memref<1x1x128xi32, #tpu.memory_space<hbm>> -> memref<128xi32, #tpu.memory_space<hbm>>
      tpu.wait_dma2 semaphore(%arg24 : memref<!tpu.dma_semaphore, #tpu.memory_space<semaphore_mem>>) src(%dma_wait3A_323 : memref<128xi32, #tpu.memory_space<hbm>>) dst(%dma_wait3A_320 : memref<128xi32, #tpu.memory_space<vmem>>)
      %dma_wait3A_324 = arith.constant 7 : i32
      %dma_wait3A_325 = arith.constant 7 : i32
      %dma_wait3A_326 = arith.constant 0 : i32
      %dma_wait3A_327 = tpu.memref_slice %arg13[%dma_wait3A_325, %dma_wait3A_326] : memref<48x128xi32, #tpu.memory_space<vmem>> -> memref<1x128xi32, #tpu.memory_space<vmem>>
      %dma_wait3A_328 = tpu.memref_squeeze %dma_wait3A_327 : memref<1x128xi32, #tpu.memory_space<vmem>> -> memref<128xi32, #tpu.memory_space<vmem>>
      %dma_wait3A_329 = arith.constant 0 : i32
      %dma_wait3A_330 = tpu.memref_slice %arg4[%dma_wait3A_324, %add3A_144, %dma_wait3A_329] : memref<12x7936x128xi32, #tpu.memory_space<hbm>> -> memref<1x1x128xi32, #tpu.memory_space<hbm>>
      %dma_wait3A_331 = tpu.memref_squeeze %dma_wait3A_330 : memref<1x1x128xi32, #tpu.memory_space<hbm>> -> memref<128xi32, #tpu.memory_space<hbm>>
      %dma_wait3A_332 = arith.constant 0 : i32
      %dma_wait3A_333 = tpu.memref_slice %arg13[%dma_wait3A_325, %dma_wait3A_332] : memref<48x128xi32, #tpu.memory_space<vmem>> -> memref<1x128xi32, #tpu.memory_space<vmem>>
      %dma_wait3A_334 = tpu.memref_squeeze %dma_wait3A_333 : memref<1x128xi32, #tpu.memory_space<vmem>> -> memref<128xi32, #tpu.memory_space<vmem>>
      %dma_wait3A_335 = arith.constant 0 : i32
      %dma_wait3A_336 = tpu.memref_slice %arg4[%dma_wait3A_324, %add3A_144, %dma_wait3A_335] : memref<12x7936x128xi32, #tpu.memory_space<hbm>> -> memref<1x1x128xi32, #tpu.memory_space<hbm>>
      %dma_wait3A_337 = tpu.memref_squeeze %dma_wait3A_336 : memref<1x1x128xi32, #tpu.memory_space<hbm>> -> memref<128xi32, #tpu.memory_space<hbm>>
      tpu.wait_dma2 semaphore(%arg24 : memref<!tpu.dma_semaphore, #tpu.memory_space<semaphore_mem>>) src(%dma_wait3A_337 : memref<128xi32, #tpu.memory_space<hbm>>) dst(%dma_wait3A_334 : memref<128xi32, #tpu.memory_space<vmem>>)
      %dma_wait3A_338 = arith.constant 8 : i32
      %dma_wait3A_339 = arith.constant 8 : i32
      %dma_wait3A_340 = arith.constant 0 : i32
      %dma_wait3A_341 = tpu.memref_slice %arg13[%dma_wait3A_339, %dma_wait3A_340] : memref<48x128xi32, #tpu.memory_space<vmem>> -> memref<1x128xi32, #tpu.memory_space<vmem>>
      %dma_wait3A_342 = tpu.memref_squeeze %dma_wait3A_341 : memref<1x128xi32, #tpu.memory_space<vmem>> -> memref<128xi32, #tpu.memory_space<vmem>>
      %dma_wait3A_343 = arith.constant 0 : i32
      %dma_wait3A_344 = tpu.memref_slice %arg4[%dma_wait3A_338, %add3A_160, %dma_wait3A_343] : memref<12x7936x128xi32, #tpu.memory_space<hbm>> -> memref<1x1x128xi32, #tpu.memory_space<hbm>>
      %dma_wait3A_345 = tpu.memref_squeeze %dma_wait3A_344 : memref<1x1x128xi32, #tpu.memory_space<hbm>> -> memref<128xi32, #tpu.memory_space<hbm>>
      %dma_wait3A_346 = arith.constant 0 : i32
      %dma_wait3A_347 = tpu.memref_slice %arg13[%dma_wait3A_339, %dma_wait3A_346] : memref<48x128xi32, #tpu.memory_space<vmem>> -> memref<1x128xi32, #tpu.memory_space<vmem>>
      %dma_wait3A_348 = tpu.memref_squeeze %dma_wait3A_347 : memref<1x128xi32, #tpu.memory_space<vmem>> -> memref<128xi32, #tpu.memory_space<vmem>>
      %dma_wait3A_349 = arith.constant 0 : i32
      %dma_wait3A_350 = tpu.memref_slice %arg4[%dma_wait3A_338, %add3A_160, %dma_wait3A_349] : memref<12x7936x128xi32, #tpu.memory_space<hbm>> -> memref<1x1x128xi32, #tpu.memory_space<hbm>>
      %dma_wait3A_351 = tpu.memref_squeeze %dma_wait3A_350 : memref<1x1x128xi32, #tpu.memory_space<hbm>> -> memref<128xi32, #tpu.memory_space<hbm>>
      tpu.wait_dma2 semaphore(%arg24 : memref<!tpu.dma_semaphore, #tpu.memory_space<semaphore_mem>>) src(%dma_wait3A_351 : memref<128xi32, #tpu.memory_space<hbm>>) dst(%dma_wait3A_348 : memref<128xi32, #tpu.memory_space<vmem>>)
      %dma_wait3A_352 = arith.constant 9 : i32
      %dma_wait3A_353 = arith.constant 9 : i32
      %dma_wait3A_354 = arith.constant 0 : i32
      %dma_wait3A_355 = tpu.memref_slice %arg13[%dma_wait3A_353, %dma_wait3A_354] : memref<48x128xi32, #tpu.memory_space<vmem>> -> memref<1x128xi32, #tpu.memory_space<vmem>>
      %dma_wait3A_356 = tpu.memref_squeeze %dma_wait3A_355 : memref<1x128xi32, #tpu.memory_space<vmem>> -> memref<128xi32, #tpu.memory_space<vmem>>
      %dma_wait3A_357 = arith.constant 0 : i32
      %dma_wait3A_358 = tpu.memref_slice %arg4[%dma_wait3A_352, %add3A_176, %dma_wait3A_357] : memref<12x7936x128xi32, #tpu.memory_space<hbm>> -> memref<1x1x128xi32, #tpu.memory_space<hbm>>
      %dma_wait3A_359 = tpu.memref_squeeze %dma_wait3A_358 : memref<1x1x128xi32, #tpu.memory_space<hbm>> -> memref<128xi32, #tpu.memory_space<hbm>>
      %dma_wait3A_360 = arith.constant 0 : i32
      %dma_wait3A_361 = tpu.memref_slice %arg13[%dma_wait3A_353, %dma_wait3A_360] : memref<48x128xi32, #tpu.memory_space<vmem>> -> memref<1x128xi32, #tpu.memory_space<vmem>>
      %dma_wait3A_362 = tpu.memref_squeeze %dma_wait3A_361 : memref<1x128xi32, #tpu.memory_space<vmem>> -> memref<128xi32, #tpu.memory_space<vmem>>
      %dma_wait3A_363 = arith.constant 0 : i32
      %dma_wait3A_364 = tpu.memref_slice %arg4[%dma_wait3A_352, %add3A_176, %dma_wait3A_363] : memref<12x7936x128xi32, #tpu.memory_space<hbm>> -> memref<1x1x128xi32, #tpu.memory_space<hbm>>
      %dma_wait3A_365 = tpu.memref_squeeze %dma_wait3A_364 : memref<1x1x128xi32, #tpu.memory_space<hbm>> -> memref<128xi32, #tpu.memory_space<hbm>>
      tpu.wait_dma2 semaphore(%arg24 : memref<!tpu.dma_semaphore, #tpu.memory_space<semaphore_mem>>) src(%dma_wait3A_365 : memref<128xi32, #tpu.memory_space<hbm>>) dst(%dma_wait3A_362 : memref<128xi32, #tpu.memory_space<vmem>>)
      %dma_wait3A_366 = arith.constant 10 : i32
      %dma_wait3A_367 = arith.constant 10 : i32
      %dma_wait3A_368 = arith.constant 0 : i32
      %dma_wait3A_369 = tpu.memref_slice %arg13[%dma_wait3A_367, %dma_wait3A_368] : memref<48x128xi32, #tpu.memory_space<vmem>> -> memref<1x128xi32, #tpu.memory_space<vmem>>
      %dma_wait3A_370 = tpu.memref_squeeze %dma_wait3A_369 : memref<1x128xi32, #tpu.memory_space<vmem>> -> memref<128xi32, #tpu.memory_space<vmem>>
      %dma_wait3A_371 = arith.constant 0 : i32
      %dma_wait3A_372 = tpu.memref_slice %arg4[%dma_wait3A_366, %add3A_192, %dma_wait3A_371] : memref<12x7936x128xi32, #tpu.memory_space<hbm>> -> memref<1x1x128xi32, #tpu.memory_space<hbm>>
      %dma_wait3A_373 = tpu.memref_squeeze %dma_wait3A_372 : memref<1x1x128xi32, #tpu.memory_space<hbm>> -> memref<128xi32, #tpu.memory_space<hbm>>
      %dma_wait3A_374 = arith.constant 0 : i32
      %dma_wait3A_375 = tpu.memref_slice %arg13[%dma_wait3A_367, %dma_wait3A_374] : memref<48x128xi32, #tpu.memory_space<vmem>> -> memref<1x128xi32, #tpu.memory_space<vmem>>
      %dma_wait3A_376 = tpu.memref_squeeze %dma_wait3A_375 : memref<1x128xi32, #tpu.memory_space<vmem>> -> memref<128xi32, #tpu.memory_space<vmem>>
      %dma_wait3A_377 = arith.constant 0 : i32
      %dma_wait3A_378 = tpu.memref_slice %arg4[%dma_wait3A_366, %add3A_192, %dma_wait3A_377] : memref<12x7936x128xi32, #tpu.memory_space<hbm>> -> memref<1x1x128xi32, #tpu.memory_space<hbm>>
      %dma_wait3A_379 = tpu.memref_squeeze %dma_wait3A_378 : memref<1x1x128xi32, #tpu.memory_space<hbm>> -> memref<128xi32, #tpu.memory_space<hbm>>
      tpu.wait_dma2 semaphore(%arg24 : memref<!tpu.dma_semaphore, #tpu.memory_space<semaphore_mem>>) src(%dma_wait3A_379 : memref<128xi32, #tpu.memory_space<hbm>>) dst(%dma_wait3A_376 : memref<128xi32, #tpu.memory_space<vmem>>)
      %dma_wait3A_380 = arith.constant 11 : i32
      %dma_wait3A_381 = arith.constant 11 : i32
      %dma_wait3A_382 = arith.constant 0 : i32
      %dma_wait3A_383 = tpu.memref_slice %arg13[%dma_wait3A_381, %dma_wait3A_382] : memref<48x128xi32, #tpu.memory_space<vmem>> -> memref<1x128xi32, #tpu.memory_space<vmem>>
      %dma_wait3A_384 = tpu.memref_squeeze %dma_wait3A_383 : memref<1x128xi32, #tpu.memory_space<vmem>> -> memref<128xi32, #tpu.memory_space<vmem>>
      %dma_wait3A_385 = arith.constant 0 : i32
      %dma_wait3A_386 = tpu.memref_slice %arg4[%dma_wait3A_380, %add3A_208, %dma_wait3A_385] : memref<12x7936x128xi32, #tpu.memory_space<hbm>> -> memref<1x1x128xi32, #tpu.memory_space<hbm>>
      %dma_wait3A_387 = tpu.memref_squeeze %dma_wait3A_386 : memref<1x1x128xi32, #tpu.memory_space<hbm>> -> memref<128xi32, #tpu.memory_space<hbm>>
      %dma_wait3A_388 = arith.constant 0 : i32
      %dma_wait3A_389 = tpu.memref_slice %arg13[%dma_wait3A_381, %dma_wait3A_388] : memref<48x128xi32, #tpu.memory_space<vmem>> -> memref<1x128xi32, #tpu.memory_space<vmem>>
      %dma_wait3A_390 = tpu.memref_squeeze %dma_wait3A_389 : memref<1x128xi32, #tpu.memory_space<vmem>> -> memref<128xi32, #tpu.memory_space<vmem>>
      %dma_wait3A_391 = arith.constant 0 : i32
      %dma_wait3A_392 = tpu.memref_slice %arg4[%dma_wait3A_380, %add3A_208, %dma_wait3A_391] : memref<12x7936x128xi32, #tpu.memory_space<hbm>> -> memref<1x1x128xi32, #tpu.memory_space<hbm>>
      %dma_wait3A_393 = tpu.memref_squeeze %dma_wait3A_392 : memref<1x1x128xi32, #tpu.memory_space<hbm>> -> memref<128xi32, #tpu.memory_space<hbm>>
      tpu.wait_dma2 semaphore(%arg24 : memref<!tpu.dma_semaphore, #tpu.memory_space<semaphore_mem>>) src(%dma_wait3A_393 : memref<128xi32, #tpu.memory_space<hbm>>) dst(%dma_wait3A_390 : memref<128xi32, #tpu.memory_space<vmem>>)
      %dma_start3A_394 = arith.constant 0 : i32
      %dma_start3A_395 = arith.constant 0 : i32
      %dma_start3A_396 = arith.constant 0 : i32
      %dma_start3A_397 = tpu.memref_slice %arg20[%dma_start3A_395, %dma_start3A_396] : memref<2048x2xf32, #tpu.memory_space<vmem>> -> memref<128x2xf32, #tpu.memory_space<vmem>>
      %dma_start3A_398 = arith.constant 0 : i32
      %dma_start3A_399 = tpu.memref_slice %arg13[%dma_start3A_394, %dma_start3A_398] : memref<48x128xi32, #tpu.memory_space<vmem>> -> memref<1x128xi32, #tpu.memory_space<vmem>>
      %dma_start3A_400 = tpu.memref_squeeze %dma_start3A_399 : memref<1x128xi32, #tpu.memory_space<vmem>> -> memref<128xi32, #tpu.memory_space<vmem>>
      %dma_start3A_401 = arith.constant 0 : i32
      %dma_start3A_402 = arith.constant 0 : i32
      %dma_start3A_403 = tpu.memref_slice %arg5[%dma_start3A_401, %dma_start3A_402] : memref<1038961x2xf32, #tpu.memory_space<hbm>> -> memref<1038961x2xf32, #tpu.memory_space<hbm>>
      tpu.enqueue_indirect_dma source(%dma_start3A_403 : memref<1038961x2xf32, #tpu.memory_space<hbm>>) target(%dma_start3A_397 : memref<128x2xf32, #tpu.memory_space<vmem>>) offsets(%dma_start3A_400 : memref<128xi32, #tpu.memory_space<vmem>>) semaphore(%arg24 : memref<!tpu.dma_semaphore, #tpu.memory_space<semaphore_mem>>)
      %dma_start3A_404 = arith.constant 4 : i32
      %dma_start3A_405 = arith.constant 128 : i32
      %dma_start3A_406 = arith.constant 0 : i32
      %dma_start3A_407 = tpu.memref_slice %arg20[%dma_start3A_405, %dma_start3A_406] : memref<2048x2xf32, #tpu.memory_space<vmem>> -> memref<128x2xf32, #tpu.memory_space<vmem>>
      %dma_start3A_408 = arith.constant 0 : i32
      %dma_start3A_409 = tpu.memref_slice %arg13[%dma_start3A_404, %dma_start3A_408] : memref<48x128xi32, #tpu.memory_space<vmem>> -> memref<1x128xi32, #tpu.memory_space<vmem>>
      %dma_start3A_410 = tpu.memref_squeeze %dma_start3A_409 : memref<1x128xi32, #tpu.memory_space<vmem>> -> memref<128xi32, #tpu.memory_space<vmem>>
      %dma_start3A_411 = arith.constant 0 : i32
      %dma_start3A_412 = arith.constant 0 : i32
      %dma_start3A_413 = tpu.memref_slice %arg5[%dma_start3A_411, %dma_start3A_412] : memref<1038961x2xf32, #tpu.memory_space<hbm>> -> memref<1038961x2xf32, #tpu.memory_space<hbm>>
      tpu.enqueue_indirect_dma source(%dma_start3A_413 : memref<1038961x2xf32, #tpu.memory_space<hbm>>) target(%dma_start3A_407 : memref<128x2xf32, #tpu.memory_space<vmem>>) offsets(%dma_start3A_410 : memref<128xi32, #tpu.memory_space<vmem>>) semaphore(%arg24 : memref<!tpu.dma_semaphore, #tpu.memory_space<semaphore_mem>>)
      %dma_start3A_414 = arith.constant 8 : i32
      %dma_start3A_415 = arith.constant 256 : i32
      %dma_start3A_416 = arith.constant 0 : i32
      %dma_start3A_417 = tpu.memref_slice %arg20[%dma_start3A_415, %dma_start3A_416] : memref<2048x2xf32, #tpu.memory_space<vmem>> -> memref<128x2xf32, #tpu.memory_space<vmem>>
      %dma_start3A_418 = arith.constant 0 : i32
      %dma_start3A_419 = tpu.memref_slice %arg13[%dma_start3A_414, %dma_start3A_418] : memref<48x128xi32, #tpu.memory_space<vmem>> -> memref<1x128xi32, #tpu.memory_space<vmem>>
      %dma_start3A_420 = tpu.memref_squeeze %dma_start3A_419 : memref<1x128xi32, #tpu.memory_space<vmem>> -> memref<128xi32, #tpu.memory_space<vmem>>
      %dma_start3A_421 = arith.constant 0 : i32
      %dma_start3A_422 = arith.constant 0 : i32
      %dma_start3A_423 = tpu.memref_slice %arg5[%dma_start3A_421, %dma_start3A_422] : memref<1038961x2xf32, #tpu.memory_space<hbm>> -> memref<1038961x2xf32, #tpu.memory_space<hbm>>
      tpu.enqueue_indirect_dma source(%dma_start3A_423 : memref<1038961x2xf32, #tpu.memory_space<hbm>>) target(%dma_start3A_417 : memref<128x2xf32, #tpu.memory_space<vmem>>) offsets(%dma_start3A_420 : memref<128xi32, #tpu.memory_space<vmem>>) semaphore(%arg24 : memref<!tpu.dma_semaphore, #tpu.memory_space<semaphore_mem>>)
      %dma_start3A_424 = arith.constant 12 : i32
      %dma_start3A_425 = arith.constant 384 : i32
      %dma_start3A_426 = arith.constant 0 : i32
      %dma_start3A_427 = tpu.memref_slice %arg20[%dma_start3A_425, %dma_start3A_426] : memref<2048x2xf32, #tpu.memory_space<vmem>> -> memref<128x2xf32, #tpu.memory_space<vmem>>
      %dma_start3A_428 = arith.constant 0 : i32
      %dma_start3A_429 = tpu.memref_slice %arg13[%dma_start3A_424, %dma_start3A_428] : memref<48x128xi32, #tpu.memory_space<vmem>> -> memref<1x128xi32, #tpu.memory_space<vmem>>
      %dma_start3A_430 = tpu.memref_squeeze %dma_start3A_429 : memref<1x128xi32, #tpu.memory_space<vmem>> -> memref<128xi32, #tpu.memory_space<vmem>>
      %dma_start3A_431 = arith.constant 0 : i32
      %dma_start3A_432 = arith.constant 0 : i32
      %dma_start3A_433 = tpu.memref_slice %arg5[%dma_start3A_431, %dma_start3A_432] : memref<1038961x2xf32, #tpu.memory_space<hbm>> -> memref<1038961x2xf32, #tpu.memory_space<hbm>>
      tpu.enqueue_indirect_dma source(%dma_start3A_433 : memref<1038961x2xf32, #tpu.memory_space<hbm>>) target(%dma_start3A_427 : memref<128x2xf32, #tpu.memory_space<vmem>>) offsets(%dma_start3A_430 : memref<128xi32, #tpu.memory_space<vmem>>) semaphore(%arg24 : memref<!tpu.dma_semaphore, #tpu.memory_space<semaphore_mem>>)
      %dma_start3A_434 = arith.constant 16 : i32
      %dma_start3A_435 = arith.constant 0 : i32
      %dma_start3A_436 = arith.constant 0 : i32
      %dma_start3A_437 = tpu.memref_slice %arg21[%dma_start3A_435, %dma_start3A_436] : memref<2048x2xf32, #tpu.memory_space<vmem>> -> memref<128x2xf32, #tpu.memory_space<vmem>>
      %dma_start3A_438 = arith.constant 0 : i32
      %dma_start3A_439 = tpu.memref_slice %arg13[%dma_start3A_434, %dma_start3A_438] : memref<48x128xi32, #tpu.memory_space<vmem>> -> memref<1x128xi32, #tpu.memory_space<vmem>>
      %dma_start3A_440 = tpu.memref_squeeze %dma_start3A_439 : memref<1x128xi32, #tpu.memory_space<vmem>> -> memref<128xi32, #tpu.memory_space<vmem>>
      %dma_start3A_441 = arith.constant 0 : i32
      %dma_start3A_442 = arith.constant 0 : i32
      %dma_start3A_443 = tpu.memref_slice %arg6[%dma_start3A_441, %dma_start3A_442] : memref<260281x2xf32, #tpu.memory_space<hbm>> -> memref<260281x2xf32, #tpu.memory_space<hbm>>
      tpu.enqueue_indirect_dma source(%dma_start3A_443 : memref<260281x2xf32, #tpu.memory_space<hbm>>) target(%dma_start3A_437 : memref<128x2xf32, #tpu.memory_space<vmem>>) offsets(%dma_start3A_440 : memref<128xi32, #tpu.memory_space<vmem>>) semaphore(%arg24 : memref<!tpu.dma_semaphore, #tpu.memory_space<semaphore_mem>>)
      %dma_start3A_444 = arith.constant 20 : i32
      %dma_start3A_445 = arith.constant 128 : i32
      %dma_start3A_446 = arith.constant 0 : i32
      %dma_start3A_447 = tpu.memref_slice %arg21[%dma_start3A_445, %dma_start3A_446] : memref<2048x2xf32, #tpu.memory_space<vmem>> -> memref<128x2xf32, #tpu.memory_space<vmem>>
      %dma_start3A_448 = arith.constant 0 : i32
      %dma_start3A_449 = tpu.memref_slice %arg13[%dma_start3A_444, %dma_start3A_448] : memref<48x128xi32, #tpu.memory_space<vmem>> -> memref<1x128xi32, #tpu.memory_space<vmem>>
      %dma_start3A_450 = tpu.memref_squeeze %dma_start3A_449 : memref<1x128xi32, #tpu.memory_space<vmem>> -> memref<128xi32, #tpu.memory_space<vmem>>
      %dma_start3A_451 = arith.constant 0 : i32
      %dma_start3A_452 = arith.constant 0 : i32
      %dma_start3A_453 = tpu.memref_slice %arg6[%dma_start3A_451, %dma_start3A_452] : memref<260281x2xf32, #tpu.memory_space<hbm>> -> memref<260281x2xf32, #tpu.memory_space<hbm>>
      tpu.enqueue_indirect_dma source(%dma_start3A_453 : memref<260281x2xf32, #tpu.memory_space<hbm>>) target(%dma_start3A_447 : memref<128x2xf32, #tpu.memory_space<vmem>>) offsets(%dma_start3A_450 : memref<128xi32, #tpu.memory_space<vmem>>) semaphore(%arg24 : memref<!tpu.dma_semaphore, #tpu.memory_space<semaphore_mem>>)
      %dma_start3A_454 = arith.constant 24 : i32
      %dma_start3A_455 = arith.constant 256 : i32
      %dma_start3A_456 = arith.constant 0 : i32
      %dma_start3A_457 = tpu.memref_slice %arg21[%dma_start3A_455, %dma_start3A_456] : memref<2048x2xf32, #tpu.memory_space<vmem>> -> memref<128x2xf32, #tpu.memory_space<vmem>>
      %dma_start3A_458 = arith.constant 0 : i32
      %dma_start3A_459 = tpu.memref_slice %arg13[%dma_start3A_454, %dma_start3A_458] : memref<48x128xi32, #tpu.memory_space<vmem>> -> memref<1x128xi32, #tpu.memory_space<vmem>>
      %dma_start3A_460 = tpu.memref_squeeze %dma_start3A_459 : memref<1x128xi32, #tpu.memory_space<vmem>> -> memref<128xi32, #tpu.memory_space<vmem>>
      %dma_start3A_461 = arith.constant 0 : i32
      %dma_start3A_462 = arith.constant 0 : i32
      %dma_start3A_463 = tpu.memref_slice %arg6[%dma_start3A_461, %dma_start3A_462] : memref<260281x2xf32, #tpu.memory_space<hbm>> -> memref<260281x2xf32, #tpu.memory_space<hbm>>
      tpu.enqueue_indirect_dma source(%dma_start3A_463 : memref<260281x2xf32, #tpu.memory_space<hbm>>) target(%dma_start3A_457 : memref<128x2xf32, #tpu.memory_space<vmem>>) offsets(%dma_start3A_460 : memref<128xi32, #tpu.memory_space<vmem>>) semaphore(%arg24 : memref<!tpu.dma_semaphore, #tpu.memory_space<semaphore_mem>>)
      %dma_start3A_464 = arith.constant 28 : i32
      %dma_start3A_465 = arith.constant 384 : i32
      %dma_start3A_466 = arith.constant 0 : i32
      %dma_start3A_467 = tpu.memref_slice %arg21[%dma_start3A_465, %dma_start3A_466] : memref<2048x2xf32, #tpu.memory_space<vmem>> -> memref<128x2xf32, #tpu.memory_space<vmem>>
      %dma_start3A_468 = arith.constant 0 : i32
      %dma_start3A_469 = tpu.memref_slice %arg13[%dma_start3A_464, %dma_start3A_468] : memref<48x128xi32, #tpu.memory_space<vmem>> -> memref<1x128xi32, #tpu.memory_space<vmem>>
      %dma_start3A_470 = tpu.memref_squeeze %dma_start3A_469 : memref<1x128xi32, #tpu.memory_space<vmem>> -> memref<128xi32, #tpu.memory_space<vmem>>
      %dma_start3A_471 = arith.constant 0 : i32
      %dma_start3A_472 = arith.constant 0 : i32
      %dma_start3A_473 = tpu.memref_slice %arg6[%dma_start3A_471, %dma_start3A_472] : memref<260281x2xf32, #tpu.memory_space<hbm>> -> memref<260281x2xf32, #tpu.memory_space<hbm>>
      tpu.enqueue_indirect_dma source(%dma_start3A_473 : memref<260281x2xf32, #tpu.memory_space<hbm>>) target(%dma_start3A_467 : memref<128x2xf32, #tpu.memory_space<vmem>>) offsets(%dma_start3A_470 : memref<128xi32, #tpu.memory_space<vmem>>) semaphore(%arg24 : memref<!tpu.dma_semaphore, #tpu.memory_space<semaphore_mem>>)
      %dma_start3A_474 = arith.constant 32 : i32
      %dma_start3A_475 = arith.constant 0 : i32
      %dma_start3A_476 = arith.constant 0 : i32
      %dma_start3A_477 = tpu.memref_slice %arg22[%dma_start3A_475, %dma_start3A_476] : memref<2048x2xf32, #tpu.memory_space<vmem>> -> memref<128x2xf32, #tpu.memory_space<vmem>>
      %dma_start3A_478 = arith.constant 0 : i32
      %dma_start3A_479 = tpu.memref_slice %arg13[%dma_start3A_474, %dma_start3A_478] : memref<48x128xi32, #tpu.memory_space<vmem>> -> memref<1x128xi32, #tpu.memory_space<vmem>>
      %dma_start3A_480 = tpu.memref_squeeze %dma_start3A_479 : memref<1x128xi32, #tpu.memory_space<vmem>> -> memref<128xi32, #tpu.memory_space<vmem>>
      %dma_start3A_481 = arith.constant 0 : i32
      %dma_start3A_482 = arith.constant 0 : i32
      %dma_start3A_483 = tpu.memref_slice %arg7[%dma_start3A_481, %dma_start3A_482] : memref<65341x2xf32, #tpu.memory_space<hbm>> -> memref<65341x2xf32, #tpu.memory_space<hbm>>
      tpu.enqueue_indirect_dma source(%dma_start3A_483 : memref<65341x2xf32, #tpu.memory_space<hbm>>) target(%dma_start3A_477 : memref<128x2xf32, #tpu.memory_space<vmem>>) offsets(%dma_start3A_480 : memref<128xi32, #tpu.memory_space<vmem>>) semaphore(%arg24 : memref<!tpu.dma_semaphore, #tpu.memory_space<semaphore_mem>>)
      %dma_start3A_484 = arith.constant 36 : i32
      %dma_start3A_485 = arith.constant 128 : i32
      %dma_start3A_486 = arith.constant 0 : i32
      %dma_start3A_487 = tpu.memref_slice %arg22[%dma_start3A_485, %dma_start3A_486] : memref<2048x2xf32, #tpu.memory_space<vmem>> -> memref<128x2xf32, #tpu.memory_space<vmem>>
      %dma_start3A_488 = arith.constant 0 : i32
      %dma_start3A_489 = tpu.memref_slice %arg13[%dma_start3A_484, %dma_start3A_488] : memref<48x128xi32, #tpu.memory_space<vmem>> -> memref<1x128xi32, #tpu.memory_space<vmem>>
      %dma_start3A_490 = tpu.memref_squeeze %dma_start3A_489 : memref<1x128xi32, #tpu.memory_space<vmem>> -> memref<128xi32, #tpu.memory_space<vmem>>
      %dma_start3A_491 = arith.constant 0 : i32
      %dma_start3A_492 = arith.constant 0 : i32
      %dma_start3A_493 = tpu.memref_slice %arg7[%dma_start3A_491, %dma_start3A_492] : memref<65341x2xf32, #tpu.memory_space<hbm>> -> memref<65341x2xf32, #tpu.memory_space<hbm>>
      tpu.enqueue_indirect_dma source(%dma_start3A_493 : memref<65341x2xf32, #tpu.memory_space<hbm>>) target(%dma_start3A_487 : memref<128x2xf32, #tpu.memory_space<vmem>>) offsets(%dma_start3A_490 : memref<128xi32, #tpu.memory_space<vmem>>) semaphore(%arg24 : memref<!tpu.dma_semaphore, #tpu.memory_space<semaphore_mem>>)
      %dma_start3A_494 = arith.constant 40 : i32
      %dma_start3A_495 = arith.constant 256 : i32
      %dma_start3A_496 = arith.constant 0 : i32
      %dma_start3A_497 = tpu.memref_slice %arg22[%dma_start3A_495, %dma_start3A_496] : memref<2048x2xf32, #tpu.memory_space<vmem>> -> memref<128x2xf32, #tpu.memory_space<vmem>>
      %dma_start3A_498 = arith.constant 0 : i32
      %dma_start3A_499 = tpu.memref_slice %arg13[%dma_start3A_494, %dma_start3A_498] : memref<48x128xi32, #tpu.memory_space<vmem>> -> memref<1x128xi32, #tpu.memory_space<vmem>>
      %dma_start3A_500 = tpu.memref_squeeze %dma_start3A_499 : memref<1x128xi32, #tpu.memory_space<vmem>> -> memref<128xi32, #tpu.memory_space<vmem>>
      %dma_start3A_501 = arith.constant 0 : i32
      %dma_start3A_502 = arith.constant 0 : i32
      %dma_start3A_503 = tpu.memref_slice %arg7[%dma_start3A_501, %dma_start3A_502] : memref<65341x2xf32, #tpu.memory_space<hbm>> -> memref<65341x2xf32, #tpu.memory_space<hbm>>
      tpu.enqueue_indirect_dma source(%dma_start3A_503 : memref<65341x2xf32, #tpu.memory_space<hbm>>) target(%dma_start3A_497 : memref<128x2xf32, #tpu.memory_space<vmem>>) offsets(%dma_start3A_500 : memref<128xi32, #tpu.memory_space<vmem>>) semaphore(%arg24 : memref<!tpu.dma_semaphore, #tpu.memory_space<semaphore_mem>>)
      %dma_start3A_504 = arith.constant 44 : i32
      %dma_start3A_505 = arith.constant 384 : i32
      %dma_start3A_506 = arith.constant 0 : i32
      %dma_start3A_507 = tpu.memref_slice %arg22[%dma_start3A_505, %dma_start3A_506] : memref<2048x2xf32, #tpu.memory_space<vmem>> -> memref<128x2xf32, #tpu.memory_space<vmem>>
      %dma_start3A_508 = arith.constant 0 : i32
      %dma_start3A_509 = tpu.memref_slice %arg13[%dma_start3A_504, %dma_start3A_508] : memref<48x128xi32, #tpu.memory_space<vmem>> -> memref<1x128xi32, #tpu.memory_space<vmem>>
      %dma_start3A_510 = tpu.memref_squeeze %dma_start3A_509 : memref<1x128xi32, #tpu.memory_space<vmem>> -> memref<128xi32, #tpu.memory_space<vmem>>
      %dma_start3A_511 = arith.constant 0 : i32
      %dma_start3A_512 = arith.constant 0 : i32
      %dma_start3A_513 = tpu.memref_slice %arg7[%dma_start3A_511, %dma_start3A_512] : memref<65341x2xf32, #tpu.memory_space<hbm>> -> memref<65341x2xf32, #tpu.memory_space<hbm>>
      tpu.enqueue_indirect_dma source(%dma_start3A_513 : memref<65341x2xf32, #tpu.memory_space<hbm>>) target(%dma_start3A_507 : memref<128x2xf32, #tpu.memory_space<vmem>>) offsets(%dma_start3A_510 : memref<128xi32, #tpu.memory_space<vmem>>) semaphore(%arg24 : memref<!tpu.dma_semaphore, #tpu.memory_space<semaphore_mem>>)
      %scan3A_514 = arith.constant 0 : i32
      %scan3A_515 = arith.constant 0 : i32
      %scan3A_516 = arith.constant 8 : i32
      %scan3A_517 = arith.addi %scan3A_515, %scan3A_516 : i32
      %scan3A_518 = arith.constant 1 : i32
      scf.for %scan3A_646 = %scan3A_515 to %scan3A_517 step %scan3A_518  : i32 {
        %mul3A_647 = arith.constant 16 : i32
        %mul3A_648 = arith.muli %scan3A_646, %mul3A_647 : i32
        %get3A = arith.index_cast %mul3A_648 : i32 to index
        %get3A_649 = tpu.vector_load %arg14[%get3A] {strides = array<i32>} : memref<128xf32, #tpu.memory_space<vmem>>, vector<16xf32>,
        %mul3A_650 = arith.constant 16 : i32
        %mul3A_651 = arith.muli %scan3A_646, %mul3A_650 : i32
        %get3A_652 = arith.index_cast %mul3A_651 : i32 to index
        %get3A_653 = tpu.vector_load %arg15[%get3A_652] {strides = array<i32>} : memref<128xf32, #tpu.memory_space<vmem>>, vector<16xf32>,
        %add3A_654 = arith.constant 9.000000e+01 : f32
        %add3A_655 = vector.broadcast %add3A_654 : f32 to vector<16xf32>
        %add3A_656 = arith.addf %get3A_649, %add3A_655 : vector<16xf32>
        %div3A_657 = arith.constant 1.800000e+02 : f32
        %div3A_658 = vector.broadcast %div3A_657 : f32 to vector<16xf32>
        %div3A_659 = arith.divf %add3A_656, %div3A_658 : vector<16xf32>
        %div3A_660 = arith.constant 3.600000e+02 : f32
        %div3A_661 = vector.broadcast %div3A_660 : f32 to vector<16xf32>
        %div3A_662 = arith.divf %get3A_653, %div3A_661 : vector<16xf32>
        %mul3A_663 = arith.constant 2.000000e+00 : f32
        %mul3A_664 = vector.broadcast %mul3A_663 : f32 to vector<16xf32>
        %mul3A_665 = arith.mulf %div3A_662, %mul3A_664 : vector<16xf32>
        %mul3A_666 = arith.constant 16 : i32
        %mul3A_667 = arith.muli %scan3A_646, %mul3A_666 : i32
        %add3A_668 = vector.broadcast %mul3A_667 : i32 to vector<16xi32>
        %add3A_669 = arith.addi %add3A_668, %iota3A : vector<16xi32>
        %mul3A_670 = arith.constant 9.000000e+01 : f32
        %mul3A_671 = vector.broadcast %mul3A_670 : f32 to vector<16xf32>
        %mul3A_672 = arith.mulf %div3A_659, %mul3A_671 : vector<16xf32>
        %mul3A_673 = arith.constant 9.000000e+01 : f32
        %mul3A_674 = vector.broadcast %mul3A_673 : f32 to vector<16xf32>
        %mul3A_675 = arith.mulf %mul3A_665, %mul3A_674 : vector<16xf32>
        %convert_element_type3A = arith.fptosi %mul3A_672 : vector<16xf32> to vector<16xi32>
        %convert_element_type3A_676 = arith.fptosi %mul3A_675 : vector<16xf32> to vector<16xi32>
        %min3A = arith.constant 90 : i32
        %min3A_677 = vector.broadcast %min3A : i32 to vector<16xi32>
        %min3A_678 = arith.minsi %convert_element_type3A, %min3A_677 : vector<16xi32>
        %add3A_679 = arith.constant 1 : i32
        %add3A_680 = vector.broadcast %add3A_679 : i32 to vector<16xi32>
        %add3A_681 = arith.addi %convert_element_type3A, %add3A_680 : vector<16xi32>
        %min3A_682 = arith.constant 90 : i32
        %min3A_683 = vector.broadcast %min3A_682 : i32 to vector<16xi32>
        %min3A_684 = arith.minsi %add3A_681, %min3A_683 : vector<16xi32>
        %min3A_685 = arith.constant 180 : i32
        %min3A_686 = vector.broadcast %min3A_685 : i32 to vector<16xi32>
        %min3A_687 = arith.minsi %convert_element_type3A_676, %min3A_686 : vector<16xi32>
        %add3A_688 = arith.constant 1 : i32
        %add3A_689 = vector.broadcast %add3A_688 : i32 to vector<16xi32>
        %add3A_690 = arith.addi %convert_element_type3A_676, %add3A_689 : vector<16xi32>
        %min3A_691 = arith.constant 180 : i32
        %min3A_692 = vector.broadcast %min3A_691 : i32 to vector<16xi32>
        %min3A_693 = arith.minsi %add3A_690, %min3A_692 : vector<16xi32>
        %convert_element_type3A_694 = arith.sitofp %min3A_678 : vector<16xi32> to vector<16xf32>
        %sub3A_695 = arith.subf %mul3A_672, %convert_element_type3A_694 : vector<16xf32>
        %abs3A = math.absf %sub3A_695 : vector<16xf32>
        %sub3A_696 = arith.constant 1.000000e+00 : f32
        %sub3A_697 = vector.broadcast %sub3A_696 : f32 to vector<16xf32>
        %sub3A_698 = arith.subf %sub3A_697, %abs3A : vector<16xf32>
        %convert_element_type3A_699 = arith.sitofp %min3A_684 : vector<16xi32> to vector<16xf32>
        %sub3A_700 = arith.subf %mul3A_672, %convert_element_type3A_699 : vector<16xf32>
        %abs3A_701 = math.absf %sub3A_700 : vector<16xf32>
        %sub3A_702 = arith.constant 1.000000e+00 : f32
        %sub3A_703 = vector.broadcast %sub3A_702 : f32 to vector<16xf32>
        %sub3A_704 = arith.subf %sub3A_703, %abs3A_701 : vector<16xf32>
        %convert_element_type3A_705 = arith.sitofp %min3A_687 : vector<16xi32> to vector<16xf32>
        %sub3A_706 = arith.subf %mul3A_675, %convert_element_type3A_705 : vector<16xf32>
        %abs3A_707 = math.absf %sub3A_706 : vector<16xf32>
        %sub3A_708 = arith.constant 1.000000e+00 : f32
        %sub3A_709 = vector.broadcast %sub3A_708 : f32 to vector<16xf32>
        %sub3A_710 = arith.subf %sub3A_709, %abs3A_707 : vector<16xf32>
        %convert_element_type3A_711 = arith.sitofp %min3A_693 : vector<16xi32> to vector<16xf32>
        %sub3A_712 = arith.subf %mul3A_675, %convert_element_type3A_711 : vector<16xf32>
        %abs3A_713 = math.absf %sub3A_712 : vector<16xf32>
        %sub3A_714 = arith.constant 1.000000e+00 : f32
        %sub3A_715 = vector.broadcast %sub3A_714 : f32 to vector<16xf32>
        %sub3A_716 = arith.subf %sub3A_715, %abs3A_713 : vector<16xf32>
        %eq3A = arith.constant 180 : i32
        %eq3A_717 = vector.broadcast %eq3A : i32 to vector<16xi32>
        %eq3A_718 = arith.cmpi eq, %min3A_687, %eq3A_717 : vector<16xi32>
        %jit3A_719 = arith.constant 0 : i32
        %broadcast_in_dim3A = vector.broadcast %jit3A_719 : i32 to vector<16xi32>
        %select_n3A_720 = arith.select %eq3A_718, %broadcast_in_dim3A, %min3A_687 : vector<16xi1>, vector<16xi32>
        %eq3A_721 = arith.constant 180 : i32
        %eq3A_722 = vector.broadcast %eq3A_721 : i32 to vector<16xi32>
        %eq3A_723 = arith.cmpi eq, %min3A_693, %eq3A_722 : vector<16xi32>
        %jit3A_724 = arith.constant 0 : i32
        %broadcast_in_dim3A_725 = vector.broadcast %jit3A_724 : i32 to vector<16xi32>
        %select_n3A_726 = arith.select %eq3A_723, %broadcast_in_dim3A_725, %min3A_693 : vector<16xi1>, vector<16xi32>
        %eq3A_727 = arith.constant 0 : i32
        %eq3A_728 = vector.broadcast %eq3A_727 : i32 to vector<16xi32>
        %eq3A_729 = arith.cmpi eq, %min3A_678, %eq3A_728 : vector<16xi32>
        %eq3A_730 = arith.constant 90 : i32
        %eq3A_731 = vector.broadcast %eq3A_730 : i32 to vector<16xi32>
        %eq3A_732 = arith.cmpi eq, %min3A_678, %eq3A_731 : vector<16xi32>
        %or3A = arith.ori %eq3A_729, %eq3A_732 : vector<16xi1>
        %eq3A_733 = arith.constant 0 : i32
        %eq3A_734 = vector.broadcast %eq3A_733 : i32 to vector<16xi32>
        %eq3A_735 = arith.cmpi eq, %min3A_684, %eq3A_734 : vector<16xi32>
        %eq3A_736 = arith.constant 90 : i32
        %eq3A_737 = vector.broadcast %eq3A_736 : i32 to vector<16xi32>
        %eq3A_738 = arith.cmpi eq, %min3A_684, %eq3A_737 : vector<16xi32>
        %or3A_739 = arith.ori %eq3A_735, %eq3A_738 : vector<16xi1>
        %jit3A_740 = arith.constant 0 : i32
        %broadcast_in_dim3A_741 = vector.broadcast %jit3A_740 : i32 to vector<16xi32>
        %select_n3A_742 = arith.select %or3A, %broadcast_in_dim3A_741, %select_n3A_720 : vector<16xi1>, vector<16xi32>
        %jit3A_743 = arith.constant 0 : i32
        %broadcast_in_dim3A_744 = vector.broadcast %jit3A_743 : i32 to vector<16xi32>
        %select_n3A_745 = arith.select %or3A, %broadcast_in_dim3A_744, %select_n3A_726 : vector<16xi1>, vector<16xi32>
        %jit3A_746 = arith.constant 0 : i32
        %broadcast_in_dim3A_747 = vector.broadcast %jit3A_746 : i32 to vector<16xi32>
        %select_n3A_748 = arith.select %or3A_739, %broadcast_in_dim3A_747, %select_n3A_720 : vector<16xi1>, vector<16xi32>
        %jit3A_749 = arith.constant 0 : i32
        %broadcast_in_dim3A_750 = vector.broadcast %jit3A_749 : i32 to vector<16xi32>
        %select_n3A_751 = arith.select %or3A_739, %broadcast_in_dim3A_750, %select_n3A_726 : vector<16xi1>, vector<16xi32>
        %mul3A_752 = arith.constant 181 : i32
        %mul3A_753 = vector.broadcast %mul3A_752 : i32 to vector<16xi32>
        %mul3A_754 = arith.muli %min3A_678, %mul3A_753 : vector<16xi32>
        %mul3A_755 = arith.constant 181 : i32
        %mul3A_756 = vector.broadcast %mul3A_755 : i32 to vector<16xi32>
        %mul3A_757 = arith.muli %min3A_684, %mul3A_756 : vector<16xi32>
        %add3A_758 = arith.addi %mul3A_754, %select_n3A_742 : vector<16xi32>
        %add3A_759 = arith.addi %mul3A_754, %select_n3A_745 : vector<16xi32>
        %add3A_760 = arith.addi %mul3A_757, %select_n3A_748 : vector<16xi32>
        %add3A_761 = arith.addi %mul3A_757, %select_n3A_751 : vector<16xi32>
        %mul3A_762 = arith.mulf %sub3A_698, %sub3A_710 : vector<16xf32>
        %mul3A_763 = arith.mulf %sub3A_698, %sub3A_716 : vector<16xf32>
        %mul3A_764 = arith.mulf %sub3A_704, %sub3A_710 : vector<16xf32>
        %mul3A_765 = arith.mulf %sub3A_704, %sub3A_716 : vector<16xf32>
        %mul3A_766 = arith.constant 2 : i32
        %mul3A_767 = vector.broadcast %mul3A_766 : i32 to vector<16xi32>
        %mul3A_768 = arith.muli %add3A_758, %mul3A_767 : vector<16xi32>
        %add3A_769 = arith.constant 0 : i32
        %add3A_770 = vector.broadcast %add3A_769 : i32 to vector<16xi32>
        %add3A_771 = arith.addi %mul3A_768, %add3A_770 : vector<16xi32>
        %gather3A = tpu.vector_load_idx %arg16[%add3A_771] : memref<32942xf32, #tpu.memory_space<vmem>>[vector<16xi32>], vector<16xf32>,
        %mul3A_772 = arith.mulf %mul3A_762, %gather3A : vector<16xf32>
        %mul3A_773 = arith.constant 2 : i32
        %mul3A_774 = vector.broadcast %mul3A_773 : i32 to vector<16xi32>
        %mul3A_775 = arith.muli %add3A_759, %mul3A_774 : vector<16xi32>
        %add3A_776 = arith.constant 0 : i32
        %add3A_777 = vector.broadcast %add3A_776 : i32 to vector<16xi32>
        %add3A_778 = arith.addi %mul3A_775, %add3A_777 : vector<16xi32>
        %gather3A_779 = tpu.vector_load_idx %arg16[%add3A_778] : memref<32942xf32, #tpu.memory_space<vmem>>[vector<16xi32>], vector<16xf32>,
        %mul3A_780 = arith.mulf %mul3A_763, %gather3A_779 : vector<16xf32>
        %add3A_781 = arith.addf %mul3A_772, %mul3A_780 : vector<16xf32>
        %mul3A_782 = arith.constant 2 : i32
        %mul3A_783 = vector.broadcast %mul3A_782 : i32 to vector<16xi32>
        %mul3A_784 = arith.muli %add3A_760, %mul3A_783 : vector<16xi32>
        %add3A_785 = arith.constant 0 : i32
        %add3A_786 = vector.broadcast %add3A_785 : i32 to vector<16xi32>
        %add3A_787 = arith.addi %mul3A_784, %add3A_786 : vector<16xi32>
        %gather3A_788 = tpu.vector_load_idx %arg16[%add3A_787] : memref<32942xf32, #tpu.memory_space<vmem>>[vector<16xi32>], vector<16xf32>,
        %mul3A_789 = arith.mulf %mul3A_764, %gather3A_788 : vector<16xf32>
        %add3A_790 = arith.addf %add3A_781, %mul3A_789 : vector<16xf32>
        %mul3A_791 = arith.constant 2 : i32
        %mul3A_792 = vector.broadcast %mul3A_791 : i32 to vector<16xi32>
        %mul3A_793 = arith.muli %add3A_761, %mul3A_792 : vector<16xi32>
        %add3A_794 = arith.constant 0 : i32
        %add3A_795 = vector.broadcast %add3A_794 : i32 to vector<16xi32>
        %add3A_796 = arith.addi %mul3A_793, %add3A_795 : vector<16xi32>
        %gather3A_797 = tpu.vector_load_idx %arg16[%add3A_796] : memref<32942xf32, #tpu.memory_space<vmem>>[vector<16xi32>], vector<16xf32>,
        %mul3A_798 = arith.mulf %mul3A_765, %gather3A_797 : vector<16xf32>
        %add3A_799 = arith.addf %add3A_790, %mul3A_798 : vector<16xf32>
        %broadcast_in_dim3A_800 = arith.constant 6 : i32
        %broadcast_in_dim3A_801 = vector.broadcast %broadcast_in_dim3A_800 : i32 to vector<16xi32>
        tpu.vector_store_idx %arg23[%add3A_669, %broadcast_in_dim3A_801], %add3A_799 : memref<128x14xf32, #tpu.memory_space<vmem>>[vector<16xi32>, vector<16xi32>], vector<16xf32>,
        %mul3A_802 = arith.constant 2 : i32
        %mul3A_803 = vector.broadcast %mul3A_802 : i32 to vector<16xi32>
        %mul3A_804 = arith.muli %add3A_758, %mul3A_803 : vector<16xi32>
        %add3A_805 = arith.constant 1 : i32
        %add3A_806 = vector.broadcast %add3A_805 : i32 to vector<16xi32>
        %add3A_807 = arith.addi %mul3A_804, %add3A_806 : vector<16xi32>
        %gather3A_808 = tpu.vector_load_idx %arg16[%add3A_807] : memref<32942xf32, #tpu.memory_space<vmem>>[vector<16xi32>], vector<16xf32>,
        %mul3A_809 = arith.mulf %mul3A_762, %gather3A_808 : vector<16xf32>
        %mul3A_810 = arith.constant 2 : i32
        %mul3A_811 = vector.broadcast %mul3A_810 : i32 to vector<16xi32>
        %mul3A_812 = arith.muli %add3A_759, %mul3A_811 : vector<16xi32>
        %add3A_813 = arith.constant 1 : i32
        %add3A_814 = vector.broadcast %add3A_813 : i32 to vector<16xi32>
        %add3A_815 = arith.addi %mul3A_812, %add3A_814 : vector<16xi32>
        %gather3A_816 = tpu.vector_load_idx %arg16[%add3A_815] : memref<32942xf32, #tpu.memory_space<vmem>>[vector<16xi32>], vector<16xf32>,
        %mul3A_817 = arith.mulf %mul3A_763, %gather3A_816 : vector<16xf32>
        %add3A_818 = arith.addf %mul3A_809, %mul3A_817 : vector<16xf32>
        %mul3A_819 = arith.constant 2 : i32
        %mul3A_820 = vector.broadcast %mul3A_819 : i32 to vector<16xi32>
        %mul3A_821 = arith.muli %add3A_760, %mul3A_820 : vector<16xi32>
        %add3A_822 = arith.constant 1 : i32
        %add3A_823 = vector.broadcast %add3A_822 : i32 to vector<16xi32>
        %add3A_824 = arith.addi %mul3A_821, %add3A_823 : vector<16xi32>
        %gather3A_825 = tpu.vector_load_idx %arg16[%add3A_824] : memref<32942xf32, #tpu.memory_space<vmem>>[vector<16xi32>], vector<16xf32>,
        %mul3A_826 = arith.mulf %mul3A_764, %gather3A_825 : vector<16xf32>
        %add3A_827 = arith.addf %add3A_818, %mul3A_826 : vector<16xf32>
        %mul3A_828 = arith.constant 2 : i32
        %mul3A_829 = vector.broadcast %mul3A_828 : i32 to vector<16xi32>
        %mul3A_830 = arith.muli %add3A_761, %mul3A_829 : vector<16xi32>
        %add3A_831 = arith.constant 1 : i32
        %add3A_832 = vector.broadcast %add3A_831 : i32 to vector<16xi32>
        %add3A_833 = arith.addi %mul3A_830, %add3A_832 : vector<16xi32>
        %gather3A_834 = tpu.vector_load_idx %arg16[%add3A_833] : memref<32942xf32, #tpu.memory_space<vmem>>[vector<16xi32>], vector<16xf32>,
        %mul3A_835 = arith.mulf %mul3A_765, %gather3A_834 : vector<16xf32>
        %add3A_836 = arith.addf %add3A_827, %mul3A_835 : vector<16xf32>
        %broadcast_in_dim3A_837 = arith.constant 7 : i32
        %broadcast_in_dim3A_838 = vector.broadcast %broadcast_in_dim3A_837 : i32 to vector<16xi32>
        tpu.vector_store_idx %arg23[%add3A_669, %broadcast_in_dim3A_838], %add3A_836 : memref<128x14xf32, #tpu.memory_space<vmem>>[vector<16xi32>, vector<16xi32>], vector<16xf32>,
        %mul3A_839 = arith.constant 4.500000e+01 : f32
        %mul3A_840 = vector.broadcast %mul3A_839 : f32 to vector<16xf32>
        %mul3A_841 = arith.mulf %div3A_659, %mul3A_840 : vector<16xf32>
        %mul3A_842 = arith.constant 4.500000e+01 : f32
        %mul3A_843 = vector.broadcast %mul3A_842 : f32 to vector<16xf32>
        %mul3A_844 = arith.mulf %mul3A_665, %mul3A_843 : vector<16xf32>
        %convert_element_type3A_845 = arith.fptosi %mul3A_841 : vector<16xf32> to vector<16xi32>
        %convert_element_type3A_846 = arith.fptosi %mul3A_844 : vector<16xf32> to vector<16xi32>
        %min3A_847 = arith.constant 45 : i32
        %min3A_848 = vector.broadcast %min3A_847 : i32 to vector<16xi32>
        %min3A_849 = arith.minsi %convert_element_type3A_845, %min3A_848 : vector<16xi32>
        %add3A_850 = arith.constant 1 : i32
        %add3A_851 = vector.broadcast %add3A_850 : i32 to vector<16xi32>
        %add3A_852 = arith.addi %convert_element_type3A_845, %add3A_851 : vector<16xi32>
        %min3A_853 = arith.constant 45 : i32
        %min3A_854 = vector.broadcast %min3A_853 : i32 to vector<16xi32>
        %min3A_855 = arith.minsi %add3A_852, %min3A_854 : vector<16xi32>
        %min3A_856 = arith.constant 90 : i32
        %min3A_857 = vector.broadcast %min3A_856 : i32 to vector<16xi32>
        %min3A_858 = arith.minsi %convert_element_type3A_846, %min3A_857 : vector<16xi32>
        %add3A_859 = arith.constant 1 : i32
        %add3A_860 = vector.broadcast %add3A_859 : i32 to vector<16xi32>
        %add3A_861 = arith.addi %convert_element_type3A_846, %add3A_860 : vector<16xi32>
        %min3A_862 = arith.constant 90 : i32
        %min3A_863 = vector.broadcast %min3A_862 : i32 to vector<16xi32>
        %min3A_864 = arith.minsi %add3A_861, %min3A_863 : vector<16xi32>
        %convert_element_type3A_865 = arith.sitofp %min3A_849 : vector<16xi32> to vector<16xf32>
        %sub3A_866 = arith.subf %mul3A_841, %convert_element_type3A_865 : vector<16xf32>
        %abs3A_867 = math.absf %sub3A_866 : vector<16xf32>
        %sub3A_868 = arith.constant 1.000000e+00 : f32
        %sub3A_869 = vector.broadcast %sub3A_868 : f32 to vector<16xf32>
        %sub3A_870 = arith.subf %sub3A_869, %abs3A_867 : vector<16xf32>
        %convert_element_type3A_871 = arith.sitofp %min3A_855 : vector<16xi32> to vector<16xf32>
        %sub3A_872 = arith.subf %mul3A_841, %convert_element_type3A_871 : vector<16xf32>
        %abs3A_873 = math.absf %sub3A_872 : vector<16xf32>
        %sub3A_874 = arith.constant 1.000000e+00 : f32
        %sub3A_875 = vector.broadcast %sub3A_874 : f32 to vector<16xf32>
        %sub3A_876 = arith.subf %sub3A_875, %abs3A_873 : vector<16xf32>
        %convert_element_type3A_877 = arith.sitofp %min3A_858 : vector<16xi32> to vector<16xf32>
        %sub3A_878 = arith.subf %mul3A_844, %convert_element_type3A_877 : vector<16xf32>
        %abs3A_879 = math.absf %sub3A_878 : vector<16xf32>
        %sub3A_880 = arith.constant 1.000000e+00 : f32
        %sub3A_881 = vector.broadcast %sub3A_880 : f32 to vector<16xf32>
        %sub3A_882 = arith.subf %sub3A_881, %abs3A_879 : vector<16xf32>
        %convert_element_type3A_883 = arith.sitofp %min3A_864 : vector<16xi32> to vector<16xf32>
        %sub3A_884 = arith.subf %mul3A_844, %convert_element_type3A_883 : vector<16xf32>
        %abs3A_885 = math.absf %sub3A_884 : vector<16xf32>
        %sub3A_886 = arith.constant 1.000000e+00 : f32
        %sub3A_887 = vector.broadcast %sub3A_886 : f32 to vector<16xf32>
        %sub3A_888 = arith.subf %sub3A_887, %abs3A_885 : vector<16xf32>
        %eq3A_889 = arith.constant 90 : i32
        %eq3A_890 = vector.broadcast %eq3A_889 : i32 to vector<16xi32>
        %eq3A_891 = arith.cmpi eq, %min3A_858, %eq3A_890 : vector<16xi32>
        %jit3A_892 = arith.constant 0 : i32
        %broadcast_in_dim3A_893 = vector.broadcast %jit3A_892 : i32 to vector<16xi32>
        %select_n3A_894 = arith.select %eq3A_891, %broadcast_in_dim3A_893, %min3A_858 : vector<16xi1>, vector<16xi32>
        %eq3A_895 = arith.constant 90 : i32
        %eq3A_896 = vector.broadcast %eq3A_895 : i32 to vector<16xi32>
        %eq3A_897 = arith.cmpi eq, %min3A_864, %eq3A_896 : vector<16xi32>
        %jit3A_898 = arith.constant 0 : i32
        %broadcast_in_dim3A_899 = vector.broadcast %jit3A_898 : i32 to vector<16xi32>
        %select_n3A_900 = arith.select %eq3A_897, %broadcast_in_dim3A_899, %min3A_864 : vector<16xi1>, vector<16xi32>
        %eq3A_901 = arith.constant 0 : i32
        %eq3A_902 = vector.broadcast %eq3A_901 : i32 to vector<16xi32>
        %eq3A_903 = arith.cmpi eq, %min3A_849, %eq3A_902 : vector<16xi32>
        %eq3A_904 = arith.constant 45 : i32
        %eq3A_905 = vector.broadcast %eq3A_904 : i32 to vector<16xi32>
        %eq3A_906 = arith.cmpi eq, %min3A_849, %eq3A_905 : vector<16xi32>
        %or3A_907 = arith.ori %eq3A_903, %eq3A_906 : vector<16xi1>
        %eq3A_908 = arith.constant 0 : i32
        %eq3A_909 = vector.broadcast %eq3A_908 : i32 to vector<16xi32>
        %eq3A_910 = arith.cmpi eq, %min3A_855, %eq3A_909 : vector<16xi32>
        %eq3A_911 = arith.constant 45 : i32
        %eq3A_912 = vector.broadcast %eq3A_911 : i32 to vector<16xi32>
        %eq3A_913 = arith.cmpi eq, %min3A_855, %eq3A_912 : vector<16xi32>
        %or3A_914 = arith.ori %eq3A_910, %eq3A_913 : vector<16xi1>
        %jit3A_915 = arith.constant 0 : i32
        %broadcast_in_dim3A_916 = vector.broadcast %jit3A_915 : i32 to vector<16xi32>
        %select_n3A_917 = arith.select %or3A_907, %broadcast_in_dim3A_916, %select_n3A_894 : vector<16xi1>, vector<16xi32>
        %jit3A_918 = arith.constant 0 : i32
        %broadcast_in_dim3A_919 = vector.broadcast %jit3A_918 : i32 to vector<16xi32>
        %select_n3A_920 = arith.select %or3A_907, %broadcast_in_dim3A_919, %select_n3A_900 : vector<16xi1>, vector<16xi32>
        %jit3A_921 = arith.constant 0 : i32
        %broadcast_in_dim3A_922 = vector.broadcast %jit3A_921 : i32 to vector<16xi32>
        %select_n3A_923 = arith.select %or3A_914, %broadcast_in_dim3A_922, %select_n3A_894 : vector<16xi1>, vector<16xi32>
        %jit3A_924 = arith.constant 0 : i32
        %broadcast_in_dim3A_925 = vector.broadcast %jit3A_924 : i32 to vector<16xi32>
        %select_n3A_926 = arith.select %or3A_914, %broadcast_in_dim3A_925, %select_n3A_900 : vector<16xi1>, vector<16xi32>
        %mul3A_927 = arith.constant 91 : i32
        %mul3A_928 = vector.broadcast %mul3A_927 : i32 to vector<16xi32>
        %mul3A_929 = arith.muli %min3A_849, %mul3A_928 : vector<16xi32>
        %mul3A_930 = arith.constant 91 : i32
        %mul3A_931 = vector.broadcast %mul3A_930 : i32 to vector<16xi32>
        %mul3A_932 = arith.muli %min3A_855, %mul3A_931 : vector<16xi32>
        %add3A_933 = arith.addi %mul3A_929, %select_n3A_917 : vector<16xi32>
        %add3A_934 = arith.addi %mul3A_929, %select_n3A_920 : vector<16xi32>
        %add3A_935 = arith.addi %mul3A_932, %select_n3A_923 : vector<16xi32>
        %add3A_936 = arith.addi %mul3A_932, %select_n3A_926 : vector<16xi32>
        %mul3A_937 = arith.mulf %sub3A_870, %sub3A_882 : vector<16xf32>
        %mul3A_938 = arith.mulf %sub3A_870, %sub3A_888 : vector<16xf32>
        %mul3A_939 = arith.mulf %sub3A_876, %sub3A_882 : vector<16xf32>
        %mul3A_940 = arith.mulf %sub3A_876, %sub3A_888 : vector<16xf32>
        %mul3A_941 = arith.constant 2 : i32
        %mul3A_942 = vector.broadcast %mul3A_941 : i32 to vector<16xi32>
        %mul3A_943 = arith.muli %add3A_933, %mul3A_942 : vector<16xi32>
        %add3A_944 = arith.constant 0 : i32
        %add3A_945 = vector.broadcast %add3A_944 : i32 to vector<16xi32>
        %add3A_946 = arith.addi %mul3A_943, %add3A_945 : vector<16xi32>
        %gather3A_947 = tpu.vector_load_idx %arg17[%add3A_946] : memref<8372xf32, #tpu.memory_space<vmem>>[vector<16xi32>], vector<16xf32>,
        %mul3A_948 = arith.mulf %mul3A_937, %gather3A_947 : vector<16xf32>
        %mul3A_949 = arith.constant 2 : i32
        %mul3A_950 = vector.broadcast %mul3A_949 : i32 to vector<16xi32>
        %mul3A_951 = arith.muli %add3A_934, %mul3A_950 : vector<16xi32>
        %add3A_952 = arith.constant 0 : i32
        %add3A_953 = vector.broadcast %add3A_952 : i32 to vector<16xi32>
        %add3A_954 = arith.addi %mul3A_951, %add3A_953 : vector<16xi32>
        %gather3A_955 = tpu.vector_load_idx %arg17[%add3A_954] : memref<8372xf32, #tpu.memory_space<vmem>>[vector<16xi32>], vector<16xf32>,
        %mul3A_956 = arith.mulf %mul3A_938, %gather3A_955 : vector<16xf32>
        %add3A_957 = arith.addf %mul3A_948, %mul3A_956 : vector<16xf32>
        %mul3A_958 = arith.constant 2 : i32
        %mul3A_959 = vector.broadcast %mul3A_958 : i32 to vector<16xi32>
        %mul3A_960 = arith.muli %add3A_935, %mul3A_959 : vector<16xi32>
        %add3A_961 = arith.constant 0 : i32
        %add3A_962 = vector.broadcast %add3A_961 : i32 to vector<16xi32>
        %add3A_963 = arith.addi %mul3A_960, %add3A_962 : vector<16xi32>
        %gather3A_964 = tpu.vector_load_idx %arg17[%add3A_963] : memref<8372xf32, #tpu.memory_space<vmem>>[vector<16xi32>], vector<16xf32>,
        %mul3A_965 = arith.mulf %mul3A_939, %gather3A_964 : vector<16xf32>
        %add3A_966 = arith.addf %add3A_957, %mul3A_965 : vector<16xf32>
        %mul3A_967 = arith.constant 2 : i32
        %mul3A_968 = vector.broadcast %mul3A_967 : i32 to vector<16xi32>
        %mul3A_969 = arith.muli %add3A_936, %mul3A_968 : vector<16xi32>
        %add3A_970 = arith.constant 0 : i32
        %add3A_971 = vector.broadcast %add3A_970 : i32 to vector<16xi32>
        %add3A_972 = arith.addi %mul3A_969, %add3A_971 : vector<16xi32>
        %gather3A_973 = tpu.vector_load_idx %arg17[%add3A_972] : memref<8372xf32, #tpu.memory_space<vmem>>[vector<16xi32>], vector<16xf32>,
        %mul3A_974 = arith.mulf %mul3A_940, %gather3A_973 : vector<16xf32>
        %add3A_975 = arith.addf %add3A_966, %mul3A_974 : vector<16xf32>
        %broadcast_in_dim3A_976 = arith.constant 8 : i32
        %broadcast_in_dim3A_977 = vector.broadcast %broadcast_in_dim3A_976 : i32 to vector<16xi32>
        tpu.vector_store_idx %arg23[%add3A_669, %broadcast_in_dim3A_977], %add3A_975 : memref<128x14xf32, #tpu.memory_space<vmem>>[vector<16xi32>, vector<16xi32>], vector<16xf32>,
        %mul3A_978 = arith.constant 2 : i32
        %mul3A_979 = vector.broadcast %mul3A_978 : i32 to vector<16xi32>
        %mul3A_980 = arith.muli %add3A_933, %mul3A_979 : vector<16xi32>
        %add3A_981 = arith.constant 1 : i32
        %add3A_982 = vector.broadcast %add3A_981 : i32 to vector<16xi32>
        %add3A_983 = arith.addi %mul3A_980, %add3A_982 : vector<16xi32>
        %gather3A_984 = tpu.vector_load_idx %arg17[%add3A_983] : memref<8372xf32, #tpu.memory_space<vmem>>[vector<16xi32>], vector<16xf32>,
        %mul3A_985 = arith.mulf %mul3A_937, %gather3A_984 : vector<16xf32>
        %mul3A_986 = arith.constant 2 : i32
        %mul3A_987 = vector.broadcast %mul3A_986 : i32 to vector<16xi32>
        %mul3A_988 = arith.muli %add3A_934, %mul3A_987 : vector<16xi32>
        %add3A_989 = arith.constant 1 : i32
        %add3A_990 = vector.broadcast %add3A_989 : i32 to vector<16xi32>
        %add3A_991 = arith.addi %mul3A_988, %add3A_990 : vector<16xi32>
        %gather3A_992 = tpu.vector_load_idx %arg17[%add3A_991] : memref<8372xf32, #tpu.memory_space<vmem>>[vector<16xi32>], vector<16xf32>,
        %mul3A_993 = arith.mulf %mul3A_938, %gather3A_992 : vector<16xf32>
        %add3A_994 = arith.addf %mul3A_985, %mul3A_993 : vector<16xf32>
        %mul3A_995 = arith.constant 2 : i32
        %mul3A_996 = vector.broadcast %mul3A_995 : i32 to vector<16xi32>
        %mul3A_997 = arith.muli %add3A_935, %mul3A_996 : vector<16xi32>
        %add3A_998 = arith.constant 1 : i32
        %add3A_999 = vector.broadcast %add3A_998 : i32 to vector<16xi32>
        %add3A_1000 = arith.addi %mul3A_997, %add3A_999 : vector<16xi32>
        %gather3A_1001 = tpu.vector_load_idx %arg17[%add3A_1000] : memref<8372xf32, #tpu.memory_space<vmem>>[vector<16xi32>], vector<16xf32>,
        %mul3A_1002 = arith.mulf %mul3A_939, %gather3A_1001 : vector<16xf32>
        %add3A_1003 = arith.addf %add3A_994, %mul3A_1002 : vector<16xf32>
        %mul3A_1004 = arith.constant 2 : i32
        %mul3A_1005 = vector.broadcast %mul3A_1004 : i32 to vector<16xi32>
        %mul3A_1006 = arith.muli %add3A_936, %mul3A_1005 : vector<16xi32>
        %add3A_1007 = arith.constant 1 : i32
        %add3A_1008 = vector.broadcast %add3A_1007 : i32 to vector<16xi32>
        %add3A_1009 = arith.addi %mul3A_1006, %add3A_1008 : vector<16xi32>
        %gather3A_1010 = tpu.vector_load_idx %arg17[%add3A_1009] : memref<8372xf32, #tpu.memory_space<vmem>>[vector<16xi32>], vector<16xf32>,
        %mul3A_1011 = arith.mulf %mul3A_940, %gather3A_1010 : vector<16xf32>
        %add3A_1012 = arith.addf %add3A_1003, %mul3A_1011 : vector<16xf32>
        %broadcast_in_dim3A_1013 = arith.constant 9 : i32
        %broadcast_in_dim3A_1014 = vector.broadcast %broadcast_in_dim3A_1013 : i32 to vector<16xi32>
        tpu.vector_store_idx %arg23[%add3A_669, %broadcast_in_dim3A_1014], %add3A_1012 : memref<128x14xf32, #tpu.memory_space<vmem>>[vector<16xi32>, vector<16xi32>], vector<16xf32>,
        %mul3A_1015 = arith.constant 2.200000e+01 : f32
        %mul3A_1016 = vector.broadcast %mul3A_1015 : f32 to vector<16xf32>
        %mul3A_1017 = arith.mulf %div3A_659, %mul3A_1016 : vector<16xf32>
        %mul3A_1018 = arith.constant 2.200000e+01 : f32
        %mul3A_1019 = vector.broadcast %mul3A_1018 : f32 to vector<16xf32>
        %mul3A_1020 = arith.mulf %mul3A_665, %mul3A_1019 : vector<16xf32>
        %convert_element_type3A_1021 = arith.fptosi %mul3A_1017 : vector<16xf32> to vector<16xi32>
        %convert_element_type3A_1022 = arith.fptosi %mul3A_1020 : vector<16xf32> to vector<16xi32>
        %min3A_1023 = arith.constant 22 : i32
        %min3A_1024 = vector.broadcast %min3A_1023 : i32 to vector<16xi32>
        %min3A_1025 = arith.minsi %convert_element_type3A_1021, %min3A_1024 : vector<16xi32>
        %add3A_1026 = arith.constant 1 : i32
        %add3A_1027 = vector.broadcast %add3A_1026 : i32 to vector<16xi32>
        %add3A_1028 = arith.addi %convert_element_type3A_1021, %add3A_1027 : vector<16xi32>
        %min3A_1029 = arith.constant 22 : i32
        %min3A_1030 = vector.broadcast %min3A_1029 : i32 to vector<16xi32>
        %min3A_1031 = arith.minsi %add3A_1028, %min3A_1030 : vector<16xi32>
        %min3A_1032 = arith.constant 44 : i32
        %min3A_1033 = vector.broadcast %min3A_1032 : i32 to vector<16xi32>
        %min3A_1034 = arith.minsi %convert_element_type3A_1022, %min3A_1033 : vector<16xi32>
        %add3A_1035 = arith.constant 1 : i32
        %add3A_1036 = vector.broadcast %add3A_1035 : i32 to vector<16xi32>
        %add3A_1037 = arith.addi %convert_element_type3A_1022, %add3A_1036 : vector<16xi32>
        %min3A_1038 = arith.constant 44 : i32
        %min3A_1039 = vector.broadcast %min3A_1038 : i32 to vector<16xi32>
        %min3A_1040 = arith.minsi %add3A_1037, %min3A_1039 : vector<16xi32>
        %convert_element_type3A_1041 = arith.sitofp %min3A_1025 : vector<16xi32> to vector<16xf32>
        %sub3A_1042 = arith.subf %mul3A_1017, %convert_element_type3A_1041 : vector<16xf32>
        %abs3A_1043 = math.absf %sub3A_1042 : vector<16xf32>
        %sub3A_1044 = arith.constant 1.000000e+00 : f32
        %sub3A_1045 = vector.broadcast %sub3A_1044 : f32 to vector<16xf32>
        %sub3A_1046 = arith.subf %sub3A_1045, %abs3A_1043 : vector<16xf32>
        %convert_element_type3A_1047 = arith.sitofp %min3A_1031 : vector<16xi32> to vector<16xf32>
        %sub3A_1048 = arith.subf %mul3A_1017, %convert_element_type3A_1047 : vector<16xf32>
        %abs3A_1049 = math.absf %sub3A_1048 : vector<16xf32>
        %sub3A_1050 = arith.constant 1.000000e+00 : f32
        %sub3A_1051 = vector.broadcast %sub3A_1050 : f32 to vector<16xf32>
        %sub3A_1052 = arith.subf %sub3A_1051, %abs3A_1049 : vector<16xf32>
        %convert_element_type3A_1053 = arith.sitofp %min3A_1034 : vector<16xi32> to vector<16xf32>
        %sub3A_1054 = arith.subf %mul3A_1020, %convert_element_type3A_1053 : vector<16xf32>
        %abs3A_1055 = math.absf %sub3A_1054 : vector<16xf32>
        %sub3A_1056 = arith.constant 1.000000e+00 : f32
        %sub3A_1057 = vector.broadcast %sub3A_1056 : f32 to vector<16xf32>
        %sub3A_1058 = arith.subf %sub3A_1057, %abs3A_1055 : vector<16xf32>
        %convert_element_type3A_1059 = arith.sitofp %min3A_1040 : vector<16xi32> to vector<16xf32>
        %sub3A_1060 = arith.subf %mul3A_1020, %convert_element_type3A_1059 : vector<16xf32>
        %abs3A_1061 = math.absf %sub3A_1060 : vector<16xf32>
        %sub3A_1062 = arith.constant 1.000000e+00 : f32
        %sub3A_1063 = vector.broadcast %sub3A_1062 : f32 to vector<16xf32>
        %sub3A_1064 = arith.subf %sub3A_1063, %abs3A_1061 : vector<16xf32>
        %eq3A_1065 = arith.constant 44 : i32
        %eq3A_1066 = vector.broadcast %eq3A_1065 : i32 to vector<16xi32>
        %eq3A_1067 = arith.cmpi eq, %min3A_1034, %eq3A_1066 : vector<16xi32>
        %jit3A_1068 = arith.constant 0 : i32
        %broadcast_in_dim3A_1069 = vector.broadcast %jit3A_1068 : i32 to vector<16xi32>
        %select_n3A_1070 = arith.select %eq3A_1067, %broadcast_in_dim3A_1069, %min3A_1034 : vector<16xi1>, vector<16xi32>
        %eq3A_1071 = arith.constant 44 : i32
        %eq3A_1072 = vector.broadcast %eq3A_1071 : i32 to vector<16xi32>
        %eq3A_1073 = arith.cmpi eq, %min3A_1040, %eq3A_1072 : vector<16xi32>
        %jit3A_1074 = arith.constant 0 : i32
        %broadcast_in_dim3A_1075 = vector.broadcast %jit3A_1074 : i32 to vector<16xi32>
        %select_n3A_1076 = arith.select %eq3A_1073, %broadcast_in_dim3A_1075, %min3A_1040 : vector<16xi1>, vector<16xi32>
        %eq3A_1077 = arith.constant 0 : i32
        %eq3A_1078 = vector.broadcast %eq3A_1077 : i32 to vector<16xi32>
        %eq3A_1079 = arith.cmpi eq, %min3A_1025, %eq3A_1078 : vector<16xi32>
        %eq3A_1080 = arith.constant 22 : i32
        %eq3A_1081 = vector.broadcast %eq3A_1080 : i32 to vector<16xi32>
        %eq3A_1082 = arith.cmpi eq, %min3A_1025, %eq3A_1081 : vector<16xi32>
        %or3A_1083 = arith.ori %eq3A_1079, %eq3A_1082 : vector<16xi1>
        %eq3A_1084 = arith.constant 0 : i32
        %eq3A_1085 = vector.broadcast %eq3A_1084 : i32 to vector<16xi32>
        %eq3A_1086 = arith.cmpi eq, %min3A_1031, %eq3A_1085 : vector<16xi32>
        %eq3A_1087 = arith.constant 22 : i32
        %eq3A_1088 = vector.broadcast %eq3A_1087 : i32 to vector<16xi32>
        %eq3A_1089 = arith.cmpi eq, %min3A_1031, %eq3A_1088 : vector<16xi32>
        %or3A_1090 = arith.ori %eq3A_1086, %eq3A_1089 : vector<16xi1>
        %jit3A_1091 = arith.constant 0 : i32
        %broadcast_in_dim3A_1092 = vector.broadcast %jit3A_1091 : i32 to vector<16xi32>
        %select_n3A_1093 = arith.select %or3A_1083, %broadcast_in_dim3A_1092, %select_n3A_1070 : vector<16xi1>, vector<16xi32>
        %jit3A_1094 = arith.constant 0 : i32
        %broadcast_in_dim3A_1095 = vector.broadcast %jit3A_1094 : i32 to vector<16xi32>
        %select_n3A_1096 = arith.select %or3A_1083, %broadcast_in_dim3A_1095, %select_n3A_1076 : vector<16xi1>, vector<16xi32>
        %jit3A_1097 = arith.constant 0 : i32
        %broadcast_in_dim3A_1098 = vector.broadcast %jit3A_1097 : i32 to vector<16xi32>
        %select_n3A_1099 = arith.select %or3A_1090, %broadcast_in_dim3A_1098, %select_n3A_1070 : vector<16xi1>, vector<16xi32>
        %jit3A_1100 = arith.constant 0 : i32
        %broadcast_in_dim3A_1101 = vector.broadcast %jit3A_1100 : i32 to vector<16xi32>
        %select_n3A_1102 = arith.select %or3A_1090, %broadcast_in_dim3A_1101, %select_n3A_1076 : vector<16xi1>, vector<16xi32>
        %mul3A_1103 = arith.constant 45 : i32
        %mul3A_1104 = vector.broadcast %mul3A_1103 : i32 to vector<16xi32>
        %mul3A_1105 = arith.muli %min3A_1025, %mul3A_1104 : vector<16xi32>
        %mul3A_1106 = arith.constant 45 : i32
        %mul3A_1107 = vector.broadcast %mul3A_1106 : i32 to vector<16xi32>
        %mul3A_1108 = arith.muli %min3A_1031, %mul3A_1107 : vector<16xi32>
        %add3A_1109 = arith.addi %mul3A_1105, %select_n3A_1093 : vector<16xi32>
        %add3A_1110 = arith.addi %mul3A_1105, %select_n3A_1096 : vector<16xi32>
        %add3A_1111 = arith.addi %mul3A_1108, %select_n3A_1099 : vector<16xi32>
        %add3A_1112 = arith.addi %mul3A_1108, %select_n3A_1102 : vector<16xi32>
        %mul3A_1113 = arith.mulf %sub3A_1046, %sub3A_1058 : vector<16xf32>
        %mul3A_1114 = arith.mulf %sub3A_1046, %sub3A_1064 : vector<16xf32>
        %mul3A_1115 = arith.mulf %sub3A_1052, %sub3A_1058 : vector<16xf32>
        %mul3A_1116 = arith.mulf %sub3A_1052, %sub3A_1064 : vector<16xf32>
        %mul3A_1117 = arith.constant 2 : i32
        %mul3A_1118 = vector.broadcast %mul3A_1117 : i32 to vector<16xi32>
        %mul3A_1119 = arith.muli %add3A_1109, %mul3A_1118 : vector<16xi32>
        %add3A_1120 = arith.constant 0 : i32
        %add3A_1121 = vector.broadcast %add3A_1120 : i32 to vector<16xi32>
        %add3A_1122 = arith.addi %mul3A_1119, %add3A_1121 : vector<16xi32>
        %gather3A_1123 = tpu.vector_load_idx %arg18[%add3A_1122] : memref<2070xf32, #tpu.memory_space<vmem>>[vector<16xi32>], vector<16xf32>,
        %mul3A_1124 = arith.mulf %mul3A_1113, %gather3A_1123 : vector<16xf32>
        %mul3A_1125 = arith.constant 2 : i32
        %mul3A_1126 = vector.broadcast %mul3A_1125 : i32 to vector<16xi32>
        %mul3A_1127 = arith.muli %add3A_1110, %mul3A_1126 : vector<16xi32>
        %add3A_1128 = arith.constant 0 : i32
        %add3A_1129 = vector.broadcast %add3A_1128 : i32 to vector<16xi32>
        %add3A_1130 = arith.addi %mul3A_1127, %add3A_1129 : vector<16xi32>
        %gather3A_1131 = tpu.vector_load_idx %arg18[%add3A_1130] : memref<2070xf32, #tpu.memory_space<vmem>>[vector<16xi32>], vector<16xf32>,
        %mul3A_1132 = arith.mulf %mul3A_1114, %gather3A_1131 : vector<16xf32>
        %add3A_1133 = arith.addf %mul3A_1124, %mul3A_1132 : vector<16xf32>
        %mul3A_1134 = arith.constant 2 : i32
        %mul3A_1135 = vector.broadcast %mul3A_1134 : i32 to vector<16xi32>
        %mul3A_1136 = arith.muli %add3A_1111, %mul3A_1135 : vector<16xi32>
        %add3A_1137 = arith.constant 0 : i32
        %add3A_1138 = vector.broadcast %add3A_1137 : i32 to vector<16xi32>
        %add3A_1139 = arith.addi %mul3A_1136, %add3A_1138 : vector<16xi32>
        %gather3A_1140 = tpu.vector_load_idx %arg18[%add3A_1139] : memref<2070xf32, #tpu.memory_space<vmem>>[vector<16xi32>], vector<16xf32>,
        %mul3A_1141 = arith.mulf %mul3A_1115, %gather3A_1140 : vector<16xf32>
        %add3A_1142 = arith.addf %add3A_1133, %mul3A_1141 : vector<16xf32>
        %mul3A_1143 = arith.constant 2 : i32
        %mul3A_1144 = vector.broadcast %mul3A_1143 : i32 to vector<16xi32>
        %mul3A_1145 = arith.muli %add3A_1112, %mul3A_1144 : vector<16xi32>
        %add3A_1146 = arith.constant 0 : i32
        %add3A_1147 = vector.broadcast %add3A_1146 : i32 to vector<16xi32>
        %add3A_1148 = arith.addi %mul3A_1145, %add3A_1147 : vector<16xi32>
        %gather3A_1149 = tpu.vector_load_idx %arg18[%add3A_1148] : memref<2070xf32, #tpu.memory_space<vmem>>[vector<16xi32>], vector<16xf32>,
        %mul3A_1150 = arith.mulf %mul3A_1116, %gather3A_1149 : vector<16xf32>
        %add3A_1151 = arith.addf %add3A_1142, %mul3A_1150 : vector<16xf32>
        %broadcast_in_dim3A_1152 = arith.constant 10 : i32
        %broadcast_in_dim3A_1153 = vector.broadcast %broadcast_in_dim3A_1152 : i32 to vector<16xi32>
        tpu.vector_store_idx %arg23[%add3A_669, %broadcast_in_dim3A_1153], %add3A_1151 : memref<128x14xf32, #tpu.memory_space<vmem>>[vector<16xi32>, vector<16xi32>], vector<16xf32>,
        %mul3A_1154 = arith.constant 2 : i32
        %mul3A_1155 = vector.broadcast %mul3A_1154 : i32 to vector<16xi32>
        %mul3A_1156 = arith.muli %add3A_1109, %mul3A_1155 : vector<16xi32>
        %add3A_1157 = arith.constant 1 : i32
        %add3A_1158 = vector.broadcast %add3A_1157 : i32 to vector<16xi32>
        %add3A_1159 = arith.addi %mul3A_1156, %add3A_1158 : vector<16xi32>
        %gather3A_1160 = tpu.vector_load_idx %arg18[%add3A_1159] : memref<2070xf32, #tpu.memory_space<vmem>>[vector<16xi32>], vector<16xf32>,
        %mul3A_1161 = arith.mulf %mul3A_1113, %gather3A_1160 : vector<16xf32>
        %mul3A_1162 = arith.constant 2 : i32
        %mul3A_1163 = vector.broadcast %mul3A_1162 : i32 to vector<16xi32>
        %mul3A_1164 = arith.muli %add3A_1110, %mul3A_1163 : vector<16xi32>
        %add3A_1165 = arith.constant 1 : i32
        %add3A_1166 = vector.broadcast %add3A_1165 : i32 to vector<16xi32>
        %add3A_1167 = arith.addi %mul3A_1164, %add3A_1166 : vector<16xi32>
        %gather3A_1168 = tpu.vector_load_idx %arg18[%add3A_1167] : memref<2070xf32, #tpu.memory_space<vmem>>[vector<16xi32>], vector<16xf32>,
        %mul3A_1169 = arith.mulf %mul3A_1114, %gather3A_1168 : vector<16xf32>
        %add3A_1170 = arith.addf %mul3A_1161, %mul3A_1169 : vector<16xf32>
        %mul3A_1171 = arith.constant 2 : i32
        %mul3A_1172 = vector.broadcast %mul3A_1171 : i32 to vector<16xi32>
        %mul3A_1173 = arith.muli %add3A_1111, %mul3A_1172 : vector<16xi32>
        %add3A_1174 = arith.constant 1 : i32
        %add3A_1175 = vector.broadcast %add3A_1174 : i32 to vector<16xi32>
        %add3A_1176 = arith.addi %mul3A_1173, %add3A_1175 : vector<16xi32>
        %gather3A_1177 = tpu.vector_load_idx %arg18[%add3A_1176] : memref<2070xf32, #tpu.memory_space<vmem>>[vector<16xi32>], vector<16xf32>,
        %mul3A_1178 = arith.mulf %mul3A_1115, %gather3A_1177 : vector<16xf32>
        %add3A_1179 = arith.addf %add3A_1170, %mul3A_1178 : vector<16xf32>
        %mul3A_1180 = arith.constant 2 : i32
        %mul3A_1181 = vector.broadcast %mul3A_1180 : i32 to vector<16xi32>
        %mul3A_1182 = arith.muli %add3A_1112, %mul3A_1181 : vector<16xi32>
        %add3A_1183 = arith.constant 1 : i32
        %add3A_1184 = vector.broadcast %add3A_1183 : i32 to vector<16xi32>
        %add3A_1185 = arith.addi %mul3A_1182, %add3A_1184 : vector<16xi32>
        %gather3A_1186 = tpu.vector_load_idx %arg18[%add3A_1185] : memref<2070xf32, #tpu.memory_space<vmem>>[vector<16xi32>], vector<16xf32>,
        %mul3A_1187 = arith.mulf %mul3A_1116, %gather3A_1186 : vector<16xf32>
        %add3A_1188 = arith.addf %add3A_1179, %mul3A_1187 : vector<16xf32>
        %broadcast_in_dim3A_1189 = arith.constant 11 : i32
        %broadcast_in_dim3A_1190 = vector.broadcast %broadcast_in_dim3A_1189 : i32 to vector<16xi32>
        tpu.vector_store_idx %arg23[%add3A_669, %broadcast_in_dim3A_1190], %add3A_1188 : memref<128x14xf32, #tpu.memory_space<vmem>>[vector<16xi32>, vector<16xi32>], vector<16xf32>,
        %mul3A_1191 = arith.constant 1.100000e+01 : f32
        %mul3A_1192 = vector.broadcast %mul3A_1191 : f32 to vector<16xf32>
        %mul3A_1193 = arith.mulf %div3A_659, %mul3A_1192 : vector<16xf32>
        %mul3A_1194 = arith.constant 1.100000e+01 : f32
        %mul3A_1195 = vector.broadcast %mul3A_1194 : f32 to vector<16xf32>
        %mul3A_1196 = arith.mulf %mul3A_665, %mul3A_1195 : vector<16xf32>
        %convert_element_type3A_1197 = arith.fptosi %mul3A_1193 : vector<16xf32> to vector<16xi32>
        %convert_element_type3A_1198 = arith.fptosi %mul3A_1196 : vector<16xf32> to vector<16xi32>
        %min3A_1199 = arith.constant 11 : i32
        %min3A_1200 = vector.broadcast %min3A_1199 : i32 to vector<16xi32>
        %min3A_1201 = arith.minsi %convert_element_type3A_1197, %min3A_1200 : vector<16xi32>
        %add3A_1202 = arith.constant 1 : i32
        %add3A_1203 = vector.broadcast %add3A_1202 : i32 to vector<16xi32>
        %add3A_1204 = arith.addi %convert_element_type3A_1197, %add3A_1203 : vector<16xi32>
        %min3A_1205 = arith.constant 11 : i32
        %min3A_1206 = vector.broadcast %min3A_1205 : i32 to vector<16xi32>
        %min3A_1207 = arith.minsi %add3A_1204, %min3A_1206 : vector<16xi32>
        %min3A_1208 = arith.constant 22 : i32
        %min3A_1209 = vector.broadcast %min3A_1208 : i32 to vector<16xi32>
        %min3A_1210 = arith.minsi %convert_element_type3A_1198, %min3A_1209 : vector<16xi32>
        %add3A_1211 = arith.constant 1 : i32
        %add3A_1212 = vector.broadcast %add3A_1211 : i32 to vector<16xi32>
        %add3A_1213 = arith.addi %convert_element_type3A_1198, %add3A_1212 : vector<16xi32>
        %min3A_1214 = arith.constant 22 : i32
        %min3A_1215 = vector.broadcast %min3A_1214 : i32 to vector<16xi32>
        %min3A_1216 = arith.minsi %add3A_1213, %min3A_1215 : vector<16xi32>
        %convert_element_type3A_1217 = arith.sitofp %min3A_1201 : vector<16xi32> to vector<16xf32>
        %sub3A_1218 = arith.subf %mul3A_1193, %convert_element_type3A_1217 : vector<16xf32>
        %abs3A_1219 = math.absf %sub3A_1218 : vector<16xf32>
        %sub3A_1220 = arith.constant 1.000000e+00 : f32
        %sub3A_1221 = vector.broadcast %sub3A_1220 : f32 to vector<16xf32>
        %sub3A_1222 = arith.subf %sub3A_1221, %abs3A_1219 : vector<16xf32>
        %convert_element_type3A_1223 = arith.sitofp %min3A_1207 : vector<16xi32> to vector<16xf32>
        %sub3A_1224 = arith.subf %mul3A_1193, %convert_element_type3A_1223 : vector<16xf32>
        %abs3A_1225 = math.absf %sub3A_1224 : vector<16xf32>
        %sub3A_1226 = arith.constant 1.000000e+00 : f32
        %sub3A_1227 = vector.broadcast %sub3A_1226 : f32 to vector<16xf32>
        %sub3A_1228 = arith.subf %sub3A_1227, %abs3A_1225 : vector<16xf32>
        %convert_element_type3A_1229 = arith.sitofp %min3A_1210 : vector<16xi32> to vector<16xf32>
        %sub3A_1230 = arith.subf %mul3A_1196, %convert_element_type3A_1229 : vector<16xf32>
        %abs3A_1231 = math.absf %sub3A_1230 : vector<16xf32>
        %sub3A_1232 = arith.constant 1.000000e+00 : f32
        %sub3A_1233 = vector.broadcast %sub3A_1232 : f32 to vector<16xf32>
        %sub3A_1234 = arith.subf %sub3A_1233, %abs3A_1231 : vector<16xf32>
        %convert_element_type3A_1235 = arith.sitofp %min3A_1216 : vector<16xi32> to vector<16xf32>
        %sub3A_1236 = arith.subf %mul3A_1196, %convert_element_type3A_1235 : vector<16xf32>
        %abs3A_1237 = math.absf %sub3A_1236 : vector<16xf32>
        %sub3A_1238 = arith.constant 1.000000e+00 : f32
        %sub3A_1239 = vector.broadcast %sub3A_1238 : f32 to vector<16xf32>
        %sub3A_1240 = arith.subf %sub3A_1239, %abs3A_1237 : vector<16xf32>
        %eq3A_1241 = arith.constant 22 : i32
        %eq3A_1242 = vector.broadcast %eq3A_1241 : i32 to vector<16xi32>
        %eq3A_1243 = arith.cmpi eq, %min3A_1210, %eq3A_1242 : vector<16xi32>
        %jit3A_1244 = arith.constant 0 : i32
        %broadcast_in_dim3A_1245 = vector.broadcast %jit3A_1244 : i32 to vector<16xi32>
        %select_n3A_1246 = arith.select %eq3A_1243, %broadcast_in_dim3A_1245, %min3A_1210 : vector<16xi1>, vector<16xi32>
        %eq3A_1247 = arith.constant 22 : i32
        %eq3A_1248 = vector.broadcast %eq3A_1247 : i32 to vector<16xi32>
        %eq3A_1249 = arith.cmpi eq, %min3A_1216, %eq3A_1248 : vector<16xi32>
        %jit3A_1250 = arith.constant 0 : i32
        %broadcast_in_dim3A_1251 = vector.broadcast %jit3A_1250 : i32 to vector<16xi32>
        %select_n3A_1252 = arith.select %eq3A_1249, %broadcast_in_dim3A_1251, %min3A_1216 : vector<16xi1>, vector<16xi32>
        %eq3A_1253 = arith.constant 0 : i32
        %eq3A_1254 = vector.broadcast %eq3A_1253 : i32 to vector<16xi32>
        %eq3A_1255 = arith.cmpi eq, %min3A_1201, %eq3A_1254 : vector<16xi32>
        %eq3A_1256 = arith.constant 11 : i32
        %eq3A_1257 = vector.broadcast %eq3A_1256 : i32 to vector<16xi32>
        %eq3A_1258 = arith.cmpi eq, %min3A_1201, %eq3A_1257 : vector<16xi32>
        %or3A_1259 = arith.ori %eq3A_1255, %eq3A_1258 : vector<16xi1>
        %eq3A_1260 = arith.constant 0 : i32
        %eq3A_1261 = vector.broadcast %eq3A_1260 : i32 to vector<16xi32>
        %eq3A_1262 = arith.cmpi eq, %min3A_1207, %eq3A_1261 : vector<16xi32>
        %eq3A_1263 = arith.constant 11 : i32
        %eq3A_1264 = vector.broadcast %eq3A_1263 : i32 to vector<16xi32>
        %eq3A_1265 = arith.cmpi eq, %min3A_1207, %eq3A_1264 : vector<16xi32>
        %or3A_1266 = arith.ori %eq3A_1262, %eq3A_1265 : vector<16xi1>
        %jit3A_1267 = arith.constant 0 : i32
        %broadcast_in_dim3A_1268 = vector.broadcast %jit3A_1267 : i32 to vector<16xi32>
        %select_n3A_1269 = arith.select %or3A_1259, %broadcast_in_dim3A_1268, %select_n3A_1246 : vector<16xi1>, vector<16xi32>
        %jit3A_1270 = arith.constant 0 : i32
        %broadcast_in_dim3A_1271 = vector.broadcast %jit3A_1270 : i32 to vector<16xi32>
        %select_n3A_1272 = arith.select %or3A_1259, %broadcast_in_dim3A_1271, %select_n3A_1252 : vector<16xi1>, vector<16xi32>
        %jit3A_1273 = arith.constant 0 : i32
        %broadcast_in_dim3A_1274 = vector.broadcast %jit3A_1273 : i32 to vector<16xi32>
        %select_n3A_1275 = arith.select %or3A_1266, %broadcast_in_dim3A_1274, %select_n3A_1246 : vector<16xi1>, vector<16xi32>
        %jit3A_1276 = arith.constant 0 : i32
        %broadcast_in_dim3A_1277 = vector.broadcast %jit3A_1276 : i32 to vector<16xi32>
        %select_n3A_1278 = arith.select %or3A_1266, %broadcast_in_dim3A_1277, %select_n3A_1252 : vector<16xi1>, vector<16xi32>
        %mul3A_1279 = arith.constant 23 : i32
        %mul3A_1280 = vector.broadcast %mul3A_1279 : i32 to vector<16xi32>
        %mul3A_1281 = arith.muli %min3A_1201, %mul3A_1280 : vector<16xi32>
        %mul3A_1282 = arith.constant 23 : i32
        %mul3A_1283 = vector.broadcast %mul3A_1282 : i32 to vector<16xi32>
        %mul3A_1284 = arith.muli %min3A_1207, %mul3A_1283 : vector<16xi32>
        %add3A_1285 = arith.addi %mul3A_1281, %select_n3A_1269 : vector<16xi32>
        %add3A_1286 = arith.addi %mul3A_1281, %select_n3A_1272 : vector<16xi32>
        %add3A_1287 = arith.addi %mul3A_1284, %select_n3A_1275 : vector<16xi32>
        %add3A_1288 = arith.addi %mul3A_1284, %select_n3A_1278 : vector<16xi32>
        %mul3A_1289 = arith.mulf %sub3A_1222, %sub3A_1234 : vector<16xf32>
        %mul3A_1290 = arith.mulf %sub3A_1222, %sub3A_1240 : vector<16xf32>
        %mul3A_1291 = arith.mulf %sub3A_1228, %sub3A_1234 : vector<16xf32>
        %mul3A_1292 = arith.mulf %sub3A_1228, %sub3A_1240 : vector<16xf32>
        %mul3A_1293 = arith.constant 2 : i32
        %mul3A_1294 = vector.broadcast %mul3A_1293 : i32 to vector<16xi32>
        %mul3A_1295 = arith.muli %add3A_1285, %mul3A_1294 : vector<16xi32>
        %add3A_1296 = arith.constant 0 : i32
        %add3A_1297 = vector.broadcast %add3A_1296 : i32 to vector<16xi32>
        %add3A_1298 = arith.addi %mul3A_1295, %add3A_1297 : vector<16xi32>
        %gather3A_1299 = tpu.vector_load_idx %arg19[%add3A_1298] : memref<552xf32, #tpu.memory_space<vmem>>[vector<16xi32>], vector<16xf32>,
        %mul3A_1300 = arith.mulf %mul3A_1289, %gather3A_1299 : vector<16xf32>
        %mul3A_1301 = arith.constant 2 : i32
        %mul3A_1302 = vector.broadcast %mul3A_1301 : i32 to vector<16xi32>
        %mul3A_1303 = arith.muli %add3A_1286, %mul3A_1302 : vector<16xi32>
        %add3A_1304 = arith.constant 0 : i32
        %add3A_1305 = vector.broadcast %add3A_1304 : i32 to vector<16xi32>
        %add3A_1306 = arith.addi %mul3A_1303, %add3A_1305 : vector<16xi32>
        %gather3A_1307 = tpu.vector_load_idx %arg19[%add3A_1306] : memref<552xf32, #tpu.memory_space<vmem>>[vector<16xi32>], vector<16xf32>,
        %mul3A_1308 = arith.mulf %mul3A_1290, %gather3A_1307 : vector<16xf32>
        %add3A_1309 = arith.addf %mul3A_1300, %mul3A_1308 : vector<16xf32>
        %mul3A_1310 = arith.constant 2 : i32
        %mul3A_1311 = vector.broadcast %mul3A_1310 : i32 to vector<16xi32>
        %mul3A_1312 = arith.muli %add3A_1287, %mul3A_1311 : vector<16xi32>
        %add3A_1313 = arith.constant 0 : i32
        %add3A_1314 = vector.broadcast %add3A_1313 : i32 to vector<16xi32>
        %add3A_1315 = arith.addi %mul3A_1312, %add3A_1314 : vector<16xi32>
        %gather3A_1316 = tpu.vector_load_idx %arg19[%add3A_1315] : memref<552xf32, #tpu.memory_space<vmem>>[vector<16xi32>], vector<16xf32>,
        %mul3A_1317 = arith.mulf %mul3A_1291, %gather3A_1316 : vector<16xf32>
        %add3A_1318 = arith.addf %add3A_1309, %mul3A_1317 : vector<16xf32>
        %mul3A_1319 = arith.constant 2 : i32
        %mul3A_1320 = vector.broadcast %mul3A_1319 : i32 to vector<16xi32>
        %mul3A_1321 = arith.muli %add3A_1288, %mul3A_1320 : vector<16xi32>
        %add3A_1322 = arith.constant 0 : i32
        %add3A_1323 = vector.broadcast %add3A_1322 : i32 to vector<16xi32>
        %add3A_1324 = arith.addi %mul3A_1321, %add3A_1323 : vector<16xi32>
        %gather3A_1325 = tpu.vector_load_idx %arg19[%add3A_1324] : memref<552xf32, #tpu.memory_space<vmem>>[vector<16xi32>], vector<16xf32>,
        %mul3A_1326 = arith.mulf %mul3A_1292, %gather3A_1325 : vector<16xf32>
        %add3A_1327 = arith.addf %add3A_1318, %mul3A_1326 : vector<16xf32>
        %broadcast_in_dim3A_1328 = arith.constant 12 : i32
        %broadcast_in_dim3A_1329 = vector.broadcast %broadcast_in_dim3A_1328 : i32 to vector<16xi32>
        tpu.vector_store_idx %arg23[%add3A_669, %broadcast_in_dim3A_1329], %add3A_1327 : memref<128x14xf32, #tpu.memory_space<vmem>>[vector<16xi32>, vector<16xi32>], vector<16xf32>,
        %mul3A_1330 = arith.constant 2 : i32
        %mul3A_1331 = vector.broadcast %mul3A_1330 : i32 to vector<16xi32>
        %mul3A_1332 = arith.muli %add3A_1285, %mul3A_1331 : vector<16xi32>
        %add3A_1333 = arith.constant 1 : i32
        %add3A_1334 = vector.broadcast %add3A_1333 : i32 to vector<16xi32>
        %add3A_1335 = arith.addi %mul3A_1332, %add3A_1334 : vector<16xi32>
        %gather3A_1336 = tpu.vector_load_idx %arg19[%add3A_1335] : memref<552xf32, #tpu.memory_space<vmem>>[vector<16xi32>], vector<16xf32>,
        %mul3A_1337 = arith.mulf %mul3A_1289, %gather3A_1336 : vector<16xf32>
        %mul3A_1338 = arith.constant 2 : i32
        %mul3A_1339 = vector.broadcast %mul3A_1338 : i32 to vector<16xi32>
        %mul3A_1340 = arith.muli %add3A_1286, %mul3A_1339 : vector<16xi32>
        %add3A_1341 = arith.constant 1 : i32
        %add3A_1342 = vector.broadcast %add3A_1341 : i32 to vector<16xi32>
        %add3A_1343 = arith.addi %mul3A_1340, %add3A_1342 : vector<16xi32>
        %gather3A_1344 = tpu.vector_load_idx %arg19[%add3A_1343] : memref<552xf32, #tpu.memory_space<vmem>>[vector<16xi32>], vector<16xf32>,
        %mul3A_1345 = arith.mulf %mul3A_1290, %gather3A_1344 : vector<16xf32>
        %add3A_1346 = arith.addf %mul3A_1337, %mul3A_1345 : vector<16xf32>
        %mul3A_1347 = arith.constant 2 : i32
        %mul3A_1348 = vector.broadcast %mul3A_1347 : i32 to vector<16xi32>
        %mul3A_1349 = arith.muli %add3A_1287, %mul3A_1348 : vector<16xi32>
        %add3A_1350 = arith.constant 1 : i32
        %add3A_1351 = vector.broadcast %add3A_1350 : i32 to vector<16xi32>
        %add3A_1352 = arith.addi %mul3A_1349, %add3A_1351 : vector<16xi32>
        %gather3A_1353 = tpu.vector_load_idx %arg19[%add3A_1352] : memref<552xf32, #tpu.memory_space<vmem>>[vector<16xi32>], vector<16xf32>,
        %mul3A_1354 = arith.mulf %mul3A_1291, %gather3A_1353 : vector<16xf32>
        %add3A_1355 = arith.addf %add3A_1346, %mul3A_1354 : vector<16xf32>
        %mul3A_1356 = arith.constant 2 : i32
        %mul3A_1357 = vector.broadcast %mul3A_1356 : i32 to vector<16xi32>
        %mul3A_1358 = arith.muli %add3A_1288, %mul3A_1357 : vector<16xi32>
        %add3A_1359 = arith.constant 1 : i32
        %add3A_1360 = vector.broadcast %add3A_1359 : i32 to vector<16xi32>
        %add3A_1361 = arith.addi %mul3A_1358, %add3A_1360 : vector<16xi32>
        %gather3A_1362 = tpu.vector_load_idx %arg19[%add3A_1361] : memref<552xf32, #tpu.memory_space<vmem>>[vector<16xi32>], vector<16xf32>,
        %mul3A_1363 = arith.mulf %mul3A_1292, %gather3A_1362 : vector<16xf32>
        %add3A_1364 = arith.addf %add3A_1355, %mul3A_1363 : vector<16xf32>
        %broadcast_in_dim3A_1365 = arith.constant 13 : i32
        %broadcast_in_dim3A_1366 = vector.broadcast %broadcast_in_dim3A_1365 : i32 to vector<16xi32>
        tpu.vector_store_idx %arg23[%add3A_669, %broadcast_in_dim3A_1366], %add3A_1364 : memref<128x14xf32, #tpu.memory_space<vmem>>[vector<16xi32>, vector<16xi32>], vector<16xf32>,
      }
      %scan3A_519 = arith.constant 8 : i32
      %dma_wait3A_520 = arith.constant 0 : i32
      %dma_wait3A_521 = arith.constant 0 : i32
      %dma_wait3A_522 = arith.constant 0 : i32
      %dma_wait3A_523 = tpu.memref_slice %arg20[%dma_wait3A_521, %dma_wait3A_522] : memref<2048x2xf32, #tpu.memory_space<vmem>> -> memref<128x2xf32, #tpu.memory_space<vmem>>
      %dma_wait3A_524 = arith.constant 0 : i32
      %dma_wait3A_525 = tpu.memref_slice %arg13[%dma_wait3A_520, %dma_wait3A_524] : memref<48x128xi32, #tpu.memory_space<vmem>> -> memref<1x128xi32, #tpu.memory_space<vmem>>
      %dma_wait3A_526 = tpu.memref_squeeze %dma_wait3A_525 : memref<1x128xi32, #tpu.memory_space<vmem>> -> memref<128xi32, #tpu.memory_space<vmem>>
      %dma_wait3A_527 = arith.constant 0 : i32
      %dma_wait3A_528 = arith.constant 0 : i32
      %dma_wait3A_529 = tpu.memref_slice %arg5[%dma_wait3A_527, %dma_wait3A_528] : memref<1038961x2xf32, #tpu.memory_space<hbm>> -> memref<1038961x2xf32, #tpu.memory_space<hbm>>
      tpu.wait_indirect_dma semaphore(%arg24 : memref<!tpu.dma_semaphore, #tpu.memory_space<semaphore_mem>>) src(%dma_wait3A_529 : memref<1038961x2xf32, #tpu.memory_space<hbm>>) dst(%dma_wait3A_523 : memref<128x2xf32, #tpu.memory_space<vmem>>)
      %dma_wait3A_530 = arith.constant 4 : i32
      %dma_wait3A_531 = arith.constant 128 : i32
      %dma_wait3A_532 = arith.constant 0 : i32
      %dma_wait3A_533 = tpu.memref_slice %arg20[%dma_wait3A_531, %dma_wait3A_532] : memref<2048x2xf32, #tpu.memory_space<vmem>> -> memref<128x2xf32, #tpu.memory_space<vmem>>
      %dma_wait3A_534 = arith.constant 0 : i32
      %dma_wait3A_535 = tpu.memref_slice %arg13[%dma_wait3A_530, %dma_wait3A_534] : memref<48x128xi32, #tpu.memory_space<vmem>> -> memref<1x128xi32, #tpu.memory_space<vmem>>
      %dma_wait3A_536 = tpu.memref_squeeze %dma_wait3A_535 : memref<1x128xi32, #tpu.memory_space<vmem>> -> memref<128xi32, #tpu.memory_space<vmem>>
      %dma_wait3A_537 = arith.constant 0 : i32
      %dma_wait3A_538 = arith.constant 0 : i32
      %dma_wait3A_539 = tpu.memref_slice %arg5[%dma_wait3A_537, %dma_wait3A_538] : memref<1038961x2xf32, #tpu.memory_space<hbm>> -> memref<1038961x2xf32, #tpu.memory_space<hbm>>
      tpu.wait_indirect_dma semaphore(%arg24 : memref<!tpu.dma_semaphore, #tpu.memory_space<semaphore_mem>>) src(%dma_wait3A_539 : memref<1038961x2xf32, #tpu.memory_space<hbm>>) dst(%dma_wait3A_533 : memref<128x2xf32, #tpu.memory_space<vmem>>)
      %dma_wait3A_540 = arith.constant 8 : i32
      %dma_wait3A_541 = arith.constant 256 : i32
      %dma_wait3A_542 = arith.constant 0 : i32
      %dma_wait3A_543 = tpu.memref_slice %arg20[%dma_wait3A_541, %dma_wait3A_542] : memref<2048x2xf32, #tpu.memory_space<vmem>> -> memref<128x2xf32, #tpu.memory_space<vmem>>
      %dma_wait3A_544 = arith.constant 0 : i32
      %dma_wait3A_545 = tpu.memref_slice %arg13[%dma_wait3A_540, %dma_wait3A_544] : memref<48x128xi32, #tpu.memory_space<vmem>> -> memref<1x128xi32, #tpu.memory_space<vmem>>
      %dma_wait3A_546 = tpu.memref_squeeze %dma_wait3A_545 : memref<1x128xi32, #tpu.memory_space<vmem>> -> memref<128xi32, #tpu.memory_space<vmem>>
      %dma_wait3A_547 = arith.constant 0 : i32
      %dma_wait3A_548 = arith.constant 0 : i32
      %dma_wait3A_549 = tpu.memref_slice %arg5[%dma_wait3A_547, %dma_wait3A_548] : memref<1038961x2xf32, #tpu.memory_space<hbm>> -> memref<1038961x2xf32, #tpu.memory_space<hbm>>
      tpu.wait_indirect_dma semaphore(%arg24 : memref<!tpu.dma_semaphore, #tpu.memory_space<semaphore_mem>>) src(%dma_wait3A_549 : memref<1038961x2xf32, #tpu.memory_space<hbm>>) dst(%dma_wait3A_543 : memref<128x2xf32, #tpu.memory_space<vmem>>)
      %dma_wait3A_550 = arith.constant 12 : i32
      %dma_wait3A_551 = arith.constant 384 : i32
      %dma_wait3A_552 = arith.constant 0 : i32
      %dma_wait3A_553 = tpu.memref_slice %arg20[%dma_wait3A_551, %dma_wait3A_552] : memref<2048x2xf32, #tpu.memory_space<vmem>> -> memref<128x2xf32, #tpu.memory_space<vmem>>
      %dma_wait3A_554 = arith.constant 0 : i32
      %dma_wait3A_555 = tpu.memref_slice %arg13[%dma_wait3A_550, %dma_wait3A_554] : memref<48x128xi32, #tpu.memory_space<vmem>> -> memref<1x128xi32, #tpu.memory_space<vmem>>
      %dma_wait3A_556 = tpu.memref_squeeze %dma_wait3A_555 : memref<1x128xi32, #tpu.memory_space<vmem>> -> memref<128xi32, #tpu.memory_space<vmem>>
      %dma_wait3A_557 = arith.constant 0 : i32
      %dma_wait3A_558 = arith.constant 0 : i32
      %dma_wait3A_559 = tpu.memref_slice %arg5[%dma_wait3A_557, %dma_wait3A_558] : memref<1038961x2xf32, #tpu.memory_space<hbm>> -> memref<1038961x2xf32, #tpu.memory_space<hbm>>
      tpu.wait_indirect_dma semaphore(%arg24 : memref<!tpu.dma_semaphore, #tpu.memory_space<semaphore_mem>>) src(%dma_wait3A_559 : memref<1038961x2xf32, #tpu.memory_space<hbm>>) dst(%dma_wait3A_553 : memref<128x2xf32, #tpu.memory_space<vmem>>)
      %dma_wait3A_560 = arith.constant 16 : i32
      %dma_wait3A_561 = arith.constant 0 : i32
      %dma_wait3A_562 = arith.constant 0 : i32
      %dma_wait3A_563 = tpu.memref_slice %arg21[%dma_wait3A_561, %dma_wait3A_562] : memref<2048x2xf32, #tpu.memory_space<vmem>> -> memref<128x2xf32, #tpu.memory_space<vmem>>
      %dma_wait3A_564 = arith.constant 0 : i32
      %dma_wait3A_565 = tpu.memref_slice %arg13[%dma_wait3A_560, %dma_wait3A_564] : memref<48x128xi32, #tpu.memory_space<vmem>> -> memref<1x128xi32, #tpu.memory_space<vmem>>
      %dma_wait3A_566 = tpu.memref_squeeze %dma_wait3A_565 : memref<1x128xi32, #tpu.memory_space<vmem>> -> memref<128xi32, #tpu.memory_space<vmem>>
      %dma_wait3A_567 = arith.constant 0 : i32
      %dma_wait3A_568 = arith.constant 0 : i32
      %dma_wait3A_569 = tpu.memref_slice %arg6[%dma_wait3A_567, %dma_wait3A_568] : memref<260281x2xf32, #tpu.memory_space<hbm>> -> memref<260281x2xf32, #tpu.memory_space<hbm>>
      tpu.wait_indirect_dma semaphore(%arg24 : memref<!tpu.dma_semaphore, #tpu.memory_space<semaphore_mem>>) src(%dma_wait3A_569 : memref<260281x2xf32, #tpu.memory_space<hbm>>) dst(%dma_wait3A_563 : memref<128x2xf32, #tpu.memory_space<vmem>>)
      %dma_wait3A_570 = arith.constant 20 : i32
      %dma_wait3A_571 = arith.constant 128 : i32
      %dma_wait3A_572 = arith.constant 0 : i32
      %dma_wait3A_573 = tpu.memref_slice %arg21[%dma_wait3A_571, %dma_wait3A_572] : memref<2048x2xf32, #tpu.memory_space<vmem>> -> memref<128x2xf32, #tpu.memory_space<vmem>>
      %dma_wait3A_574 = arith.constant 0 : i32
      %dma_wait3A_575 = tpu.memref_slice %arg13[%dma_wait3A_570, %dma_wait3A_574] : memref<48x128xi32, #tpu.memory_space<vmem>> -> memref<1x128xi32, #tpu.memory_space<vmem>>
      %dma_wait3A_576 = tpu.memref_squeeze %dma_wait3A_575 : memref<1x128xi32, #tpu.memory_space<vmem>> -> memref<128xi32, #tpu.memory_space<vmem>>
      %dma_wait3A_577 = arith.constant 0 : i32
      %dma_wait3A_578 = arith.constant 0 : i32
      %dma_wait3A_579 = tpu.memref_slice %arg6[%dma_wait3A_577, %dma_wait3A_578] : memref<260281x2xf32, #tpu.memory_space<hbm>> -> memref<260281x2xf32, #tpu.memory_space<hbm>>
      tpu.wait_indirect_dma semaphore(%arg24 : memref<!tpu.dma_semaphore, #tpu.memory_space<semaphore_mem>>) src(%dma_wait3A_579 : memref<260281x2xf32, #tpu.memory_space<hbm>>) dst(%dma_wait3A_573 : memref<128x2xf32, #tpu.memory_space<vmem>>)
      %dma_wait3A_580 = arith.constant 24 : i32
      %dma_wait3A_581 = arith.constant 256 : i32
      %dma_wait3A_582 = arith.constant 0 : i32
      %dma_wait3A_583 = tpu.memref_slice %arg21[%dma_wait3A_581, %dma_wait3A_582] : memref<2048x2xf32, #tpu.memory_space<vmem>> -> memref<128x2xf32, #tpu.memory_space<vmem>>
      %dma_wait3A_584 = arith.constant 0 : i32
      %dma_wait3A_585 = tpu.memref_slice %arg13[%dma_wait3A_580, %dma_wait3A_584] : memref<48x128xi32, #tpu.memory_space<vmem>> -> memref<1x128xi32, #tpu.memory_space<vmem>>
      %dma_wait3A_586 = tpu.memref_squeeze %dma_wait3A_585 : memref<1x128xi32, #tpu.memory_space<vmem>> -> memref<128xi32, #tpu.memory_space<vmem>>
      %dma_wait3A_587 = arith.constant 0 : i32
      %dma_wait3A_588 = arith.constant 0 : i32
      %dma_wait3A_589 = tpu.memref_slice %arg6[%dma_wait3A_587, %dma_wait3A_588] : memref<260281x2xf32, #tpu.memory_space<hbm>> -> memref<260281x2xf32, #tpu.memory_space<hbm>>
      tpu.wait_indirect_dma semaphore(%arg24 : memref<!tpu.dma_semaphore, #tpu.memory_space<semaphore_mem>>) src(%dma_wait3A_589 : memref<260281x2xf32, #tpu.memory_space<hbm>>) dst(%dma_wait3A_583 : memref<128x2xf32, #tpu.memory_space<vmem>>)
      %dma_wait3A_590 = arith.constant 28 : i32
      %dma_wait3A_591 = arith.constant 384 : i32
      %dma_wait3A_592 = arith.constant 0 : i32
      %dma_wait3A_593 = tpu.memref_slice %arg21[%dma_wait3A_591, %dma_wait3A_592] : memref<2048x2xf32, #tpu.memory_space<vmem>> -> memref<128x2xf32, #tpu.memory_space<vmem>>
      %dma_wait3A_594 = arith.constant 0 : i32
      %dma_wait3A_595 = tpu.memref_slice %arg13[%dma_wait3A_590, %dma_wait3A_594] : memref<48x128xi32, #tpu.memory_space<vmem>> -> memref<1x128xi32, #tpu.memory_space<vmem>>
      %dma_wait3A_596 = tpu.memref_squeeze %dma_wait3A_595 : memref<1x128xi32, #tpu.memory_space<vmem>> -> memref<128xi32, #tpu.memory_space<vmem>>
      %dma_wait3A_597 = arith.constant 0 : i32
      %dma_wait3A_598 = arith.constant 0 : i32
      %dma_wait3A_599 = tpu.memref_slice %arg6[%dma_wait3A_597, %dma_wait3A_598] : memref<260281x2xf32, #tpu.memory_space<hbm>> -> memref<260281x2xf32, #tpu.memory_space<hbm>>
      tpu.wait_indirect_dma semaphore(%arg24 : memref<!tpu.dma_semaphore, #tpu.memory_space<semaphore_mem>>) src(%dma_wait3A_599 : memref<260281x2xf32, #tpu.memory_space<hbm>>) dst(%dma_wait3A_593 : memref<128x2xf32, #tpu.memory_space<vmem>>)
      %dma_wait3A_600 = arith.constant 32 : i32
      %dma_wait3A_601 = arith.constant 0 : i32
      %dma_wait3A_602 = arith.constant 0 : i32
      %dma_wait3A_603 = tpu.memref_slice %arg22[%dma_wait3A_601, %dma_wait3A_602] : memref<2048x2xf32, #tpu.memory_space<vmem>> -> memref<128x2xf32, #tpu.memory_space<vmem>>
      %dma_wait3A_604 = arith.constant 0 : i32
      %dma_wait3A_605 = tpu.memref_slice %arg13[%dma_wait3A_600, %dma_wait3A_604] : memref<48x128xi32, #tpu.memory_space<vmem>> -> memref<1x128xi32, #tpu.memory_space<vmem>>
      %dma_wait3A_606 = tpu.memref_squeeze %dma_wait3A_605 : memref<1x128xi32, #tpu.memory_space<vmem>> -> memref<128xi32, #tpu.memory_space<vmem>>
      %dma_wait3A_607 = arith.constant 0 : i32
      %dma_wait3A_608 = arith.constant 0 : i32
      %dma_wait3A_609 = tpu.memref_slice %arg7[%dma_wait3A_607, %dma_wait3A_608] : memref<65341x2xf32, #tpu.memory_space<hbm>> -> memref<65341x2xf32, #tpu.memory_space<hbm>>
      tpu.wait_indirect_dma semaphore(%arg24 : memref<!tpu.dma_semaphore, #tpu.memory_space<semaphore_mem>>) src(%dma_wait3A_609 : memref<65341x2xf32, #tpu.memory_space<hbm>>) dst(%dma_wait3A_603 : memref<128x2xf32, #tpu.memory_space<vmem>>)
      %dma_wait3A_610 = arith.constant 36 : i32
      %dma_wait3A_611 = arith.constant 128 : i32
      %dma_wait3A_612 = arith.constant 0 : i32
      %dma_wait3A_613 = tpu.memref_slice %arg22[%dma_wait3A_611, %dma_wait3A_612] : memref<2048x2xf32, #tpu.memory_space<vmem>> -> memref<128x2xf32, #tpu.memory_space<vmem>>
      %dma_wait3A_614 = arith.constant 0 : i32
      %dma_wait3A_615 = tpu.memref_slice %arg13[%dma_wait3A_610, %dma_wait3A_614] : memref<48x128xi32, #tpu.memory_space<vmem>> -> memref<1x128xi32, #tpu.memory_space<vmem>>
      %dma_wait3A_616 = tpu.memref_squeeze %dma_wait3A_615 : memref<1x128xi32, #tpu.memory_space<vmem>> -> memref<128xi32, #tpu.memory_space<vmem>>
      %dma_wait3A_617 = arith.constant 0 : i32
      %dma_wait3A_618 = arith.constant 0 : i32
      %dma_wait3A_619 = tpu.memref_slice %arg7[%dma_wait3A_617, %dma_wait3A_618] : memref<65341x2xf32, #tpu.memory_space<hbm>> -> memref<65341x2xf32, #tpu.memory_space<hbm>>
      tpu.wait_indirect_dma semaphore(%arg24 : memref<!tpu.dma_semaphore, #tpu.memory_space<semaphore_mem>>) src(%dma_wait3A_619 : memref<65341x2xf32, #tpu.memory_space<hbm>>) dst(%dma_wait3A_613 : memref<128x2xf32, #tpu.memory_space<vmem>>)
      %dma_wait3A_620 = arith.constant 40 : i32
      %dma_wait3A_621 = arith.constant 256 : i32
      %dma_wait3A_622 = arith.constant 0 : i32
      %dma_wait3A_623 = tpu.memref_slice %arg22[%dma_wait3A_621, %dma_wait3A_622] : memref<2048x2xf32, #tpu.memory_space<vmem>> -> memref<128x2xf32, #tpu.memory_space<vmem>>
      %dma_wait3A_624 = arith.constant 0 : i32
      %dma_wait3A_625 = tpu.memref_slice %arg13[%dma_wait3A_620, %dma_wait3A_624] : memref<48x128xi32, #tpu.memory_space<vmem>> -> memref<1x128xi32, #tpu.memory_space<vmem>>
      %dma_wait3A_626 = tpu.memref_squeeze %dma_wait3A_625 : memref<1x128xi32, #tpu.memory_space<vmem>> -> memref<128xi32, #tpu.memory_space<vmem>>
      %dma_wait3A_627 = arith.constant 0 : i32
      %dma_wait3A_628 = arith.constant 0 : i32
      %dma_wait3A_629 = tpu.memref_slice %arg7[%dma_wait3A_627, %dma_wait3A_628] : memref<65341x2xf32, #tpu.memory_space<hbm>> -> memref<65341x2xf32, #tpu.memory_space<hbm>>
      tpu.wait_indirect_dma semaphore(%arg24 : memref<!tpu.dma_semaphore, #tpu.memory_space<semaphore_mem>>) src(%dma_wait3A_629 : memref<65341x2xf32, #tpu.memory_space<hbm>>) dst(%dma_wait3A_623 : memref<128x2xf32, #tpu.memory_space<vmem>>)
      %dma_wait3A_630 = arith.constant 44 : i32
      %dma_wait3A_631 = arith.constant 384 : i32
      %dma_wait3A_632 = arith.constant 0 : i32
      %dma_wait3A_633 = tpu.memref_slice %arg22[%dma_wait3A_631, %dma_wait3A_632] : memref<2048x2xf32, #tpu.memory_space<vmem>> -> memref<128x2xf32, #tpu.memory_space<vmem>>
      %dma_wait3A_634 = arith.constant 0 : i32
      %dma_wait3A_635 = tpu.memref_slice %arg13[%dma_wait3A_630, %dma_wait3A_634] : memref<48x128xi32, #tpu.memory_space<vmem>> -> memref<1x128xi32, #tpu.memory_space<vmem>>
      %dma_wait3A_636 = tpu.memref_squeeze %dma_wait3A_635 : memref<1x128xi32, #tpu.memory_space<vmem>> -> memref<128xi32, #tpu.memory_space<vmem>>
      %dma_wait3A_637 = arith.constant 0 : i32
      %dma_wait3A_638 = arith.constant 0 : i32
      %dma_wait3A_639 = tpu.memref_slice %arg7[%dma_wait3A_637, %dma_wait3A_638] : memref<65341x2xf32, #tpu.memory_space<hbm>> -> memref<65341x2xf32, #tpu.memory_space<hbm>>
      tpu.wait_indirect_dma semaphore(%arg24 : memref<!tpu.dma_semaphore, #tpu.memory_space<semaphore_mem>>) src(%dma_wait3A_639 : memref<65341x2xf32, #tpu.memory_space<hbm>>) dst(%dma_wait3A_633 : memref<128x2xf32, #tpu.memory_space<vmem>>)
      %scan3A_640 = arith.constant 0 : i32
      %scan3A_641 = arith.constant 0 : i32
      %scan3A_642 = arith.constant 8 : i32
      %scan3A_643 = arith.addi %scan3A_641, %scan3A_642 : i32
      %scan3A_644 = arith.constant 1 : i32
      scf.for %scan3A_646 = %scan3A_641 to %scan3A_643 step %scan3A_644  : i32 {
        %mul3A_647 = arith.constant 16 : i32
        %mul3A_648 = arith.muli %scan3A_646, %mul3A_647 : i32
        %get3A = arith.index_cast %mul3A_648 : i32 to index
        %get3A_649 = tpu.vector_load %arg14[%get3A] {strides = array<i32>} : memref<128xf32, #tpu.memory_space<vmem>>, vector<16xf32>,
        %mul3A_650 = arith.constant 16 : i32
        %mul3A_651 = arith.muli %scan3A_646, %mul3A_650 : i32
        %get3A_652 = arith.index_cast %mul3A_651 : i32 to index
        %get3A_653 = tpu.vector_load %arg15[%get3A_652] {strides = array<i32>} : memref<128xf32, #tpu.memory_space<vmem>>, vector<16xf32>,
        %add3A_654 = arith.constant 9.000000e+01 : f32
        %add3A_655 = vector.broadcast %add3A_654 : f32 to vector<16xf32>
        %add3A_656 = arith.addf %get3A_649, %add3A_655 : vector<16xf32>
        %div3A_657 = arith.constant 1.800000e+02 : f32
        %div3A_658 = vector.broadcast %div3A_657 : f32 to vector<16xf32>
        %div3A_659 = arith.divf %add3A_656, %div3A_658 : vector<16xf32>
        %div3A_660 = arith.constant 3.600000e+02 : f32
        %div3A_661 = vector.broadcast %div3A_660 : f32 to vector<16xf32>
        %div3A_662 = arith.divf %get3A_653, %div3A_661 : vector<16xf32>
        %mul3A_663 = arith.constant 2.000000e+00 : f32
        %mul3A_664 = vector.broadcast %mul3A_663 : f32 to vector<16xf32>
        %mul3A_665 = arith.mulf %div3A_662, %mul3A_664 : vector<16xf32>
        %mul3A_666 = arith.constant 16 : i32
        %mul3A_667 = arith.muli %scan3A_646, %mul3A_666 : i32
        %add3A_668 = vector.broadcast %mul3A_667 : i32 to vector<16xi32>
        %add3A_669 = arith.addi %add3A_668, %iota3A : vector<16xi32>
        %mul3A_670 = arith.constant 7.200000e+02 : f32
        %mul3A_671 = vector.broadcast %mul3A_670 : f32 to vector<16xf32>
        %mul3A_672 = arith.mulf %div3A_659, %mul3A_671 : vector<16xf32>
        %mul3A_673 = arith.constant 7.200000e+02 : f32
        %mul3A_674 = vector.broadcast %mul3A_673 : f32 to vector<16xf32>
        %mul3A_675 = arith.mulf %mul3A_665, %mul3A_674 : vector<16xf32>
        %convert_element_type3A = arith.fptosi %mul3A_672 : vector<16xf32> to vector<16xi32>
        %convert_element_type3A_676 = arith.fptosi %mul3A_675 : vector<16xf32> to vector<16xi32>
        %min3A = arith.constant 720 : i32
        %min3A_677 = vector.broadcast %min3A : i32 to vector<16xi32>
        %min3A_678 = arith.minsi %convert_element_type3A, %min3A_677 : vector<16xi32>
        %add3A_679 = arith.constant 1 : i32
        %add3A_680 = vector.broadcast %add3A_679 : i32 to vector<16xi32>
        %add3A_681 = arith.addi %convert_element_type3A, %add3A_680 : vector<16xi32>
        %min3A_682 = arith.constant 720 : i32
        %min3A_683 = vector.broadcast %min3A_682 : i32 to vector<16xi32>
        %min3A_684 = arith.minsi %add3A_681, %min3A_683 : vector<16xi32>
        %min3A_685 = arith.constant 1440 : i32
        %min3A_686 = vector.broadcast %min3A_685 : i32 to vector<16xi32>
        %min3A_687 = arith.minsi %convert_element_type3A_676, %min3A_686 : vector<16xi32>
        %add3A_688 = arith.constant 1 : i32
        %add3A_689 = vector.broadcast %add3A_688 : i32 to vector<16xi32>
        %add3A_690 = arith.addi %convert_element_type3A_676, %add3A_689 : vector<16xi32>
        %min3A_691 = arith.constant 1440 : i32
        %min3A_692 = vector.broadcast %min3A_691 : i32 to vector<16xi32>
        %min3A_693 = arith.minsi %add3A_690, %min3A_692 : vector<16xi32>
        %convert_element_type3A_694 = arith.sitofp %min3A_678 : vector<16xi32> to vector<16xf32>
        %sub3A_695 = arith.subf %mul3A_672, %convert_element_type3A_694 : vector<16xf32>
        %abs3A = math.absf %sub3A_695 : vector<16xf32>
        %sub3A_696 = arith.constant 1.000000e+00 : f32
        %sub3A_697 = vector.broadcast %sub3A_696 : f32 to vector<16xf32>
        %sub3A_698 = arith.subf %sub3A_697, %abs3A : vector<16xf32>
        %convert_element_type3A_699 = arith.sitofp %min3A_684 : vector<16xi32> to vector<16xf32>
        %sub3A_700 = arith.subf %mul3A_672, %convert_element_type3A_699 : vector<16xf32>
        %abs3A_701 = math.absf %sub3A_700 : vector<16xf32>
        %sub3A_702 = arith.constant 1.000000e+00 : f32
        %sub3A_703 = vector.broadcast %sub3A_702 : f32 to vector<16xf32>
        %sub3A_704 = arith.subf %sub3A_703, %abs3A_701 : vector<16xf32>
        %convert_element_type3A_705 = arith.sitofp %min3A_687 : vector<16xi32> to vector<16xf32>
        %sub3A_706 = arith.subf %mul3A_675, %convert_element_type3A_705 : vector<16xf32>
        %abs3A_707 = math.absf %sub3A_706 : vector<16xf32>
        %sub3A_708 = arith.constant 1.000000e+00 : f32
        %sub3A_709 = vector.broadcast %sub3A_708 : f32 to vector<16xf32>
        %sub3A_710 = arith.subf %sub3A_709, %abs3A_707 : vector<16xf32>
        %convert_element_type3A_711 = arith.sitofp %min3A_693 : vector<16xi32> to vector<16xf32>
        %sub3A_712 = arith.subf %mul3A_675, %convert_element_type3A_711 : vector<16xf32>
        %abs3A_713 = math.absf %sub3A_712 : vector<16xf32>
        %sub3A_714 = arith.constant 1.000000e+00 : f32
        %sub3A_715 = vector.broadcast %sub3A_714 : f32 to vector<16xf32>
        %sub3A_716 = arith.subf %sub3A_715, %abs3A_713 : vector<16xf32>
        %eq3A = arith.constant 1440 : i32
        %eq3A_717 = vector.broadcast %eq3A : i32 to vector<16xi32>
        %eq3A_718 = arith.cmpi eq, %min3A_687, %eq3A_717 : vector<16xi32>
        %jit3A_719 = arith.constant 0 : i32
        %broadcast_in_dim3A = vector.broadcast %jit3A_719 : i32 to vector<16xi32>
        %select_n3A_720 = arith.select %eq3A_718, %broadcast_in_dim3A, %min3A_687 : vector<16xi1>, vector<16xi32>
        %eq3A_721 = arith.constant 1440 : i32
        %eq3A_722 = vector.broadcast %eq3A_721 : i32 to vector<16xi32>
        %eq3A_723 = arith.cmpi eq, %min3A_693, %eq3A_722 : vector<16xi32>
        %jit3A_724 = arith.constant 0 : i32
        %broadcast_in_dim3A_725 = vector.broadcast %jit3A_724 : i32 to vector<16xi32>
        %select_n3A_726 = arith.select %eq3A_723, %broadcast_in_dim3A_725, %min3A_693 : vector<16xi1>, vector<16xi32>
        %eq3A_727 = arith.constant 0 : i32
        %eq3A_728 = vector.broadcast %eq3A_727 : i32 to vector<16xi32>
        %eq3A_729 = arith.cmpi eq, %min3A_678, %eq3A_728 : vector<16xi32>
        %eq3A_730 = arith.constant 720 : i32
        %eq3A_731 = vector.broadcast %eq3A_730 : i32 to vector<16xi32>
        %eq3A_732 = arith.cmpi eq, %min3A_678, %eq3A_731 : vector<16xi32>
        %or3A = arith.ori %eq3A_729, %eq3A_732 : vector<16xi1>
        %eq3A_733 = arith.constant 0 : i32
        %eq3A_734 = vector.broadcast %eq3A_733 : i32 to vector<16xi32>
        %eq3A_735 = arith.cmpi eq, %min3A_684, %eq3A_734 : vector<16xi32>
        %eq3A_736 = arith.constant 720 : i32
        %eq3A_737 = vector.broadcast %eq3A_736 : i32 to vector<16xi32>
        %eq3A_738 = arith.cmpi eq, %min3A_684, %eq3A_737 : vector<16xi32>
        %or3A_739 = arith.ori %eq3A_735, %eq3A_738 : vector<16xi1>
        %jit3A_740 = arith.constant 0 : i32
        %broadcast_in_dim3A_741 = vector.broadcast %jit3A_740 : i32 to vector<16xi32>
        %select_n3A_742 = arith.select %or3A, %broadcast_in_dim3A_741, %select_n3A_720 : vector<16xi1>, vector<16xi32>
        %jit3A_743 = arith.constant 0 : i32
        %broadcast_in_dim3A_744 = vector.broadcast %jit3A_743 : i32 to vector<16xi32>
        %select_n3A_745 = arith.select %or3A, %broadcast_in_dim3A_744, %select_n3A_726 : vector<16xi1>, vector<16xi32>
        %jit3A_746 = arith.constant 0 : i32
        %broadcast_in_dim3A_747 = vector.broadcast %jit3A_746 : i32 to vector<16xi32>
        %select_n3A_748 = arith.select %or3A_739, %broadcast_in_dim3A_747, %select_n3A_720 : vector<16xi1>, vector<16xi32>
        %jit3A_749 = arith.constant 0 : i32
        %broadcast_in_dim3A_750 = vector.broadcast %jit3A_749 : i32 to vector<16xi32>
        %select_n3A_751 = arith.select %or3A_739, %broadcast_in_dim3A_750, %select_n3A_726 : vector<16xi1>, vector<16xi32>
        %mul3A_752 = arith.constant 1441 : i32
        %mul3A_753 = vector.broadcast %mul3A_752 : i32 to vector<16xi32>
        %mul3A_754 = arith.muli %min3A_678, %mul3A_753 : vector<16xi32>
        %mul3A_755 = arith.constant 1441 : i32
        %mul3A_756 = vector.broadcast %mul3A_755 : i32 to vector<16xi32>
        %mul3A_757 = arith.muli %min3A_684, %mul3A_756 : vector<16xi32>
        %add3A_758 = arith.addi %mul3A_754, %select_n3A_742 : vector<16xi32>
        %add3A_759 = arith.addi %mul3A_754, %select_n3A_745 : vector<16xi32>
        %add3A_760 = arith.addi %mul3A_757, %select_n3A_748 : vector<16xi32>
        %add3A_761 = arith.addi %mul3A_757, %select_n3A_751 : vector<16xi32>
        %mul3A_762 = arith.mulf %sub3A_698, %sub3A_710 : vector<16xf32>
        %mul3A_763 = arith.mulf %sub3A_698, %sub3A_716 : vector<16xf32>
        %mul3A_764 = arith.mulf %sub3A_704, %sub3A_710 : vector<16xf32>
        %mul3A_765 = arith.mulf %sub3A_704, %sub3A_716 : vector<16xf32>
        %broadcast_in_dim3A_766 = arith.constant 0 : i32
        %broadcast_in_dim3A_767 = vector.broadcast %broadcast_in_dim3A_766 : i32 to vector<16xi32>
        %broadcast_in_dim3A_768 = arith.constant 0.000000e+00 : f32
        %broadcast_in_dim3A_769 = vector.broadcast %broadcast_in_dim3A_768 : f32 to vector<16xf32>
        %add3A_770 = arith.constant 0 : i32
        %add3A_771 = vector.broadcast %add3A_770 : i32 to vector<16xi32>
        %add3A_772 = arith.addi %add3A_771, %add3A_669 : vector<16xi32>
        %gather3A = tpu.vector_load_idx %arg20[%add3A_772, %broadcast_in_dim3A_767] : memref<2048x2xf32, #tpu.memory_space<vmem>>[vector<16xi32>, vector<16xi32>], vector<16xf32>,
        %mul3A_773 = arith.mulf %mul3A_762, %gather3A : vector<16xf32>
        %add3A_774 = arith.addf %broadcast_in_dim3A_769, %mul3A_773 : vector<16xf32>
        %add3A_775 = arith.constant 128 : i32
        %add3A_776 = vector.broadcast %add3A_775 : i32 to vector<16xi32>
        %add3A_777 = arith.addi %add3A_776, %add3A_669 : vector<16xi32>
        %gather3A_778 = tpu.vector_load_idx %arg20[%add3A_777, %broadcast_in_dim3A_767] : memref<2048x2xf32, #tpu.memory_space<vmem>>[vector<16xi32>, vector<16xi32>], vector<16xf32>,
        %mul3A_779 = arith.mulf %mul3A_763, %gather3A_778 : vector<16xf32>
        %add3A_780 = arith.addf %add3A_774, %mul3A_779 : vector<16xf32>
        %add3A_781 = arith.constant 256 : i32
        %add3A_782 = vector.broadcast %add3A_781 : i32 to vector<16xi32>
        %add3A_783 = arith.addi %add3A_782, %add3A_669 : vector<16xi32>
        %gather3A_784 = tpu.vector_load_idx %arg20[%add3A_783, %broadcast_in_dim3A_767] : memref<2048x2xf32, #tpu.memory_space<vmem>>[vector<16xi32>, vector<16xi32>], vector<16xf32>,
        %mul3A_785 = arith.mulf %mul3A_764, %gather3A_784 : vector<16xf32>
        %add3A_786 = arith.addf %add3A_780, %mul3A_785 : vector<16xf32>
        %add3A_787 = arith.constant 384 : i32
        %add3A_788 = vector.broadcast %add3A_787 : i32 to vector<16xi32>
        %add3A_789 = arith.addi %add3A_788, %add3A_669 : vector<16xi32>
        %gather3A_790 = tpu.vector_load_idx %arg20[%add3A_789, %broadcast_in_dim3A_767] : memref<2048x2xf32, #tpu.memory_space<vmem>>[vector<16xi32>, vector<16xi32>], vector<16xf32>,
        %mul3A_791 = arith.mulf %mul3A_765, %gather3A_790 : vector<16xf32>
        %add3A_792 = arith.addf %add3A_786, %mul3A_791 : vector<16xf32>
        %broadcast_in_dim3A_793 = arith.constant 0 : i32
        %broadcast_in_dim3A_794 = vector.broadcast %broadcast_in_dim3A_793 : i32 to vector<16xi32>
        tpu.vector_store_idx %arg23[%add3A_669, %broadcast_in_dim3A_794], %add3A_792 : memref<128x14xf32, #tpu.memory_space<vmem>>[vector<16xi32>, vector<16xi32>], vector<16xf32>,
        %broadcast_in_dim3A_795 = arith.constant 1 : i32
        %broadcast_in_dim3A_796 = vector.broadcast %broadcast_in_dim3A_795 : i32 to vector<16xi32>
        %broadcast_in_dim3A_797 = arith.constant 0.000000e+00 : f32
        %broadcast_in_dim3A_798 = vector.broadcast %broadcast_in_dim3A_797 : f32 to vector<16xf32>
        %add3A_799 = arith.constant 0 : i32
        %add3A_800 = vector.broadcast %add3A_799 : i32 to vector<16xi32>
        %add3A_801 = arith.addi %add3A_800, %add3A_669 : vector<16xi32>
        %gather3A_802 = tpu.vector_load_idx %arg20[%add3A_801, %broadcast_in_dim3A_796] : memref<2048x2xf32, #tpu.memory_space<vmem>>[vector<16xi32>, vector<16xi32>], vector<16xf32>,
        %mul3A_803 = arith.mulf %mul3A_762, %gather3A_802 : vector<16xf32>
        %add3A_804 = arith.addf %broadcast_in_dim3A_798, %mul3A_803 : vector<16xf32>
        %add3A_805 = arith.constant 128 : i32
        %add3A_806 = vector.broadcast %add3A_805 : i32 to vector<16xi32>
        %add3A_807 = arith.addi %add3A_806, %add3A_669 : vector<16xi32>
        %gather3A_808 = tpu.vector_load_idx %arg20[%add3A_807, %broadcast_in_dim3A_796] : memref<2048x2xf32, #tpu.memory_space<vmem>>[vector<16xi32>, vector<16xi32>], vector<16xf32>,
        %mul3A_809 = arith.mulf %mul3A_763, %gather3A_808 : vector<16xf32>
        %add3A_810 = arith.addf %add3A_804, %mul3A_809 : vector<16xf32>
        %add3A_811 = arith.constant 256 : i32
        %add3A_812 = vector.broadcast %add3A_811 : i32 to vector<16xi32>
        %add3A_813 = arith.addi %add3A_812, %add3A_669 : vector<16xi32>
        %gather3A_814 = tpu.vector_load_idx %arg20[%add3A_813, %broadcast_in_dim3A_796] : memref<2048x2xf32, #tpu.memory_space<vmem>>[vector<16xi32>, vector<16xi32>], vector<16xf32>,
        %mul3A_815 = arith.mulf %mul3A_764, %gather3A_814 : vector<16xf32>
        %add3A_816 = arith.addf %add3A_810, %mul3A_815 : vector<16xf32>
        %add3A_817 = arith.constant 384 : i32
        %add3A_818 = vector.broadcast %add3A_817 : i32 to vector<16xi32>
        %add3A_819 = arith.addi %add3A_818, %add3A_669 : vector<16xi32>
        %gather3A_820 = tpu.vector_load_idx %arg20[%add3A_819, %broadcast_in_dim3A_796] : memref<2048x2xf32, #tpu.memory_space<vmem>>[vector<16xi32>, vector<16xi32>], vector<16xf32>,
        %mul3A_821 = arith.mulf %mul3A_765, %gather3A_820 : vector<16xf32>
        %add3A_822 = arith.addf %add3A_816, %mul3A_821 : vector<16xf32>
        %broadcast_in_dim3A_823 = arith.constant 1 : i32
        %broadcast_in_dim3A_824 = vector.broadcast %broadcast_in_dim3A_823 : i32 to vector<16xi32>
        tpu.vector_store_idx %arg23[%add3A_669, %broadcast_in_dim3A_824], %add3A_822 : memref<128x14xf32, #tpu.memory_space<vmem>>[vector<16xi32>, vector<16xi32>], vector<16xf32>,
        %mul3A_825 = arith.constant 3.600000e+02 : f32
        %mul3A_826 = vector.broadcast %mul3A_825 : f32 to vector<16xf32>
        %mul3A_827 = arith.mulf %div3A_659, %mul3A_826 : vector<16xf32>
        %mul3A_828 = arith.constant 3.600000e+02 : f32
        %mul3A_829 = vector.broadcast %mul3A_828 : f32 to vector<16xf32>
        %mul3A_830 = arith.mulf %mul3A_665, %mul3A_829 : vector<16xf32>
        %convert_element_type3A_831 = arith.fptosi %mul3A_827 : vector<16xf32> to vector<16xi32>
        %convert_element_type3A_832 = arith.fptosi %mul3A_830 : vector<16xf32> to vector<16xi32>
        %min3A_833 = arith.constant 360 : i32
        %min3A_834 = vector.broadcast %min3A_833 : i32 to vector<16xi32>
        %min3A_835 = arith.minsi %convert_element_type3A_831, %min3A_834 : vector<16xi32>
        %add3A_836 = arith.constant 1 : i32
        %add3A_837 = vector.broadcast %add3A_836 : i32 to vector<16xi32>
        %add3A_838 = arith.addi %convert_element_type3A_831, %add3A_837 : vector<16xi32>
        %min3A_839 = arith.constant 360 : i32
        %min3A_840 = vector.broadcast %min3A_839 : i32 to vector<16xi32>
        %min3A_841 = arith.minsi %add3A_838, %min3A_840 : vector<16xi32>
        %min3A_842 = arith.constant 720 : i32
        %min3A_843 = vector.broadcast %min3A_842 : i32 to vector<16xi32>
        %min3A_844 = arith.minsi %convert_element_type3A_832, %min3A_843 : vector<16xi32>
        %add3A_845 = arith.constant 1 : i32
        %add3A_846 = vector.broadcast %add3A_845 : i32 to vector<16xi32>
        %add3A_847 = arith.addi %convert_element_type3A_832, %add3A_846 : vector<16xi32>
        %min3A_848 = arith.constant 720 : i32
        %min3A_849 = vector.broadcast %min3A_848 : i32 to vector<16xi32>
        %min3A_850 = arith.minsi %add3A_847, %min3A_849 : vector<16xi32>
        %convert_element_type3A_851 = arith.sitofp %min3A_835 : vector<16xi32> to vector<16xf32>
        %sub3A_852 = arith.subf %mul3A_827, %convert_element_type3A_851 : vector<16xf32>
        %abs3A_853 = math.absf %sub3A_852 : vector<16xf32>
        %sub3A_854 = arith.constant 1.000000e+00 : f32
        %sub3A_855 = vector.broadcast %sub3A_854 : f32 to vector<16xf32>
        %sub3A_856 = arith.subf %sub3A_855, %abs3A_853 : vector<16xf32>
        %convert_element_type3A_857 = arith.sitofp %min3A_841 : vector<16xi32> to vector<16xf32>
        %sub3A_858 = arith.subf %mul3A_827, %convert_element_type3A_857 : vector<16xf32>
        %abs3A_859 = math.absf %sub3A_858 : vector<16xf32>
        %sub3A_860 = arith.constant 1.000000e+00 : f32
        %sub3A_861 = vector.broadcast %sub3A_860 : f32 to vector<16xf32>
        %sub3A_862 = arith.subf %sub3A_861, %abs3A_859 : vector<16xf32>
        %convert_element_type3A_863 = arith.sitofp %min3A_844 : vector<16xi32> to vector<16xf32>
        %sub3A_864 = arith.subf %mul3A_830, %convert_element_type3A_863 : vector<16xf32>
        %abs3A_865 = math.absf %sub3A_864 : vector<16xf32>
        %sub3A_866 = arith.constant 1.000000e+00 : f32
        %sub3A_867 = vector.broadcast %sub3A_866 : f32 to vector<16xf32>
        %sub3A_868 = arith.subf %sub3A_867, %abs3A_865 : vector<16xf32>
        %convert_element_type3A_869 = arith.sitofp %min3A_850 : vector<16xi32> to vector<16xf32>
        %sub3A_870 = arith.subf %mul3A_830, %convert_element_type3A_869 : vector<16xf32>
        %abs3A_871 = math.absf %sub3A_870 : vector<16xf32>
        %sub3A_872 = arith.constant 1.000000e+00 : f32
        %sub3A_873 = vector.broadcast %sub3A_872 : f32 to vector<16xf32>
        %sub3A_874 = arith.subf %sub3A_873, %abs3A_871 : vector<16xf32>
        %eq3A_875 = arith.constant 720 : i32
        %eq3A_876 = vector.broadcast %eq3A_875 : i32 to vector<16xi32>
        %eq3A_877 = arith.cmpi eq, %min3A_844, %eq3A_876 : vector<16xi32>
        %jit3A_878 = arith.constant 0 : i32
        %broadcast_in_dim3A_879 = vector.broadcast %jit3A_878 : i32 to vector<16xi32>
        %select_n3A_880 = arith.select %eq3A_877, %broadcast_in_dim3A_879, %min3A_844 : vector<16xi1>, vector<16xi32>
        %eq3A_881 = arith.constant 720 : i32
        %eq3A_882 = vector.broadcast %eq3A_881 : i32 to vector<16xi32>
        %eq3A_883 = arith.cmpi eq, %min3A_850, %eq3A_882 : vector<16xi32>
        %jit3A_884 = arith.constant 0 : i32
        %broadcast_in_dim3A_885 = vector.broadcast %jit3A_884 : i32 to vector<16xi32>
        %select_n3A_886 = arith.select %eq3A_883, %broadcast_in_dim3A_885, %min3A_850 : vector<16xi1>, vector<16xi32>
        %eq3A_887 = arith.constant 0 : i32
        %eq3A_888 = vector.broadcast %eq3A_887 : i32 to vector<16xi32>
        %eq3A_889 = arith.cmpi eq, %min3A_835, %eq3A_888 : vector<16xi32>
        %eq3A_890 = arith.constant 360 : i32
        %eq3A_891 = vector.broadcast %eq3A_890 : i32 to vector<16xi32>
        %eq3A_892 = arith.cmpi eq, %min3A_835, %eq3A_891 : vector<16xi32>
        %or3A_893 = arith.ori %eq3A_889, %eq3A_892 : vector<16xi1>
        %eq3A_894 = arith.constant 0 : i32
        %eq3A_895 = vector.broadcast %eq3A_894 : i32 to vector<16xi32>
        %eq3A_896 = arith.cmpi eq, %min3A_841, %eq3A_895 : vector<16xi32>
        %eq3A_897 = arith.constant 360 : i32
        %eq3A_898 = vector.broadcast %eq3A_897 : i32 to vector<16xi32>
        %eq3A_899 = arith.cmpi eq, %min3A_841, %eq3A_898 : vector<16xi32>
        %or3A_900 = arith.ori %eq3A_896, %eq3A_899 : vector<16xi1>
        %jit3A_901 = arith.constant 0 : i32
        %broadcast_in_dim3A_902 = vector.broadcast %jit3A_901 : i32 to vector<16xi32>
        %select_n3A_903 = arith.select %or3A_893, %broadcast_in_dim3A_902, %select_n3A_880 : vector<16xi1>, vector<16xi32>
        %jit3A_904 = arith.constant 0 : i32
        %broadcast_in_dim3A_905 = vector.broadcast %jit3A_904 : i32 to vector<16xi32>
        %select_n3A_906 = arith.select %or3A_893, %broadcast_in_dim3A_905, %select_n3A_886 : vector<16xi1>, vector<16xi32>
        %jit3A_907 = arith.constant 0 : i32
        %broadcast_in_dim3A_908 = vector.broadcast %jit3A_907 : i32 to vector<16xi32>
        %select_n3A_909 = arith.select %or3A_900, %broadcast_in_dim3A_908, %select_n3A_880 : vector<16xi1>, vector<16xi32>
        %jit3A_910 = arith.constant 0 : i32
        %broadcast_in_dim3A_911 = vector.broadcast %jit3A_910 : i32 to vector<16xi32>
        %select_n3A_912 = arith.select %or3A_900, %broadcast_in_dim3A_911, %select_n3A_886 : vector<16xi1>, vector<16xi32>
        %mul3A_913 = arith.constant 721 : i32
        %mul3A_914 = vector.broadcast %mul3A_913 : i32 to vector<16xi32>
        %mul3A_915 = arith.muli %min3A_835, %mul3A_914 : vector<16xi32>
        %mul3A_916 = arith.constant 721 : i32
        %mul3A_917 = vector.broadcast %mul3A_916 : i32 to vector<16xi32>
        %mul3A_918 = arith.muli %min3A_841, %mul3A_917 : vector<16xi32>
        %add3A_919 = arith.addi %mul3A_915, %select_n3A_903 : vector<16xi32>
        %add3A_920 = arith.addi %mul3A_915, %select_n3A_906 : vector<16xi32>
        %add3A_921 = arith.addi %mul3A_918, %select_n3A_909 : vector<16xi32>
        %add3A_922 = arith.addi %mul3A_918, %select_n3A_912 : vector<16xi32>
        %mul3A_923 = arith.mulf %sub3A_856, %sub3A_868 : vector<16xf32>
        %mul3A_924 = arith.mulf %sub3A_856, %sub3A_874 : vector<16xf32>
        %mul3A_925 = arith.mulf %sub3A_862, %sub3A_868 : vector<16xf32>
        %mul3A_926 = arith.mulf %sub3A_862, %sub3A_874 : vector<16xf32>
        %broadcast_in_dim3A_927 = arith.constant 0 : i32
        %broadcast_in_dim3A_928 = vector.broadcast %broadcast_in_dim3A_927 : i32 to vector<16xi32>
        %broadcast_in_dim3A_929 = arith.constant 0.000000e+00 : f32
        %broadcast_in_dim3A_930 = vector.broadcast %broadcast_in_dim3A_929 : f32 to vector<16xf32>
        %add3A_931 = arith.constant 0 : i32
        %add3A_932 = vector.broadcast %add3A_931 : i32 to vector<16xi32>
        %add3A_933 = arith.addi %add3A_932, %add3A_669 : vector<16xi32>
        %gather3A_934 = tpu.vector_load_idx %arg21[%add3A_933, %broadcast_in_dim3A_928] : memref<2048x2xf32, #tpu.memory_space<vmem>>[vector<16xi32>, vector<16xi32>], vector<16xf32>,
        %mul3A_935 = arith.mulf %mul3A_923, %gather3A_934 : vector<16xf32>
        %add3A_936 = arith.addf %broadcast_in_dim3A_930, %mul3A_935 : vector<16xf32>
        %add3A_937 = arith.constant 128 : i32
        %add3A_938 = vector.broadcast %add3A_937 : i32 to vector<16xi32>
        %add3A_939 = arith.addi %add3A_938, %add3A_669 : vector<16xi32>
        %gather3A_940 = tpu.vector_load_idx %arg21[%add3A_939, %broadcast_in_dim3A_928] : memref<2048x2xf32, #tpu.memory_space<vmem>>[vector<16xi32>, vector<16xi32>], vector<16xf32>,
        %mul3A_941 = arith.mulf %mul3A_924, %gather3A_940 : vector<16xf32>
        %add3A_942 = arith.addf %add3A_936, %mul3A_941 : vector<16xf32>
        %add3A_943 = arith.constant 256 : i32
        %add3A_944 = vector.broadcast %add3A_943 : i32 to vector<16xi32>
        %add3A_945 = arith.addi %add3A_944, %add3A_669 : vector<16xi32>
        %gather3A_946 = tpu.vector_load_idx %arg21[%add3A_945, %broadcast_in_dim3A_928] : memref<2048x2xf32, #tpu.memory_space<vmem>>[vector<16xi32>, vector<16xi32>], vector<16xf32>,
        %mul3A_947 = arith.mulf %mul3A_925, %gather3A_946 : vector<16xf32>
        %add3A_948 = arith.addf %add3A_942, %mul3A_947 : vector<16xf32>
        %add3A_949 = arith.constant 384 : i32
        %add3A_950 = vector.broadcast %add3A_949 : i32 to vector<16xi32>
        %add3A_951 = arith.addi %add3A_950, %add3A_669 : vector<16xi32>
        %gather3A_952 = tpu.vector_load_idx %arg21[%add3A_951, %broadcast_in_dim3A_928] : memref<2048x2xf32, #tpu.memory_space<vmem>>[vector<16xi32>, vector<16xi32>], vector<16xf32>,
        %mul3A_953 = arith.mulf %mul3A_926, %gather3A_952 : vector<16xf32>
        %add3A_954 = arith.addf %add3A_948, %mul3A_953 : vector<16xf32>
        %broadcast_in_dim3A_955 = arith.constant 2 : i32
        %broadcast_in_dim3A_956 = vector.broadcast %broadcast_in_dim3A_955 : i32 to vector<16xi32>
        tpu.vector_store_idx %arg23[%add3A_669, %broadcast_in_dim3A_956], %add3A_954 : memref<128x14xf32, #tpu.memory_space<vmem>>[vector<16xi32>, vector<16xi32>], vector<16xf32>,
        %broadcast_in_dim3A_957 = arith.constant 1 : i32
        %broadcast_in_dim3A_958 = vector.broadcast %broadcast_in_dim3A_957 : i32 to vector<16xi32>
        %broadcast_in_dim3A_959 = arith.constant 0.000000e+00 : f32
        %broadcast_in_dim3A_960 = vector.broadcast %broadcast_in_dim3A_959 : f32 to vector<16xf32>
        %add3A_961 = arith.constant 0 : i32
        %add3A_962 = vector.broadcast %add3A_961 : i32 to vector<16xi32>
        %add3A_963 = arith.addi %add3A_962, %add3A_669 : vector<16xi32>
        %gather3A_964 = tpu.vector_load_idx %arg21[%add3A_963, %broadcast_in_dim3A_958] : memref<2048x2xf32, #tpu.memory_space<vmem>>[vector<16xi32>, vector<16xi32>], vector<16xf32>,
        %mul3A_965 = arith.mulf %mul3A_923, %gather3A_964 : vector<16xf32>
        %add3A_966 = arith.addf %broadcast_in_dim3A_960, %mul3A_965 : vector<16xf32>
        %add3A_967 = arith.constant 128 : i32
        %add3A_968 = vector.broadcast %add3A_967 : i32 to vector<16xi32>
        %add3A_969 = arith.addi %add3A_968, %add3A_669 : vector<16xi32>
        %gather3A_970 = tpu.vector_load_idx %arg21[%add3A_969, %broadcast_in_dim3A_958] : memref<2048x2xf32, #tpu.memory_space<vmem>>[vector<16xi32>, vector<16xi32>], vector<16xf32>,
        %mul3A_971 = arith.mulf %mul3A_924, %gather3A_970 : vector<16xf32>
        %add3A_972 = arith.addf %add3A_966, %mul3A_971 : vector<16xf32>
        %add3A_973 = arith.constant 256 : i32
        %add3A_974 = vector.broadcast %add3A_973 : i32 to vector<16xi32>
        %add3A_975 = arith.addi %add3A_974, %add3A_669 : vector<16xi32>
        %gather3A_976 = tpu.vector_load_idx %arg21[%add3A_975, %broadcast_in_dim3A_958] : memref<2048x2xf32, #tpu.memory_space<vmem>>[vector<16xi32>, vector<16xi32>], vector<16xf32>,
        %mul3A_977 = arith.mulf %mul3A_925, %gather3A_976 : vector<16xf32>
        %add3A_978 = arith.addf %add3A_972, %mul3A_977 : vector<16xf32>
        %add3A_979 = arith.constant 384 : i32
        %add3A_980 = vector.broadcast %add3A_979 : i32 to vector<16xi32>
        %add3A_981 = arith.addi %add3A_980, %add3A_669 : vector<16xi32>
        %gather3A_982 = tpu.vector_load_idx %arg21[%add3A_981, %broadcast_in_dim3A_958] : memref<2048x2xf32, #tpu.memory_space<vmem>>[vector<16xi32>, vector<16xi32>], vector<16xf32>,
        %mul3A_983 = arith.mulf %mul3A_926, %gather3A_982 : vector<16xf32>
        %add3A_984 = arith.addf %add3A_978, %mul3A_983 : vector<16xf32>
        %broadcast_in_dim3A_985 = arith.constant 3 : i32
        %broadcast_in_dim3A_986 = vector.broadcast %broadcast_in_dim3A_985 : i32 to vector<16xi32>
        tpu.vector_store_idx %arg23[%add3A_669, %broadcast_in_dim3A_986], %add3A_984 : memref<128x14xf32, #tpu.memory_space<vmem>>[vector<16xi32>, vector<16xi32>], vector<16xf32>,
        %mul3A_987 = arith.constant 1.800000e+02 : f32
        %mul3A_988 = vector.broadcast %mul3A_987 : f32 to vector<16xf32>
        %mul3A_989 = arith.mulf %div3A_659, %mul3A_988 : vector<16xf32>
        %mul3A_990 = arith.constant 1.800000e+02 : f32
        %mul3A_991 = vector.broadcast %mul3A_990 : f32 to vector<16xf32>
        %mul3A_992 = arith.mulf %mul3A_665, %mul3A_991 : vector<16xf32>
        %convert_element_type3A_993 = arith.fptosi %mul3A_989 : vector<16xf32> to vector<16xi32>
        %convert_element_type3A_994 = arith.fptosi %mul3A_992 : vector<16xf32> to vector<16xi32>
        %min3A_995 = arith.constant 180 : i32
        %min3A_996 = vector.broadcast %min3A_995 : i32 to vector<16xi32>
        %min3A_997 = arith.minsi %convert_element_type3A_993, %min3A_996 : vector<16xi32>
        %add3A_998 = arith.constant 1 : i32
        %add3A_999 = vector.broadcast %add3A_998 : i32 to vector<16xi32>
        %add3A_1000 = arith.addi %convert_element_type3A_993, %add3A_999 : vector<16xi32>
        %min3A_1001 = arith.constant 180 : i32
        %min3A_1002 = vector.broadcast %min3A_1001 : i32 to vector<16xi32>
        %min3A_1003 = arith.minsi %add3A_1000, %min3A_1002 : vector<16xi32>
        %min3A_1004 = arith.constant 360 : i32
        %min3A_1005 = vector.broadcast %min3A_1004 : i32 to vector<16xi32>
        %min3A_1006 = arith.minsi %convert_element_type3A_994, %min3A_1005 : vector<16xi32>
        %add3A_1007 = arith.constant 1 : i32
        %add3A_1008 = vector.broadcast %add3A_1007 : i32 to vector<16xi32>
        %add3A_1009 = arith.addi %convert_element_type3A_994, %add3A_1008 : vector<16xi32>
        %min3A_1010 = arith.constant 360 : i32
        %min3A_1011 = vector.broadcast %min3A_1010 : i32 to vector<16xi32>
        %min3A_1012 = arith.minsi %add3A_1009, %min3A_1011 : vector<16xi32>
        %convert_element_type3A_1013 = arith.sitofp %min3A_997 : vector<16xi32> to vector<16xf32>
        %sub3A_1014 = arith.subf %mul3A_989, %convert_element_type3A_1013 : vector<16xf32>
        %abs3A_1015 = math.absf %sub3A_1014 : vector<16xf32>
        %sub3A_1016 = arith.constant 1.000000e+00 : f32
        %sub3A_1017 = vector.broadcast %sub3A_1016 : f32 to vector<16xf32>
        %sub3A_1018 = arith.subf %sub3A_1017, %abs3A_1015 : vector<16xf32>
        %convert_element_type3A_1019 = arith.sitofp %min3A_1003 : vector<16xi32> to vector<16xf32>
        %sub3A_1020 = arith.subf %mul3A_989, %convert_element_type3A_1019 : vector<16xf32>
        %abs3A_1021 = math.absf %sub3A_1020 : vector<16xf32>
        %sub3A_1022 = arith.constant 1.000000e+00 : f32
        %sub3A_1023 = vector.broadcast %sub3A_1022 : f32 to vector<16xf32>
        %sub3A_1024 = arith.subf %sub3A_1023, %abs3A_1021 : vector<16xf32>
        %convert_element_type3A_1025 = arith.sitofp %min3A_1006 : vector<16xi32> to vector<16xf32>
        %sub3A_1026 = arith.subf %mul3A_992, %convert_element_type3A_1025 : vector<16xf32>
        %abs3A_1027 = math.absf %sub3A_1026 : vector<16xf32>
        %sub3A_1028 = arith.constant 1.000000e+00 : f32
        %sub3A_1029 = vector.broadcast %sub3A_1028 : f32 to vector<16xf32>
        %sub3A_1030 = arith.subf %sub3A_1029, %abs3A_1027 : vector<16xf32>
        %convert_element_type3A_1031 = arith.sitofp %min3A_1012 : vector<16xi32> to vector<16xf32>
        %sub3A_1032 = arith.subf %mul3A_992, %convert_element_type3A_1031 : vector<16xf32>
        %abs3A_1033 = math.absf %sub3A_1032 : vector<16xf32>
        %sub3A_1034 = arith.constant 1.000000e+00 : f32
        %sub3A_1035 = vector.broadcast %sub3A_1034 : f32 to vector<16xf32>
        %sub3A_1036 = arith.subf %sub3A_1035, %abs3A_1033 : vector<16xf32>
        %eq3A_1037 = arith.constant 360 : i32
        %eq3A_1038 = vector.broadcast %eq3A_1037 : i32 to vector<16xi32>
        %eq3A_1039 = arith.cmpi eq, %min3A_1006, %eq3A_1038 : vector<16xi32>
        %jit3A_1040 = arith.constant 0 : i32
        %broadcast_in_dim3A_1041 = vector.broadcast %jit3A_1040 : i32 to vector<16xi32>
        %select_n3A_1042 = arith.select %eq3A_1039, %broadcast_in_dim3A_1041, %min3A_1006 : vector<16xi1>, vector<16xi32>
        %eq3A_1043 = arith.constant 360 : i32
        %eq3A_1044 = vector.broadcast %eq3A_1043 : i32 to vector<16xi32>
        %eq3A_1045 = arith.cmpi eq, %min3A_1012, %eq3A_1044 : vector<16xi32>
        %jit3A_1046 = arith.constant 0 : i32
        %broadcast_in_dim3A_1047 = vector.broadcast %jit3A_1046 : i32 to vector<16xi32>
        %select_n3A_1048 = arith.select %eq3A_1045, %broadcast_in_dim3A_1047, %min3A_1012 : vector<16xi1>, vector<16xi32>
        %eq3A_1049 = arith.constant 0 : i32
        %eq3A_1050 = vector.broadcast %eq3A_1049 : i32 to vector<16xi32>
        %eq3A_1051 = arith.cmpi eq, %min3A_997, %eq3A_1050 : vector<16xi32>
        %eq3A_1052 = arith.constant 180 : i32
        %eq3A_1053 = vector.broadcast %eq3A_1052 : i32 to vector<16xi32>
        %eq3A_1054 = arith.cmpi eq, %min3A_997, %eq3A_1053 : vector<16xi32>
        %or3A_1055 = arith.ori %eq3A_1051, %eq3A_1054 : vector<16xi1>
        %eq3A_1056 = arith.constant 0 : i32
        %eq3A_1057 = vector.broadcast %eq3A_1056 : i32 to vector<16xi32>
        %eq3A_1058 = arith.cmpi eq, %min3A_1003, %eq3A_1057 : vector<16xi32>
        %eq3A_1059 = arith.constant 180 : i32
        %eq3A_1060 = vector.broadcast %eq3A_1059 : i32 to vector<16xi32>
        %eq3A_1061 = arith.cmpi eq, %min3A_1003, %eq3A_1060 : vector<16xi32>
        %or3A_1062 = arith.ori %eq3A_1058, %eq3A_1061 : vector<16xi1>
        %jit3A_1063 = arith.constant 0 : i32
        %broadcast_in_dim3A_1064 = vector.broadcast %jit3A_1063 : i32 to vector<16xi32>
        %select_n3A_1065 = arith.select %or3A_1055, %broadcast_in_dim3A_1064, %select_n3A_1042 : vector<16xi1>, vector<16xi32>
        %jit3A_1066 = arith.constant 0 : i32
        %broadcast_in_dim3A_1067 = vector.broadcast %jit3A_1066 : i32 to vector<16xi32>
        %select_n3A_1068 = arith.select %or3A_1055, %broadcast_in_dim3A_1067, %select_n3A_1048 : vector<16xi1>, vector<16xi32>
        %jit3A_1069 = arith.constant 0 : i32
        %broadcast_in_dim3A_1070 = vector.broadcast %jit3A_1069 : i32 to vector<16xi32>
        %select_n3A_1071 = arith.select %or3A_1062, %broadcast_in_dim3A_1070, %select_n3A_1042 : vector<16xi1>, vector<16xi32>
        %jit3A_1072 = arith.constant 0 : i32
        %broadcast_in_dim3A_1073 = vector.broadcast %jit3A_1072 : i32 to vector<16xi32>
        %select_n3A_1074 = arith.select %or3A_1062, %broadcast_in_dim3A_1073, %select_n3A_1048 : vector<16xi1>, vector<16xi32>
        %mul3A_1075 = arith.constant 361 : i32
        %mul3A_1076 = vector.broadcast %mul3A_1075 : i32 to vector<16xi32>
        %mul3A_1077 = arith.muli %min3A_997, %mul3A_1076 : vector<16xi32>
        %mul3A_1078 = arith.constant 361 : i32
        %mul3A_1079 = vector.broadcast %mul3A_1078 : i32 to vector<16xi32>
        %mul3A_1080 = arith.muli %min3A_1003, %mul3A_1079 : vector<16xi32>
        %add3A_1081 = arith.addi %mul3A_1077, %select_n3A_1065 : vector<16xi32>
        %add3A_1082 = arith.addi %mul3A_1077, %select_n3A_1068 : vector<16xi32>
        %add3A_1083 = arith.addi %mul3A_1080, %select_n3A_1071 : vector<16xi32>
        %add3A_1084 = arith.addi %mul3A_1080, %select_n3A_1074 : vector<16xi32>
        %mul3A_1085 = arith.mulf %sub3A_1018, %sub3A_1030 : vector<16xf32>
        %mul3A_1086 = arith.mulf %sub3A_1018, %sub3A_1036 : vector<16xf32>
        %mul3A_1087 = arith.mulf %sub3A_1024, %sub3A_1030 : vector<16xf32>
        %mul3A_1088 = arith.mulf %sub3A_1024, %sub3A_1036 : vector<16xf32>
        %broadcast_in_dim3A_1089 = arith.constant 0 : i32
        %broadcast_in_dim3A_1090 = vector.broadcast %broadcast_in_dim3A_1089 : i32 to vector<16xi32>
        %broadcast_in_dim3A_1091 = arith.constant 0.000000e+00 : f32
        %broadcast_in_dim3A_1092 = vector.broadcast %broadcast_in_dim3A_1091 : f32 to vector<16xf32>
        %add3A_1093 = arith.constant 0 : i32
        %add3A_1094 = vector.broadcast %add3A_1093 : i32 to vector<16xi32>
        %add3A_1095 = arith.addi %add3A_1094, %add3A_669 : vector<16xi32>
        %gather3A_1096 = tpu.vector_load_idx %arg22[%add3A_1095, %broadcast_in_dim3A_1090] : memref<2048x2xf32, #tpu.memory_space<vmem>>[vector<16xi32>, vector<16xi32>], vector<16xf32>,
        %mul3A_1097 = arith.mulf %mul3A_1085, %gather3A_1096 : vector<16xf32>
        %add3A_1098 = arith.addf %broadcast_in_dim3A_1092, %mul3A_1097 : vector<16xf32>
        %add3A_1099 = arith.constant 128 : i32
        %add3A_1100 = vector.broadcast %add3A_1099 : i32 to vector<16xi32>
        %add3A_1101 = arith.addi %add3A_1100, %add3A_669 : vector<16xi32>
        %gather3A_1102 = tpu.vector_load_idx %arg22[%add3A_1101, %broadcast_in_dim3A_1090] : memref<2048x2xf32, #tpu.memory_space<vmem>>[vector<16xi32>, vector<16xi32>], vector<16xf32>,
        %mul3A_1103 = arith.mulf %mul3A_1086, %gather3A_1102 : vector<16xf32>
        %add3A_1104 = arith.addf %add3A_1098, %mul3A_1103 : vector<16xf32>
        %add3A_1105 = arith.constant 256 : i32
        %add3A_1106 = vector.broadcast %add3A_1105 : i32 to vector<16xi32>
        %add3A_1107 = arith.addi %add3A_1106, %add3A_669 : vector<16xi32>
        %gather3A_1108 = tpu.vector_load_idx %arg22[%add3A_1107, %broadcast_in_dim3A_1090] : memref<2048x2xf32, #tpu.memory_space<vmem>>[vector<16xi32>, vector<16xi32>], vector<16xf32>,
        %mul3A_1109 = arith.mulf %mul3A_1087, %gather3A_1108 : vector<16xf32>
        %add3A_1110 = arith.addf %add3A_1104, %mul3A_1109 : vector<16xf32>
        %add3A_1111 = arith.constant 384 : i32
        %add3A_1112 = vector.broadcast %add3A_1111 : i32 to vector<16xi32>
        %add3A_1113 = arith.addi %add3A_1112, %add3A_669 : vector<16xi32>
        %gather3A_1114 = tpu.vector_load_idx %arg22[%add3A_1113, %broadcast_in_dim3A_1090] : memref<2048x2xf32, #tpu.memory_space<vmem>>[vector<16xi32>, vector<16xi32>], vector<16xf32>,
        %mul3A_1115 = arith.mulf %mul3A_1088, %gather3A_1114 : vector<16xf32>
        %add3A_1116 = arith.addf %add3A_1110, %mul3A_1115 : vector<16xf32>
        %broadcast_in_dim3A_1117 = arith.constant 4 : i32
        %broadcast_in_dim3A_1118 = vector.broadcast %broadcast_in_dim3A_1117 : i32 to vector<16xi32>
        tpu.vector_store_idx %arg23[%add3A_669, %broadcast_in_dim3A_1118], %add3A_1116 : memref<128x14xf32, #tpu.memory_space<vmem>>[vector<16xi32>, vector<16xi32>], vector<16xf32>,
        %broadcast_in_dim3A_1119 = arith.constant 1 : i32
        %broadcast_in_dim3A_1120 = vector.broadcast %broadcast_in_dim3A_1119 : i32 to vector<16xi32>
        %broadcast_in_dim3A_1121 = arith.constant 0.000000e+00 : f32
        %broadcast_in_dim3A_1122 = vector.broadcast %broadcast_in_dim3A_1121 : f32 to vector<16xf32>
        %add3A_1123 = arith.constant 0 : i32
        %add3A_1124 = vector.broadcast %add3A_1123 : i32 to vector<16xi32>
        %add3A_1125 = arith.addi %add3A_1124, %add3A_669 : vector<16xi32>
        %gather3A_1126 = tpu.vector_load_idx %arg22[%add3A_1125, %broadcast_in_dim3A_1120] : memref<2048x2xf32, #tpu.memory_space<vmem>>[vector<16xi32>, vector<16xi32>], vector<16xf32>,
        %mul3A_1127 = arith.mulf %mul3A_1085, %gather3A_1126 : vector<16xf32>
        %add3A_1128 = arith.addf %broadcast_in_dim3A_1122, %mul3A_1127 : vector<16xf32>
        %add3A_1129 = arith.constant 128 : i32
        %add3A_1130 = vector.broadcast %add3A_1129 : i32 to vector<16xi32>
        %add3A_1131 = arith.addi %add3A_1130, %add3A_669 : vector<16xi32>
        %gather3A_1132 = tpu.vector_load_idx %arg22[%add3A_1131, %broadcast_in_dim3A_1120] : memref<2048x2xf32, #tpu.memory_space<vmem>>[vector<16xi32>, vector<16xi32>], vector<16xf32>,
        %mul3A_1133 = arith.mulf %mul3A_1086, %gather3A_1132 : vector<16xf32>
        %add3A_1134 = arith.addf %add3A_1128, %mul3A_1133 : vector<16xf32>
        %add3A_1135 = arith.constant 256 : i32
        %add3A_1136 = vector.broadcast %add3A_1135 : i32 to vector<16xi32>
        %add3A_1137 = arith.addi %add3A_1136, %add3A_669 : vector<16xi32>
        %gather3A_1138 = tpu.vector_load_idx %arg22[%add3A_1137, %broadcast_in_dim3A_1120] : memref<2048x2xf32, #tpu.memory_space<vmem>>[vector<16xi32>, vector<16xi32>], vector<16xf32>,
        %mul3A_1139 = arith.mulf %mul3A_1087, %gather3A_1138 : vector<16xf32>
        %add3A_1140 = arith.addf %add3A_1134, %mul3A_1139 : vector<16xf32>
        %add3A_1141 = arith.constant 384 : i32
        %add3A_1142 = vector.broadcast %add3A_1141 : i32 to vector<16xi32>
        %add3A_1143 = arith.addi %add3A_1142, %add3A_669 : vector<16xi32>
        %gather3A_1144 = tpu.vector_load_idx %arg22[%add3A_1143, %broadcast_in_dim3A_1120] : memref<2048x2xf32, #tpu.memory_space<vmem>>[vector<16xi32>, vector<16xi32>], vector<16xf32>,
        %mul3A_1145 = arith.mulf %mul3A_1088, %gather3A_1144 : vector<16xf32>
        %add3A_1146 = arith.addf %add3A_1140, %mul3A_1145 : vector<16xf32>
        %broadcast_in_dim3A_1147 = arith.constant 5 : i32
        %broadcast_in_dim3A_1148 = vector.broadcast %broadcast_in_dim3A_1147 : i32 to vector<16xi32>
        tpu.vector_store_idx %arg23[%add3A_669, %broadcast_in_dim3A_1148], %add3A_1146 : memref<128x14xf32, #tpu.memory_space<vmem>>[vector<16xi32>, vector<16xi32>], vector<16xf32>,
      }
      %scan3A_645 = arith.constant 8 : i32
      "tpu.region"() ({
        %run_scoped3A = tpu.sem_alloc : memref<!tpu.dma_semaphore, #tpu.memory_space<semaphore_mem>>
        %dma_start3A_646 = arith.constant 0 : i32
        %dma_start3A_647 = tpu.memref_slice %arg12[%add3A_11, %dma_start3A_646] : memref<1015808x14xf32, #tpu.memory_space<hbm>> -> memref<128x14xf32, #tpu.memory_space<hbm>>
        %dma_start3A_648 = arith.constant 0 : i32
        %dma_start3A_649 = tpu.memref_slice %arg12[%add3A_11, %dma_start3A_648] : memref<1015808x14xf32, #tpu.memory_space<hbm>> -> memref<128x14xf32, #tpu.memory_space<hbm>>
        tpu.enqueue_dma source(%arg23 : memref<128x14xf32, #tpu.memory_space<vmem>>) target(%dma_start3A_649 : memref<128x14xf32, #tpu.memory_space<hbm>>) target_semaphore(%run_scoped3A : memref<!tpu.dma_semaphore, #tpu.memory_space<semaphore_mem>>)
        %dma_wait3A_650 = arith.constant 0 : i32
        %dma_wait3A_651 = tpu.memref_slice %arg12[%add3A_11, %dma_wait3A_650] : memref<1015808x14xf32, #tpu.memory_space<hbm>> -> memref<128x14xf32, #tpu.memory_space<hbm>>
        %dma_wait3A_652 = arith.constant 0 : i32
        %dma_wait3A_653 = tpu.memref_slice %arg12[%add3A_11, %dma_wait3A_652] : memref<1015808x14xf32, #tpu.memory_space<hbm>> -> memref<128x14xf32, #tpu.memory_space<hbm>>
        tpu.wait_dma2 semaphore(%run_scoped3A : memref<!tpu.dma_semaphore, #tpu.memory_space<semaphore_mem>>) src(%arg23 : memref<128x14xf32, #tpu.memory_space<vmem>>) dst(%dma_wait3A_653 : memref<128x14xf32, #tpu.memory_space<hbm>>)
        tpu.yield
      }) : () -> ()
    }
    %scan3A_5 = arith.constant 248 : i32
    return
  }
}

module attributes {stable_mosaic.version = 14 : i64} {
  func.func @_tc_index_kernel(%arg0: i32, %arg1: memref<8x128xf32, #tpu.memory_space<vmem>>, %arg2: memref<8x128xf32, #tpu.memory_space<vmem>>, %arg3: memref<12x8x128xi32, #tpu.memory_space<vmem>>) attributes {dimension_semantics = [#tpu.dimension_semantics<arbitrary>], iteration_bounds = array<i64: 992>, scalar_prefetch = 0 : i64, scratch_operands = 0 : i64, tpu.core_type = #tpu.core_type<tc>, window_params = [{transform_indices = @transform_0, window_bounds = array<i64: 8, 128>}, {transform_indices = @transform_1, window_bounds = array<i64: 8, 128>}, {transform_indices = @transform_2, window_bounds = array<i64: 12, 8, 128>}]} {
    %get3A = arith.constant 0 : index
    %get3A_0 = arith.constant 0 : index
    %get3A_1 = vector.load %arg1[%get3A, %get3A_0] : memref<8x128xf32, #tpu.memory_space<vmem>>, vector<8x128xf32>
    %get3A_2 = arith.constant 0 : index
    %get3A_3 = arith.constant 0 : index
    %get3A_4 = vector.load %arg2[%get3A_2, %get3A_3] : memref<8x128xf32, #tpu.memory_space<vmem>>, vector<8x128xf32>
    %add3A = arith.constant 9.000000e+01 : f32
    %add3A_5 = vector.broadcast %add3A : f32 to vector<8x128xf32>
    %add3A_6 = arith.addf %get3A_1, %add3A_5 : vector<8x128xf32>
    %div3A = arith.constant 1.800000e+02 : f32
    %div3A_7 = vector.broadcast %div3A : f32 to vector<8x128xf32>
    %div3A_8 = arith.divf %add3A_6, %div3A_7 : vector<8x128xf32>
    %div3A_9 = arith.constant 3.600000e+02 : f32
    %div3A_10 = vector.broadcast %div3A_9 : f32 to vector<8x128xf32>
    %div3A_11 = arith.divf %get3A_4, %div3A_10 : vector<8x128xf32>
    %mul3A = arith.constant 2.000000e+00 : f32
    %mul3A_12 = vector.broadcast %mul3A : f32 to vector<8x128xf32>
    %mul3A_13 = arith.mulf %div3A_11, %mul3A_12 : vector<8x128xf32>
    %mul3A_14 = arith.constant 7.200000e+02 : f32
    %mul3A_15 = vector.broadcast %mul3A_14 : f32 to vector<8x128xf32>
    %mul3A_16 = arith.mulf %div3A_8, %mul3A_15 : vector<8x128xf32>
    %mul3A_17 = arith.constant 7.200000e+02 : f32
    %mul3A_18 = vector.broadcast %mul3A_17 : f32 to vector<8x128xf32>
    %mul3A_19 = arith.mulf %mul3A_13, %mul3A_18 : vector<8x128xf32>
    %convert_element_type3A = arith.fptosi %mul3A_16 : vector<8x128xf32> to vector<8x128xi32>
    %convert_element_type3A_20 = arith.fptosi %mul3A_19 : vector<8x128xf32> to vector<8x128xi32>
    %min3A = arith.constant 720 : i32
    %min3A_21 = vector.broadcast %min3A : i32 to vector<8x128xi32>
    %min3A_22 = arith.minsi %convert_element_type3A, %min3A_21 : vector<8x128xi32>
    %add3A_23 = arith.constant 1 : i32
    %add3A_24 = vector.broadcast %add3A_23 : i32 to vector<8x128xi32>
    %add3A_25 = arith.addi %convert_element_type3A, %add3A_24 : vector<8x128xi32>
    %min3A_26 = arith.constant 720 : i32
    %min3A_27 = vector.broadcast %min3A_26 : i32 to vector<8x128xi32>
    %min3A_28 = arith.minsi %add3A_25, %min3A_27 : vector<8x128xi32>
    %min3A_29 = arith.constant 1440 : i32
    %min3A_30 = vector.broadcast %min3A_29 : i32 to vector<8x128xi32>
    %min3A_31 = arith.minsi %convert_element_type3A_20, %min3A_30 : vector<8x128xi32>
    %add3A_32 = arith.constant 1 : i32
    %add3A_33 = vector.broadcast %add3A_32 : i32 to vector<8x128xi32>
    %add3A_34 = arith.addi %convert_element_type3A_20, %add3A_33 : vector<8x128xi32>
    %min3A_35 = arith.constant 1440 : i32
    %min3A_36 = vector.broadcast %min3A_35 : i32 to vector<8x128xi32>
    %min3A_37 = arith.minsi %add3A_34, %min3A_36 : vector<8x128xi32>
    %eq3A = arith.constant 1440 : i32
    %eq3A_38 = vector.broadcast %eq3A : i32 to vector<8x128xi32>
    %eq3A_39 = arith.cmpi eq, %min3A_31, %eq3A_38 : vector<8x128xi32>
    %jit3A = arith.constant 0 : i32
    %broadcast_in_dim3A = vector.broadcast %jit3A : i32 to vector<8x128xi32>
    %select_n3A = arith.select %eq3A_39, %broadcast_in_dim3A, %min3A_31 : vector<8x128xi1>, vector<8x128xi32>
    %eq3A_40 = arith.constant 1440 : i32
    %eq3A_41 = vector.broadcast %eq3A_40 : i32 to vector<8x128xi32>
    %eq3A_42 = arith.cmpi eq, %min3A_37, %eq3A_41 : vector<8x128xi32>
    %jit3A_43 = arith.constant 0 : i32
    %broadcast_in_dim3A_44 = vector.broadcast %jit3A_43 : i32 to vector<8x128xi32>
    %select_n3A_45 = arith.select %eq3A_42, %broadcast_in_dim3A_44, %min3A_37 : vector<8x128xi1>, vector<8x128xi32>
    %eq3A_46 = arith.constant 0 : i32
    %eq3A_47 = vector.broadcast %eq3A_46 : i32 to vector<8x128xi32>
    %eq3A_48 = arith.cmpi eq, %min3A_22, %eq3A_47 : vector<8x128xi32>
    %eq3A_49 = arith.constant 720 : i32
    %eq3A_50 = vector.broadcast %eq3A_49 : i32 to vector<8x128xi32>
    %eq3A_51 = arith.cmpi eq, %min3A_22, %eq3A_50 : vector<8x128xi32>
    %or3A = arith.ori %eq3A_48, %eq3A_51 : vector<8x128xi1>
    %eq3A_52 = arith.constant 0 : i32
    %eq3A_53 = vector.broadcast %eq3A_52 : i32 to vector<8x128xi32>
    %eq3A_54 = arith.cmpi eq, %min3A_28, %eq3A_53 : vector<8x128xi32>
    %eq3A_55 = arith.constant 720 : i32
    %eq3A_56 = vector.broadcast %eq3A_55 : i32 to vector<8x128xi32>
    %eq3A_57 = arith.cmpi eq, %min3A_28, %eq3A_56 : vector<8x128xi32>
    %or3A_58 = arith.ori %eq3A_54, %eq3A_57 : vector<8x128xi1>
    %jit3A_59 = arith.constant 0 : i32
    %broadcast_in_dim3A_60 = vector.broadcast %jit3A_59 : i32 to vector<8x128xi32>
    %select_n3A_61 = arith.select %or3A, %broadcast_in_dim3A_60, %select_n3A : vector<8x128xi1>, vector<8x128xi32>
    %jit3A_62 = arith.constant 0 : i32
    %broadcast_in_dim3A_63 = vector.broadcast %jit3A_62 : i32 to vector<8x128xi32>
    %select_n3A_64 = arith.select %or3A, %broadcast_in_dim3A_63, %select_n3A_45 : vector<8x128xi1>, vector<8x128xi32>
    %jit3A_65 = arith.constant 0 : i32
    %broadcast_in_dim3A_66 = vector.broadcast %jit3A_65 : i32 to vector<8x128xi32>
    %select_n3A_67 = arith.select %or3A_58, %broadcast_in_dim3A_66, %select_n3A : vector<8x128xi1>, vector<8x128xi32>
    %jit3A_68 = arith.constant 0 : i32
    %broadcast_in_dim3A_69 = vector.broadcast %jit3A_68 : i32 to vector<8x128xi32>
    %select_n3A_70 = arith.select %or3A_58, %broadcast_in_dim3A_69, %select_n3A_45 : vector<8x128xi1>, vector<8x128xi32>
    %mul3A_71 = arith.constant 1441 : i32
    %mul3A_72 = vector.broadcast %mul3A_71 : i32 to vector<8x128xi32>
    %mul3A_73 = arith.muli %min3A_22, %mul3A_72 : vector<8x128xi32>
    %mul3A_74 = arith.constant 1441 : i32
    %mul3A_75 = vector.broadcast %mul3A_74 : i32 to vector<8x128xi32>
    %mul3A_76 = arith.muli %min3A_28, %mul3A_75 : vector<8x128xi32>
    %add3A_77 = arith.addi %mul3A_73, %select_n3A_61 : vector<8x128xi32>
    %add3A_78 = arith.addi %mul3A_73, %select_n3A_64 : vector<8x128xi32>
    %add3A_79 = arith.addi %mul3A_76, %select_n3A_67 : vector<8x128xi32>
    %add3A_80 = arith.addi %mul3A_76, %select_n3A_70 : vector<8x128xi32>
    %swap3A = arith.constant 0 : index
    %swap3A_81 = arith.constant 0 : index
    %swap3A_82 = arith.constant 0 : index
    %swap3A_83 = vector.load %arg3[%swap3A, %swap3A_81, %swap3A_82] : memref<12x8x128xi32, #tpu.memory_space<vmem>>, vector<1x8x128xi32>
    %swap3A_84 = vector.shape_cast %swap3A_83 : vector<1x8x128xi32> to vector<8x128xi32>
    %swap3A_85 = vector.shape_cast %add3A_77 : vector<8x128xi32> to vector<1x8x128xi32>
    tpu.vector_store %arg3[%swap3A, %swap3A_81, %swap3A_82], %swap3A_85 {strides = array<i32>} : memref<12x8x128xi32, #tpu.memory_space<vmem>>, vector<1x8x128xi32>,
    %swap3A_86 = arith.constant 1 : index
    %swap3A_87 = arith.constant 0 : index
    %swap3A_88 = arith.constant 0 : index
    %swap3A_89 = vector.load %arg3[%swap3A_86, %swap3A_87, %swap3A_88] : memref<12x8x128xi32, #tpu.memory_space<vmem>>, vector<1x8x128xi32>
    %swap3A_90 = vector.shape_cast %swap3A_89 : vector<1x8x128xi32> to vector<8x128xi32>
    %swap3A_91 = vector.shape_cast %add3A_78 : vector<8x128xi32> to vector<1x8x128xi32>
    tpu.vector_store %arg3[%swap3A_86, %swap3A_87, %swap3A_88], %swap3A_91 {strides = array<i32>} : memref<12x8x128xi32, #tpu.memory_space<vmem>>, vector<1x8x128xi32>,
    %swap3A_92 = arith.constant 2 : index
    %swap3A_93 = arith.constant 0 : index
    %swap3A_94 = arith.constant 0 : index
    %swap3A_95 = vector.load %arg3[%swap3A_92, %swap3A_93, %swap3A_94] : memref<12x8x128xi32, #tpu.memory_space<vmem>>, vector<1x8x128xi32>
    %swap3A_96 = vector.shape_cast %swap3A_95 : vector<1x8x128xi32> to vector<8x128xi32>
    %swap3A_97 = vector.shape_cast %add3A_79 : vector<8x128xi32> to vector<1x8x128xi32>
    tpu.vector_store %arg3[%swap3A_92, %swap3A_93, %swap3A_94], %swap3A_97 {strides = array<i32>} : memref<12x8x128xi32, #tpu.memory_space<vmem>>, vector<1x8x128xi32>,
    %swap3A_98 = arith.constant 3 : index
    %swap3A_99 = arith.constant 0 : index
    %swap3A_100 = arith.constant 0 : index
    %swap3A_101 = vector.load %arg3[%swap3A_98, %swap3A_99, %swap3A_100] : memref<12x8x128xi32, #tpu.memory_space<vmem>>, vector<1x8x128xi32>
    %swap3A_102 = vector.shape_cast %swap3A_101 : vector<1x8x128xi32> to vector<8x128xi32>
    %swap3A_103 = vector.shape_cast %add3A_80 : vector<8x128xi32> to vector<1x8x128xi32>
    tpu.vector_store %arg3[%swap3A_98, %swap3A_99, %swap3A_100], %swap3A_103 {strides = array<i32>} : memref<12x8x128xi32, #tpu.memory_space<vmem>>, vector<1x8x128xi32>,
    %mul3A_104 = arith.constant 3.600000e+02 : f32
    %mul3A_105 = vector.broadcast %mul3A_104 : f32 to vector<8x128xf32>
    %mul3A_106 = arith.mulf %div3A_8, %mul3A_105 : vector<8x128xf32>
    %mul3A_107 = arith.constant 3.600000e+02 : f32
    %mul3A_108 = vector.broadcast %mul3A_107 : f32 to vector<8x128xf32>
    %mul3A_109 = arith.mulf %mul3A_13, %mul3A_108 : vector<8x128xf32>
    %convert_element_type3A_110 = arith.fptosi %mul3A_106 : vector<8x128xf32> to vector<8x128xi32>
    %convert_element_type3A_111 = arith.fptosi %mul3A_109 : vector<8x128xf32> to vector<8x128xi32>
    %min3A_112 = arith.constant 360 : i32
    %min3A_113 = vector.broadcast %min3A_112 : i32 to vector<8x128xi32>
    %min3A_114 = arith.minsi %convert_element_type3A_110, %min3A_113 : vector<8x128xi32>
    %add3A_115 = arith.constant 1 : i32
    %add3A_116 = vector.broadcast %add3A_115 : i32 to vector<8x128xi32>
    %add3A_117 = arith.addi %convert_element_type3A_110, %add3A_116 : vector<8x128xi32>
    %min3A_118 = arith.constant 360 : i32
    %min3A_119 = vector.broadcast %min3A_118 : i32 to vector<8x128xi32>
    %min3A_120 = arith.minsi %add3A_117, %min3A_119 : vector<8x128xi32>
    %min3A_121 = arith.constant 720 : i32
    %min3A_122 = vector.broadcast %min3A_121 : i32 to vector<8x128xi32>
    %min3A_123 = arith.minsi %convert_element_type3A_111, %min3A_122 : vector<8x128xi32>
    %add3A_124 = arith.constant 1 : i32
    %add3A_125 = vector.broadcast %add3A_124 : i32 to vector<8x128xi32>
    %add3A_126 = arith.addi %convert_element_type3A_111, %add3A_125 : vector<8x128xi32>
    %min3A_127 = arith.constant 720 : i32
    %min3A_128 = vector.broadcast %min3A_127 : i32 to vector<8x128xi32>
    %min3A_129 = arith.minsi %add3A_126, %min3A_128 : vector<8x128xi32>
    %eq3A_130 = arith.constant 720 : i32
    %eq3A_131 = vector.broadcast %eq3A_130 : i32 to vector<8x128xi32>
    %eq3A_132 = arith.cmpi eq, %min3A_123, %eq3A_131 : vector<8x128xi32>
    %jit3A_133 = arith.constant 0 : i32
    %broadcast_in_dim3A_134 = vector.broadcast %jit3A_133 : i32 to vector<8x128xi32>
    %select_n3A_135 = arith.select %eq3A_132, %broadcast_in_dim3A_134, %min3A_123 : vector<8x128xi1>, vector<8x128xi32>
    %eq3A_136 = arith.constant 720 : i32
    %eq3A_137 = vector.broadcast %eq3A_136 : i32 to vector<8x128xi32>
    %eq3A_138 = arith.cmpi eq, %min3A_129, %eq3A_137 : vector<8x128xi32>
    %jit3A_139 = arith.constant 0 : i32
    %broadcast_in_dim3A_140 = vector.broadcast %jit3A_139 : i32 to vector<8x128xi32>
    %select_n3A_141 = arith.select %eq3A_138, %broadcast_in_dim3A_140, %min3A_129 : vector<8x128xi1>, vector<8x128xi32>
    %eq3A_142 = arith.constant 0 : i32
    %eq3A_143 = vector.broadcast %eq3A_142 : i32 to vector<8x128xi32>
    %eq3A_144 = arith.cmpi eq, %min3A_114, %eq3A_143 : vector<8x128xi32>
    %eq3A_145 = arith.constant 360 : i32
    %eq3A_146 = vector.broadcast %eq3A_145 : i32 to vector<8x128xi32>
    %eq3A_147 = arith.cmpi eq, %min3A_114, %eq3A_146 : vector<8x128xi32>
    %or3A_148 = arith.ori %eq3A_144, %eq3A_147 : vector<8x128xi1>
    %eq3A_149 = arith.constant 0 : i32
    %eq3A_150 = vector.broadcast %eq3A_149 : i32 to vector<8x128xi32>
    %eq3A_151 = arith.cmpi eq, %min3A_120, %eq3A_150 : vector<8x128xi32>
    %eq3A_152 = arith.constant 360 : i32
    %eq3A_153 = vector.broadcast %eq3A_152 : i32 to vector<8x128xi32>
    %eq3A_154 = arith.cmpi eq, %min3A_120, %eq3A_153 : vector<8x128xi32>
    %or3A_155 = arith.ori %eq3A_151, %eq3A_154 : vector<8x128xi1>
    %jit3A_156 = arith.constant 0 : i32
    %broadcast_in_dim3A_157 = vector.broadcast %jit3A_156 : i32 to vector<8x128xi32>
    %select_n3A_158 = arith.select %or3A_148, %broadcast_in_dim3A_157, %select_n3A_135 : vector<8x128xi1>, vector<8x128xi32>
    %jit3A_159 = arith.constant 0 : i32
    %broadcast_in_dim3A_160 = vector.broadcast %jit3A_159 : i32 to vector<8x128xi32>
    %select_n3A_161 = arith.select %or3A_148, %broadcast_in_dim3A_160, %select_n3A_141 : vector<8x128xi1>, vector<8x128xi32>
    %jit3A_162 = arith.constant 0 : i32
    %broadcast_in_dim3A_163 = vector.broadcast %jit3A_162 : i32 to vector<8x128xi32>
    %select_n3A_164 = arith.select %or3A_155, %broadcast_in_dim3A_163, %select_n3A_135 : vector<8x128xi1>, vector<8x128xi32>
    %jit3A_165 = arith.constant 0 : i32
    %broadcast_in_dim3A_166 = vector.broadcast %jit3A_165 : i32 to vector<8x128xi32>
    %select_n3A_167 = arith.select %or3A_155, %broadcast_in_dim3A_166, %select_n3A_141 : vector<8x128xi1>, vector<8x128xi32>
    %mul3A_168 = arith.constant 721 : i32
    %mul3A_169 = vector.broadcast %mul3A_168 : i32 to vector<8x128xi32>
    %mul3A_170 = arith.muli %min3A_114, %mul3A_169 : vector<8x128xi32>
    %mul3A_171 = arith.constant 721 : i32
    %mul3A_172 = vector.broadcast %mul3A_171 : i32 to vector<8x128xi32>
    %mul3A_173 = arith.muli %min3A_120, %mul3A_172 : vector<8x128xi32>
    %add3A_174 = arith.addi %mul3A_170, %select_n3A_158 : vector<8x128xi32>
    %add3A_175 = arith.addi %mul3A_170, %select_n3A_161 : vector<8x128xi32>
    %add3A_176 = arith.addi %mul3A_173, %select_n3A_164 : vector<8x128xi32>
    %add3A_177 = arith.addi %mul3A_173, %select_n3A_167 : vector<8x128xi32>
    %swap3A_178 = arith.constant 4 : index
    %swap3A_179 = arith.constant 0 : index
    %swap3A_180 = arith.constant 0 : index
    %swap3A_181 = vector.load %arg3[%swap3A_178, %swap3A_179, %swap3A_180] : memref<12x8x128xi32, #tpu.memory_space<vmem>>, vector<1x8x128xi32>
    %swap3A_182 = vector.shape_cast %swap3A_181 : vector<1x8x128xi32> to vector<8x128xi32>
    %swap3A_183 = vector.shape_cast %add3A_174 : vector<8x128xi32> to vector<1x8x128xi32>
    tpu.vector_store %arg3[%swap3A_178, %swap3A_179, %swap3A_180], %swap3A_183 {strides = array<i32>} : memref<12x8x128xi32, #tpu.memory_space<vmem>>, vector<1x8x128xi32>,
    %swap3A_184 = arith.constant 5 : index
    %swap3A_185 = arith.constant 0 : index
    %swap3A_186 = arith.constant 0 : index
    %swap3A_187 = vector.load %arg3[%swap3A_184, %swap3A_185, %swap3A_186] : memref<12x8x128xi32, #tpu.memory_space<vmem>>, vector<1x8x128xi32>
    %swap3A_188 = vector.shape_cast %swap3A_187 : vector<1x8x128xi32> to vector<8x128xi32>
    %swap3A_189 = vector.shape_cast %add3A_175 : vector<8x128xi32> to vector<1x8x128xi32>
    tpu.vector_store %arg3[%swap3A_184, %swap3A_185, %swap3A_186], %swap3A_189 {strides = array<i32>} : memref<12x8x128xi32, #tpu.memory_space<vmem>>, vector<1x8x128xi32>,
    %swap3A_190 = arith.constant 6 : index
    %swap3A_191 = arith.constant 0 : index
    %swap3A_192 = arith.constant 0 : index
    %swap3A_193 = vector.load %arg3[%swap3A_190, %swap3A_191, %swap3A_192] : memref<12x8x128xi32, #tpu.memory_space<vmem>>, vector<1x8x128xi32>
    %swap3A_194 = vector.shape_cast %swap3A_193 : vector<1x8x128xi32> to vector<8x128xi32>
    %swap3A_195 = vector.shape_cast %add3A_176 : vector<8x128xi32> to vector<1x8x128xi32>
    tpu.vector_store %arg3[%swap3A_190, %swap3A_191, %swap3A_192], %swap3A_195 {strides = array<i32>} : memref<12x8x128xi32, #tpu.memory_space<vmem>>, vector<1x8x128xi32>,
    %swap3A_196 = arith.constant 7 : index
    %swap3A_197 = arith.constant 0 : index
    %swap3A_198 = arith.constant 0 : index
    %swap3A_199 = vector.load %arg3[%swap3A_196, %swap3A_197, %swap3A_198] : memref<12x8x128xi32, #tpu.memory_space<vmem>>, vector<1x8x128xi32>
    %swap3A_200 = vector.shape_cast %swap3A_199 : vector<1x8x128xi32> to vector<8x128xi32>
    %swap3A_201 = vector.shape_cast %add3A_177 : vector<8x128xi32> to vector<1x8x128xi32>
    tpu.vector_store %arg3[%swap3A_196, %swap3A_197, %swap3A_198], %swap3A_201 {strides = array<i32>} : memref<12x8x128xi32, #tpu.memory_space<vmem>>, vector<1x8x128xi32>,
    %mul3A_202 = arith.constant 1.800000e+02 : f32
    %mul3A_203 = vector.broadcast %mul3A_202 : f32 to vector<8x128xf32>
    %mul3A_204 = arith.mulf %div3A_8, %mul3A_203 : vector<8x128xf32>
    %mul3A_205 = arith.constant 1.800000e+02 : f32
    %mul3A_206 = vector.broadcast %mul3A_205 : f32 to vector<8x128xf32>
    %mul3A_207 = arith.mulf %mul3A_13, %mul3A_206 : vector<8x128xf32>
    %convert_element_type3A_208 = arith.fptosi %mul3A_204 : vector<8x128xf32> to vector<8x128xi32>
    %convert_element_type3A_209 = arith.fptosi %mul3A_207 : vector<8x128xf32> to vector<8x128xi32>
    %min3A_210 = arith.constant 180 : i32
    %min3A_211 = vector.broadcast %min3A_210 : i32 to vector<8x128xi32>
    %min3A_212 = arith.minsi %convert_element_type3A_208, %min3A_211 : vector<8x128xi32>
    %add3A_213 = arith.constant 1 : i32
    %add3A_214 = vector.broadcast %add3A_213 : i32 to vector<8x128xi32>
    %add3A_215 = arith.addi %convert_element_type3A_208, %add3A_214 : vector<8x128xi32>
    %min3A_216 = arith.constant 180 : i32
    %min3A_217 = vector.broadcast %min3A_216 : i32 to vector<8x128xi32>
    %min3A_218 = arith.minsi %add3A_215, %min3A_217 : vector<8x128xi32>
    %min3A_219 = arith.constant 360 : i32
    %min3A_220 = vector.broadcast %min3A_219 : i32 to vector<8x128xi32>
    %min3A_221 = arith.minsi %convert_element_type3A_209, %min3A_220 : vector<8x128xi32>
    %add3A_222 = arith.constant 1 : i32
    %add3A_223 = vector.broadcast %add3A_222 : i32 to vector<8x128xi32>
    %add3A_224 = arith.addi %convert_element_type3A_209, %add3A_223 : vector<8x128xi32>
    %min3A_225 = arith.constant 360 : i32
    %min3A_226 = vector.broadcast %min3A_225 : i32 to vector<8x128xi32>
    %min3A_227 = arith.minsi %add3A_224, %min3A_226 : vector<8x128xi32>
    %eq3A_228 = arith.constant 360 : i32
    %eq3A_229 = vector.broadcast %eq3A_228 : i32 to vector<8x128xi32>
    %eq3A_230 = arith.cmpi eq, %min3A_221, %eq3A_229 : vector<8x128xi32>
    %jit3A_231 = arith.constant 0 : i32
    %broadcast_in_dim3A_232 = vector.broadcast %jit3A_231 : i32 to vector<8x128xi32>
    %select_n3A_233 = arith.select %eq3A_230, %broadcast_in_dim3A_232, %min3A_221 : vector<8x128xi1>, vector<8x128xi32>
    %eq3A_234 = arith.constant 360 : i32
    %eq3A_235 = vector.broadcast %eq3A_234 : i32 to vector<8x128xi32>
    %eq3A_236 = arith.cmpi eq, %min3A_227, %eq3A_235 : vector<8x128xi32>
    %jit3A_237 = arith.constant 0 : i32
    %broadcast_in_dim3A_238 = vector.broadcast %jit3A_237 : i32 to vector<8x128xi32>
    %select_n3A_239 = arith.select %eq3A_236, %broadcast_in_dim3A_238, %min3A_227 : vector<8x128xi1>, vector<8x128xi32>
    %eq3A_240 = arith.constant 0 : i32
    %eq3A_241 = vector.broadcast %eq3A_240 : i32 to vector<8x128xi32>
    %eq3A_242 = arith.cmpi eq, %min3A_212, %eq3A_241 : vector<8x128xi32>
    %eq3A_243 = arith.constant 180 : i32
    %eq3A_244 = vector.broadcast %eq3A_243 : i32 to vector<8x128xi32>
    %eq3A_245 = arith.cmpi eq, %min3A_212, %eq3A_244 : vector<8x128xi32>
    %or3A_246 = arith.ori %eq3A_242, %eq3A_245 : vector<8x128xi1>
    %eq3A_247 = arith.constant 0 : i32
    %eq3A_248 = vector.broadcast %eq3A_247 : i32 to vector<8x128xi32>
    %eq3A_249 = arith.cmpi eq, %min3A_218, %eq3A_248 : vector<8x128xi32>
    %eq3A_250 = arith.constant 180 : i32
    %eq3A_251 = vector.broadcast %eq3A_250 : i32 to vector<8x128xi32>
    %eq3A_252 = arith.cmpi eq, %min3A_218, %eq3A_251 : vector<8x128xi32>
    %or3A_253 = arith.ori %eq3A_249, %eq3A_252 : vector<8x128xi1>
    %jit3A_254 = arith.constant 0 : i32
    %broadcast_in_dim3A_255 = vector.broadcast %jit3A_254 : i32 to vector<8x128xi32>
    %select_n3A_256 = arith.select %or3A_246, %broadcast_in_dim3A_255, %select_n3A_233 : vector<8x128xi1>, vector<8x128xi32>
    %jit3A_257 = arith.constant 0 : i32
    %broadcast_in_dim3A_258 = vector.broadcast %jit3A_257 : i32 to vector<8x128xi32>
    %select_n3A_259 = arith.select %or3A_246, %broadcast_in_dim3A_258, %select_n3A_239 : vector<8x128xi1>, vector<8x128xi32>
    %jit3A_260 = arith.constant 0 : i32
    %broadcast_in_dim3A_261 = vector.broadcast %jit3A_260 : i32 to vector<8x128xi32>
    %select_n3A_262 = arith.select %or3A_253, %broadcast_in_dim3A_261, %select_n3A_233 : vector<8x128xi1>, vector<8x128xi32>
    %jit3A_263 = arith.constant 0 : i32
    %broadcast_in_dim3A_264 = vector.broadcast %jit3A_263 : i32 to vector<8x128xi32>
    %select_n3A_265 = arith.select %or3A_253, %broadcast_in_dim3A_264, %select_n3A_239 : vector<8x128xi1>, vector<8x128xi32>
    %mul3A_266 = arith.constant 361 : i32
    %mul3A_267 = vector.broadcast %mul3A_266 : i32 to vector<8x128xi32>
    %mul3A_268 = arith.muli %min3A_212, %mul3A_267 : vector<8x128xi32>
    %mul3A_269 = arith.constant 361 : i32
    %mul3A_270 = vector.broadcast %mul3A_269 : i32 to vector<8x128xi32>
    %mul3A_271 = arith.muli %min3A_218, %mul3A_270 : vector<8x128xi32>
    %add3A_272 = arith.addi %mul3A_268, %select_n3A_256 : vector<8x128xi32>
    %add3A_273 = arith.addi %mul3A_268, %select_n3A_259 : vector<8x128xi32>
    %add3A_274 = arith.addi %mul3A_271, %select_n3A_262 : vector<8x128xi32>
    %add3A_275 = arith.addi %mul3A_271, %select_n3A_265 : vector<8x128xi32>
    %swap3A_276 = arith.constant 8 : index
    %swap3A_277 = arith.constant 0 : index
    %swap3A_278 = arith.constant 0 : index
    %swap3A_279 = vector.load %arg3[%swap3A_276, %swap3A_277, %swap3A_278] : memref<12x8x128xi32, #tpu.memory_space<vmem>>, vector<1x8x128xi32>
    %swap3A_280 = vector.shape_cast %swap3A_279 : vector<1x8x128xi32> to vector<8x128xi32>
    %swap3A_281 = vector.shape_cast %add3A_272 : vector<8x128xi32> to vector<1x8x128xi32>
    tpu.vector_store %arg3[%swap3A_276, %swap3A_277, %swap3A_278], %swap3A_281 {strides = array<i32>} : memref<12x8x128xi32, #tpu.memory_space<vmem>>, vector<1x8x128xi32>,
    %swap3A_282 = arith.constant 9 : index
    %swap3A_283 = arith.constant 0 : index
    %swap3A_284 = arith.constant 0 : index
    %swap3A_285 = vector.load %arg3[%swap3A_282, %swap3A_283, %swap3A_284] : memref<12x8x128xi32, #tpu.memory_space<vmem>>, vector<1x8x128xi32>
    %swap3A_286 = vector.shape_cast %swap3A_285 : vector<1x8x128xi32> to vector<8x128xi32>
    %swap3A_287 = vector.shape_cast %add3A_273 : vector<8x128xi32> to vector<1x8x128xi32>
    tpu.vector_store %arg3[%swap3A_282, %swap3A_283, %swap3A_284], %swap3A_287 {strides = array<i32>} : memref<12x8x128xi32, #tpu.memory_space<vmem>>, vector<1x8x128xi32>,
    %swap3A_288 = arith.constant 10 : index
    %swap3A_289 = arith.constant 0 : index
    %swap3A_290 = arith.constant 0 : index
    %swap3A_291 = vector.load %arg3[%swap3A_288, %swap3A_289, %swap3A_290] : memref<12x8x128xi32, #tpu.memory_space<vmem>>, vector<1x8x128xi32>
    %swap3A_292 = vector.shape_cast %swap3A_291 : vector<1x8x128xi32> to vector<8x128xi32>
    %swap3A_293 = vector.shape_cast %add3A_274 : vector<8x128xi32> to vector<1x8x128xi32>
    tpu.vector_store %arg3[%swap3A_288, %swap3A_289, %swap3A_290], %swap3A_293 {strides = array<i32>} : memref<12x8x128xi32, #tpu.memory_space<vmem>>, vector<1x8x128xi32>,
    %swap3A_294 = arith.constant 11 : index
    %swap3A_295 = arith.constant 0 : index
    %swap3A_296 = arith.constant 0 : index
    %swap3A_297 = vector.load %arg3[%swap3A_294, %swap3A_295, %swap3A_296] : memref<12x8x128xi32, #tpu.memory_space<vmem>>, vector<1x8x128xi32>
    %swap3A_298 = vector.shape_cast %swap3A_297 : vector<1x8x128xi32> to vector<8x128xi32>
    %swap3A_299 = vector.shape_cast %add3A_275 : vector<8x128xi32> to vector<1x8x128xi32>
    tpu.vector_store %arg3[%swap3A_294, %swap3A_295, %swap3A_296], %swap3A_299 {strides = array<i32>} : memref<12x8x128xi32, #tpu.memory_space<vmem>>, vector<1x8x128xi32>,
    return
  }
  func.func @transform_0(%arg0: i32) -> (i32, i32) {
    %c0_i32 = arith.constant 0 : i32
    %c0_i32_0 = arith.constant 0 : i32
    return %arg0, %c0_i32 : i32, i32
  }
  func.func @transform_1(%arg0: i32) -> (i32, i32) {
    %c0_i32 = arith.constant 0 : i32
    %c0_i32_0 = arith.constant 0 : i32
    return %arg0, %c0_i32 : i32, i32
  }
  func.func @transform_2(%arg0: i32) -> (i32, i32, i32) {
    %c0_i32 = arith.constant 0 : i32
    %c0_i32_0 = arith.constant 0 : i32
    %c0_i32_1 = arith.constant 0 : i32
    return %c0_i32, %arg0, %c0_i32_0 : i32, i32, i32
  }
}

</mosaic_0001>

<sc_bundles>
// kernel: kernel.4.cloned.1.call-start
scs
__scs_entry_jumppad:
0x0: {  	(pc) =	sbr.rel $0x88, $3  }
0x1: {  	(tag) =	ssettag $0x0;
	lr =	simm.s32 $0x1  }
0x2: {  	[smem:$0x3F99] =	sst lr;
	_ =	strace $0xD0000000  }
0x3: {  	_ = 	snop  }
0x4: {  	_ = 	snop  }
0x5: {  	_ = 	snop  }
0x6: {  	_ = 	snop  }
0x7: {  	_ = 	snop  }
__scs_overlays_trampoline_lowered:
0x8: {  	[smem:$0x3FA8] =	sst s0  }
0x9: {  	[smem:$0x3FA9] =	sst s1  }
0xa: {  	[smem:$0x3FAA] =	sst s2  }
0xb: {  	[smem:$0x3FAB] =	sst s3  }
0xc: {  	[smem:$0x3FAC] =	sst s4  }
0xd: {  	[smem:$0x3FAD] =	sst s5  }
0xe: {  	[smem:$0x3FAE] =	sst s6  }
0xf: {  	[smem:$0x3FAF] =	sst s7  }
0x10: {  	[smem:$0x3FB0] =	sst s8  }
0x11: {  	[smem:$0x3FB1] =	sst s9;
	s0 =	simm.s32 @!p0 $0x0  }
0x12: {  	s1 =	sld [smem:$0x3F97];
	s0 =	simm.s32 @p0 $0x1  }
0x13: {  	[smem:$0x3FB2] =	sst s0;
	s0 =	simm.s32 @!p1 $0x0  }
0x14: {  	s2 =	sld [smem:$0x3F96];
	s0 =	simm.s32 @p1 $0x1  }
0x15: {  	[smem:$0x3FB3] =	sst s0;
	s0 =	simm.s32 @!p2 $0x0  }
0x16: {  	s3 =	sld [smem:$0x3FDB];
	s0 =	simm.s32 @p2 $0x1  }
0x17: {  	s4 =	simm.s32 $0x1BF5;
	[smem:$0x3FB5] =	sst s0  }
0x18: {  	s0 =	sld [smem:$0x3F98];
	_ =	swait.ge [sflag:s4], $0x0  }
0x19: {  	s7 =	sld [smem:$0x3F99]  }
0x1a: {  	s8 =	sadd.s32 $0xFFFFE003, lr  }
0x1b: {  	s9 =	sadd.s32 $0xFFFFFEF7, lr;
	s5 =	simm.s32 $0xFFFFFFFF;
	p2 =	slt.u32 s8, $0xFFFFF086  }
0x1c: {  	p1 =	slt.u32 s9, $0xF7A;
	s5 =	simm.s32 @!p2 $0x0  }
0x1d: {  	s5 =	simm.s32 @p1 $0x1;
	p0 =	seq.s32 s7, s2  }
0x1e: {  	s7 =	smul.u32 @!p0 $0xF7A, s2;
	p2 =	seq.s32 @!p0 s5, $0x0  }
0x1f: {  	s9 =	smul.u32 $0xF7A, s1;
	s8 =	simm.s32 @!p0 $0x1BF5;
	p2 =	por !p2, p0  }
0x20: {  	[sflag:s8] =	ssyncset.s32 @!p0 $0xFFFFF086;
	s6 =	sadd.s32 @!p0 s3, s7;
	s7 =	simm.s32 @!p0 $0x108  }
0x21: {  	s3 =	sadd.s32 s3, s9;
	s6 =	sadd.s32 @!p0 $0x88, s6;
	s7 =	simm.s32 @p2 $0x1082  }
0x22: {  	[simem:s7], [sflag:s8] =	dma.local @!p0 [hbm:s6], $0xF7A  }
0x23: {  	s9 =	sor.u32 $0xD0000000, s2;
	s6 =	simm.s32 $0x108;
	_ =	swait.ge @!p0 [sflag:s8], $0x0  }
0x24: {  	s3 =	sadd.s32 $0x88, s3;
	s6 =	simm.s32 @!p1 $0x1082;
	[sflag:s4] =	ssyncset.s32 $0xFFFFF086  }
0x25: {  	[simem:s6], [sflag:s4] =	dma.local [hbm:s3], $0xF7A  }
0x26: {  	[smem:$0x3F99] =	sst s1;
	(tag) =	ssettag s2;
	_ =	strace s9  }
0x27: {  	s1 =	sld [smem:$0x3FA9]  }
0x28: {  	s2 =	sld [smem:$0x3FAA]  }
0x29: {  	s4 =	sld [smem:$0x3FAC]  }
0x2a: {  	p0 =	seq.s32 s5, $0x0;
	s5 =	sld [smem:$0x3FAD]  }
0x2b: {  	s6 =	sld [smem:$0x3FAE]  }
0x2c: {  	s7 =	sld [smem:$0x3FAF]  }
0x2d: {  	s3 =	simm.s32 $0x108;
	s8 =	sld [smem:$0x3FB0]  }
0x2e: {  	s3 =	simm.s32 @!p0 $0x1082;
	s9 =	sld [smem:$0x3FB1]  }
0x2f: {  	lr =	sadd.s32 s0, s3;
	s0 =	sld [smem:$0x3FA8]  }
0x30: {  	s3 =	sld [smem:$0x3FAB]  }
0x31: {  	[smem:$0x3FB4] =	sst s10  }
0x32: {  	s10 =	sld [smem:$0x3FB2];
	_ =	sdelay $0x3  }
0x33: {  	p0 =	seq.s32 s10, $0x1;
	s10 =	sld [smem:$0x3FB4];
	_ =	sdelay $0x3  }
0x34: {  	[smem:$0x3FB4] =	sst s10  }
0x35: {  	s10 =	sld [smem:$0x3FB3];
	_ =	sdelay $0x3  }
0x36: {  	p1 =	seq.s32 s10, $0x1;
	s10 =	sld [smem:$0x3FB4];
	_ =	sdelay $0x3  }
0x37: {  	[smem:$0x3FB4] =	sst s10  }
0x38: {  	s10 =	sld [smem:$0x3FB5]  }
0x39: {  	_ = 	snop;
	(pc) =	sbr.ind lr, $3  }
0x3a: {  	_ = 	snop  }
0x3b: {  	_ = 	snop  }
0x3c: {  	p2 =	seq.s32 s10, $0x1;
	s10 =	sld [smem:$0x3FB4]  }
0x3d: {  	_ =	shalt  }
0x3e: {  	_ =	shalt  }
0x3f: {  	_ =	shalt  }
0x40: {  	_ =	shalt  }
0x41: {  	_ =	shalt  }
0x42: {  	_ =	shalt  }
0x43: {  	_ =	shalt  }
0x44: {  	_ =	shalt  }
0x45: {  	_ =	shalt  }
0x46: {  	_ =	shalt  }
0x47: {  	_ =	shalt  }
0x48: {  	_ =	shalt  }
0x49: {  	_ =	shalt  }
0x4a: {  	_ =	shalt  }
0x4b: {  	_ =	shalt  }
0x4c: {  	_ =	shalt  }
0x4d: {  	_ =	shalt  }
0x4e: {  	_ =	shalt  }
0x4f: {  	_ =	shalt  }
0x50: {  	_ =	shalt  }
0x51: {  	_ =	shalt  }
0x52: {  	_ =	shalt  }
0x53: {  	_ =	shalt  }
0x54: {  	_ =	shalt  }
0x55: {  	_ =	shalt  }
0x56: {  	_ =	shalt  }
0x57: {  	_ =	shalt  }
0x58: {  	_ =	shalt  }
0x59: {  	_ =	shalt  }
0x5a: {  	_ =	shalt  }
0x5b: {  	_ =	shalt  }
0x5c: {  	_ =	shalt  }
0x5d: {  	_ =	shalt  }
0x5e: {  	_ =	shalt  }
0x5f: {  	_ =	shalt  }
0x60: {  	_ =	shalt  }
0x61: {  	_ =	shalt  }
0x62: {  	_ =	shalt  }
0x63: {  	_ =	shalt  }
0x64: {  	_ =	shalt  }
0x65: {  	_ =	shalt  }
0x66: {  	_ =	shalt  }
0x67: {  	_ =	shalt  }
0x68: {  	_ =	shalt  }
0x69: {  	_ =	shalt  }
0x6a: {  	_ =	shalt  }
0x6b: {  	_ =	shalt  }
0x6c: {  	_ =	shalt  }
0x6d: {  	_ =	shalt  }
0x6e: {  	_ =	shalt  }
0x6f: {  	_ =	shalt  }
0x70: {  	_ =	shalt  }
0x71: {  	_ =	shalt  }
0x72: {  	_ =	shalt  }
0x73: {  	_ =	shalt  }
0x74: {  	_ =	shalt  }
0x75: {  	_ =	shalt  }
0x76: {  	_ =	shalt  }
0x77: {  	_ =	shalt  }
0x78: {  	_ =	shalt  }
0x79: {  	_ =	shalt  }
0x7a: {  	_ =	shalt  }
0x7b: {  	_ =	shalt  }
0x7c: {  	_ =	shalt  }
0x7d: {  	_ =	shalt  }
0x7e: {  	_ =	shalt  }
0x7f: {  	_ =	shalt  }
0x80: {  	_ =	shalt  }
0x81: {  	_ =	shalt  }
0x82: {  	_ =	shalt  }
0x83: {  	_ =	shalt  }
0x84: {  	_ =	shalt  }
0x85: {  	_ =	shalt  }
0x86: {  	_ =	shalt  }
0x87: {  	_ =	shalt  }
.Lfunc_end0:
.L_simem_size_0:
called_computation.1_lowered:
.L_overlay_start_0:
0x88: {  	s2 =	sld [smem:$0x3FD9]  }
0x89: {  	s3 =	sld [smem:$0x3FFE];
	_ =	sdelay $0x1  }
0x8a: {  	s1 =	srdreg.scid  }
0x8b: {  	s0 =	sand.u32 $0x1, s1  }
0x8c: {  	s17 =	sshll.u32 s0, $0xA;
	s2 =	sadd.s32 s3, s2  }
0x8d: {  	s2 =	sadd.s32 s2, s17  }
0x8e: {  	[smem:$0x3FC0] =	sst s2  }
0x8f: {  	_ = 	snop  }
0x90: {  	s2 =	sld [smem:$0x3FD0];
	(tm) =	ssettm $0x1  }
0x91: {  	s18 =	sld [smem:$0x3FFB];
	_ =	sdelay $0x3  }
0x92: {  	_ =	strace s18  }
0x93: {  	s3 =	sld [smem:$0x3FFC];
	_ =	sdelay $0x3  }
0x94: {  	_ =	strace s3  }
0x95: {  	s3 =	sld [smem:$0x3FFD];
	_ =	sdelay $0x3  }
0x96: {  	_ =	strace s3  }
0x97: {  	_ =	strace $0x8FFFFFFF  }
0x98: {  	s19 =	sld [smem:$0x3FDB];
	_ =	sdelay $0x1  }
0x99: {  	s4 =	simm.s32 $_scs_section_size  }
0x9a: {  	s5 =	simm.s32 $_size__tile_overlayer_lowered;
	s6 =	simm.s32 $_tile_overlayer_lowered  }
0x9b: {  	s22 =	simm.s32 $0x1BFF;
	s21 =	sshll.u32 s6, $0x1;
	s3 =	sadd.s32 s4, s19  }
0x9c: {  	s7 =	simm.s32 $0x0;
	s20 =	sshll.u32 s5, $0x1;
	s5 =	sadd.s32 s21, s3  }
0x9d: {  	[timem:s7], [sflag:s22] =	dma.local [hbm:s5], s20  }
0x9e: {  	_ =	swait.ge [sflag:s22], s20  }
0x9f: {  	s4 =	ssub.s32 $0x0, s20;
	[sflag:s22] =	ssyncset.done $0x0  }
0xa0: {  	[sflag:s22] =	ssyncadd.s32 s4;
	_ =	sdelay $0x1  }
0xa1: {  	s23 =	simm.s32 $0x1B8B  }
0xa2: {  	_ =	swait.ge [sflag:s23], $0x1  }
0xa3: {  	[sflag:s23] =	ssyncset.done $0x0  }
0xa4: {  	s25 =	simm.s32 $0x1B8E;
	s24 =	sld [smem:$0x3FFE];
	[sflag:s23] =	ssyncadd.s32 $0xFFFFFFFF  }
0xa5: {  	s26 =	simm.s32 $execute0_lowered;
	[smem:$0x3FD2] =	sst s25  }
0xa6: {  	s5 =	sshll.u32 s26, $0x1;
	_ =	strace $0x80000046;
	[dreg:$0x1] =	wrdreg $0xFFFFFFFF  }
0xa7: {  	s28 =	simm.s32 $_size_execute0_lowered;
	s3 =	sadd.s32 s3, s5;
	[dreg:$0x0] =	wrdreg $0x0  }
0xa8: {  	s5 =	sshll.u32 s28, $0x1;
	[dreg:$0x2] =	wrdreg s3  }
0xa9: {  	[dreg:$0x3] =	wrdreg s5  }
0xaa: {  	[dreg:$0x4] =	wrdreg $0xC0  }
0xab: {  	_ =	task [dreg:s7], $0x5FFFF  }
0xac: {  	[dreg:$0x1] =	wrdreg $0xFFFFFFFF  }
0xad: {  	[dreg:$0x0] =	wrdreg $0x60  }
0xae: {  	[dreg:$0x2] =	wrdreg s24  }
0xaf: {  	[dreg:$0x3] =	wrdreg s2  }
0xb0: {  	[dreg:$0x4] =	wrdreg $0x9  }
0xb1: {  	_ =	task.clear_ibuf [dreg:s7], $0x5FFFF;
	_ =	strace $0x90000046  }
0xb2: {  	s29 =	simm.s32 $0x9;
	_ =	strace $0x80000048  }
0xb3: {  	_ =	swait.ge [sflag:s29], $0x1  }
0xb4: {  	[sflag:s29] =	ssyncadd.s32 $0xFFFFFFFF  }
0xb5: {  	_ =	strace $0x90000048  }
0xb6: {  	_ =	sfence  }
0xb7: {  	s30 =	sld [smem:$0x0];
	_ =	sdelay $0x2  }
0xb8: {  	s31 =	sshll.u32 s1, $0xD;
	s1 =	sshrl.u32 s1, $0x2  }
0xb9: {  	s3 =	sand.u32 $0x4000, s31;
	s1 =	sadd.s32 s1, s30  }
0xba: {  	s0 =	sor.u32 s3, s0;
	s1 =	sshll.u32 s1, $0x11  }
0xbb: {  	s0 =	sor.u32 s1, s0  }
0xbc: {  	s0 =	sadd.s32 $0x8F2B, s0  }
0xbd: {  	[sflag:s0] =	ssyncadd.remote.s32 $0x1  }
0xbe: {  	_ =	sfence.sel $0xFFFF  }
0xbf: {  	[dreg:$0x0] =	wrdreg $0xFFFFFFFF;
	(pc) =	sbr.abs _section_cstart, $3  }
0xc0: {  	[dreg:$0x1] =	wrdreg $0xFFFFFFFF  }
0xc1: {  	_ =	task.clear_ibuf [dreg:s7], $0x2FFFF;
	_ =	strace $0x9FFFFFFF  }
0xc2: {  	(tm) =	ssettm $0x7FFFFFFF  }
0xc3: {  	_ =	shalt  }
tec
execute0_lowered:
.L_overlay_start_1:
0x0: {  	(tag) =	ssettag $0x1  }
0x1: {  	s0 =	rddreg [dreg:$0x0];
	s2 =	simm.s32 $0x0;
	s1 =	srdreg.scid  }
0x2: {  	s10 =	stileid.u32;
	s16 =	simm.s32 $0x1900;
	s17 =	simm.s32 $0x2  }
0x3: {  	s18 =	simm.s32 $0x99B0;
	s19 =	simm.s32 $0xBA68;
	[smem:$0x7FF] =	sst s2  }
0x4: {  	v0 =	vimm.f32 $1.800000000e+02;
	s20 =	simm.s32 $0xC280;
	s24 =	simm.s32 $0x200;
	_ =	strace $0x80000047  }
0x5: {  	s29 =	simm.s32 $0x400;
	s22 =	simm.s32 $0x104A8;
	s23 =	simm.s32 $0x1600;
	(erf) = vrcp.f32 v0;
	v0 =	vimm.f32 $3.600000000e+02  }
0x6: {  	s3 =	sadd.s32 $0x18DA00, s0;
	s4 =	sadd.s32 $0x1400, s0;
	s5 =	sadd.s32 $0x3E800, s0;
	(erf) = vrcp.f32 v0  }
0x7: {  	s21 =	simm.s32 $0x80;
	s6 =	sadd.s32 $0x13C400, s0;
	s8 =	sadd.s32 $0x18BE00, s0  }
0x8: {  	s7 =	sadd.s32 $0x17BE00, s0;
	s25 =	sadd.s32 $0x18D000, s0;
	[dreg:$0x3] =	wrdreg s8  }
0x9: {  	s1 =	sand.u32 $0x1, s1;
	s26 =	sadd.s32 $0x18D600, s0;
	[dreg:$0x4] =	wrdreg s25  }
0xa: {  	s9 =	sadd.s32 $0x18D800, s0;
	s10 =	sshll.u32 s10, $0x1;
	[dreg:$0x5] =	wrdreg s26  }
0xb: {  	s13 =	sadd.s32 $0x1ACA00, s0;
	s28 =	ssub.s32 $0x2, s1;
	[dreg:$0x6] =	wrdreg s9  }
0xc: {  	s1 =	sor.u32 s1, s10;
	s8 =	simm.s32 $0x1;
	s30 =	sshrl.u32 s28, $0x1  }
0xd: {  	s9 =	simm.s32 $0xC4A8;
	s10 =	simm.s32 $0x144A8;
	s31 =	ssub.s32 s28, s30  }
0xe: {  	v1 =	vlaneseq.u32;
	s25 =	simm.s32 $0x150A8;
	s26 =	simm.s32 $0x184A8;
	s0 =	smax.u32 s31, $0x1;
	v0 =	vpop (erf)  }
0xf: {  	v3 =	vmul.u32 $0x10, v1;
	s14 =	smul.u32 $0x7C00, s1;
	s1 =	simm.s32 $0x0;
	[dreg:$0x7] =	wrdreg s0;
	v2 =	vpop (erf)  }
.LBB2_1:
0x10: {  	[dreg:$0x8] =	wrdreg s1  }
0x11: {  	s0 =	rddreg [dreg:$0x3]  }
0x12: {  	[tilespmem:s16], [sflag:$0x2] =	stream.linear.gather [hbm4b:s0+s2], $0x80B0, $0x38;
	[tilespmem:$0x18CA8] =	vst v63  }
0x13: {  	_ =	swait.ge [sflag:s17], $0x80B0  }
0x14: {  	[sflag:s17] =	ssyncset.done $0x0  }
0x15: {  	s15 =	rddreg [dreg:$0x4];
	[sflag:s17] =	ssyncadd.s32 $0xFFFF7F50  }
0x16: {  	[tilespmem:s18], [sflag:$0x2] =	stream.linear.gather [hbm4b:s15+s2], $0x20B8, $0x38;
	[tilespmem:$0x18CA8] =	vst v63  }
0x17: {  	_ =	swait.ge [sflag:s17], $0x20B8  }
0x18: {  	[sflag:s17] =	ssyncset.done $0x0  }
0x19: {  	s30 =	rddreg [dreg:$0x5];
	[sflag:s17] =	ssyncadd.s32 $0xFFFFDF48  }
0x1a: {  	[tilespmem:s19], [sflag:$0x2] =	stream.linear.gather [hbm4b:s30+s2], $0x818, $0x38;
	[tilespmem:$0x18CA8] =	vst v63  }
0x1b: {  	_ =	swait.ge [sflag:s17], $0x818  }
0x1c: {  	[sflag:s17] =	ssyncset.done $0x0  }
0x1d: {  	s31 =	rddreg [dreg:$0x6];
	[sflag:s17] =	ssyncadd.s32 $0xFFFFF7E8  }
0x1e: {  	[tilespmem:s20], [sflag:$0x2] =	stream.linear.gather [hbm4b:s31+s2], $0x228, $0x38;
	[tilespmem:$0x18CA8] =	vst v63  }
0x1f: {  	_ =	swait.ge [sflag:s17], $0x228  }
0x20: {  	[sflag:s17] =	ssyncset.done $0x0  }
0x21: {  	s28 =	simm.s32 $0x0;
	[sflag:s17] =	ssyncadd.s32 $0xFFFFFDD8  }
.LBB2_2:
0x22: {  	s0 =	sshll.u32 s28, $0x7  }
0x23: {  	s30 =	sadd.s32 s14, s0  }
0x24: {  	s12 =	sshrl.u32 s30, $0x3  }
0x25: {  	s31 =	simm.s32 $0x1800;
	s0 =	simm.s32 $0x0;
	s11 =	sadd.s32 s3, s12  }
0x26: {  	[tilespmem:s31], [sflag:$0x1] =	stream.linear.gather [hbm4b:s11+s0], $0x80, $0x38;
	[tilespmem:$0x18CA8] =	vst v63  }
0x27: {  	s1 =	rddreg [dreg:$0x1];
	s15 =	sadd.s32 s4, s12;
	s11 =	simm.s32 $0x1880  }
0x28: {  	[tilespmem:s11], [sflag:$0x1] =	stream.linear.gather [hbm4b:s15+s0], $0x80, $0x38;
	[tilespmem:$0x18CA8] =	vst v63  }
0x29: {  	s12 =	sadd.s32 s1, s12  }
0x2a: {  	[tilespmem:s0], [sflag:$0x1] =	stream.linear.gather [hbm4b:s12+s0], $0x80, $0x38;
	[tilespmem:$0x18CA8] =	vst v63  }
0x2b: {  	s15 =	sadd.s32 $0x1F000, s12  }
0x2c: {  	[tilespmem:s21], [sflag:$0x1] =	stream.linear.gather [hbm4b:s15+s0], $0x80, $0x38;
	[tilespmem:$0x18CA8] =	vst v63  }
0x2d: {  	s1 =	simm.s32 $0x100;
	s15 =	sadd.s32 $0x3E000, s12  }
0x2e: {  	[tilespmem:s1], [sflag:$0x1] =	stream.linear.gather [hbm4b:s15+s0], $0x80, $0x38;
	[tilespmem:$0x18CA8] =	vst v63  }
0x2f: {  	s15 =	sadd.s32 $0x5D000, s12;
	s1 =	simm.s32 $0x180  }
0x30: {  	[tilespmem:s1], [sflag:$0x1] =	stream.linear.gather [hbm4b:s15+s0], $0x80, $0x38;
	[tilespmem:$0x18CA8] =	vst v63  }
0x31: {  	s1 =	sadd.s32 $0x7C000, s12  }
0x32: {  	[tilespmem:s24], [sflag:$0x1] =	stream.linear.gather [hbm4b:s1+s0], $0x80, $0x38;
	[tilespmem:$0x18CA8] =	vst v63  }
0x33: {  	s15 =	sadd.s32 $0x9B000, s12;
	s1 =	simm.s32 $0x280  }
0x34: {  	[tilespmem:s1], [sflag:$0x1] =	stream.linear.gather [hbm4b:s15+s0], $0x80, $0x38;
	[tilespmem:$0x18CA8] =	vst v63  }
0x35: {  	s15 =	sadd.s32 $0xBA000, s12;
	s1 =	simm.s32 $0x300  }
0x36: {  	[tilespmem:s1], [sflag:$0x1] =	stream.linear.gather [hbm4b:s15+s0], $0x80, $0x38;
	[tilespmem:$0x18CA8] =	vst v63  }
0x37: {  	s15 =	sadd.s32 $0xD9000, s12;
	s1 =	simm.s32 $0x380  }
0x38: {  	[tilespmem:s1], [sflag:$0x1] =	stream.linear.gather [hbm4b:s15+s0], $0x80, $0x38;
	[tilespmem:$0x18CA8] =	vst v63  }
0x39: {  	s1 =	sadd.s32 $0xF8000, s12  }
0x3a: {  	[tilespmem:s29], [sflag:$0x1] =	stream.linear.gather [hbm4b:s1+s0], $0x80, $0x38;
	[tilespmem:$0x18CA8] =	vst v63  }
0x3b: {  	s15 =	sadd.s32 $0x117000, s12;
	s1 =	simm.s32 $0x480  }
0x3c: {  	[tilespmem:s1], [sflag:$0x1] =	stream.linear.gather [hbm4b:s15+s0], $0x80, $0x38;
	[tilespmem:$0x18CA8] =	vst v63  }
0x3d: {  	s15 =	sadd.s32 $0x136000, s12;
	s1 =	simm.s32 $0x500  }
0x3e: {  	[tilespmem:s1], [sflag:$0x1] =	stream.linear.gather [hbm4b:s15+s0], $0x80, $0x38;
	[tilespmem:$0x18CA8] =	vst v63  }
0x3f: {  	s12 =	sadd.s32 $0x155000, s12;
	s15 =	simm.s32 $0x580  }
0x40: {  	[tilespmem:s15], [sflag:$0x1] =	stream.linear.gather [hbm4b:s12+s0], $0x80, $0x38;
	[tilespmem:$0x18CA8] =	vst v63  }
0x41: {  	_ =	swait.ge [sflag:s8], $0x80  }
0x42: {  	[sflag:s8] =	ssyncset.done $0x0  }
0x43: {  	[sflag:s8] =	ssyncadd.s32 $0xFFFFFF80  }
0x44: {  	_ =	swait.ge [sflag:s8], $0x80  }
0x45: {  	[sflag:s8] =	ssyncset.done $0x0  }
0x46: {  	[sflag:s8] =	ssyncadd.s32 $0xFFFFFF80  }
0x47: {  	_ =	swait.ge [sflag:s8], $0x80  }
0x48: {  	[sflag:s8] =	ssyncset.done $0x0  }
0x49: {  	[sflag:s8] =	ssyncadd.s32 $0xFFFFFF80  }
0x4a: {  	_ =	swait.ge [sflag:s8], $0x80  }
0x4b: {  	[sflag:s8] =	ssyncset.done $0x0  }
0x4c: {  	[sflag:s8] =	ssyncadd.s32 $0xFFFFFF80  }
0x4d: {  	_ =	swait.ge [sflag:s8], $0x80  }
0x4e: {  	[sflag:s8] =	ssyncset.done $0x0  }
0x4f: {  	[sflag:s8] =	ssyncadd.s32 $0xFFFFFF80  }
0x50: {  	_ =	swait.ge [sflag:s8], $0x80  }
0x51: {  	[sflag:s8] =	ssyncset.done $0x0  }
0x52: {  	[sflag:s8] =	ssyncadd.s32 $0xFFFFFF80  }
0x53: {  	_ =	swait.ge [sflag:s8], $0x80  }
0x54: {  	[sflag:s8] =	ssyncset.done $0x0  }
0x55: {  	[sflag:s8] =	ssyncadd.s32 $0xFFFFFF80  }
0x56: {  	_ =	swait.ge [sflag:s8], $0x80  }
0x57: {  	[sflag:s8] =	ssyncset.done $0x0  }
0x58: {  	[sflag:s8] =	ssyncadd.s32 $0xFFFFFF80  }
0x59: {  	_ =	swait.ge [sflag:s8], $0x80  }
0x5a: {  	[sflag:s8] =	ssyncset.done $0x0  }
0x5b: {  	[sflag:s8] =	ssyncadd.s32 $0xFFFFFF80  }
0x5c: {  	_ =	swait.ge [sflag:s8], $0x80  }
0x5d: {  	[sflag:s8] =	ssyncset.done $0x0  }
0x5e: {  	[sflag:s8] =	ssyncadd.s32 $0xFFFFFF80  }
0x5f: {  	_ =	swait.ge [sflag:s8], $0x80  }
0x60: {  	[sflag:s8] =	ssyncset.done $0x0  }
0x61: {  	[sflag:s8] =	ssyncadd.s32 $0xFFFFFF80  }
0x62: {  	_ =	swait.ge [sflag:s8], $0x80  }
0x63: {  	[sflag:s8] =	ssyncset.done $0x0  }
0x64: {  	[sflag:s8] =	ssyncadd.s32 $0xFFFFFF80  }
0x65: {  	_ =	swait.ge [sflag:s8], $0x80  }
0x66: {  	[sflag:s8] =	ssyncset.done $0x0  }
0x67: {  	[sflag:s8] =	ssyncadd.s32 $0xFFFFFF80  }
0x68: {  	_ =	swait.ge [sflag:s8], $0x80  }
0x69: {  	[sflag:s8] =	ssyncset.done $0x0  }
0x6a: {  	[sflag:s8] =	ssyncadd.s32 $0xFFFFFF80  }
0x6b: {  	[tilespmem:s9], [sflag:$0x1] =	stream.indirect.gather [hbm4b:s5+s21], $0x2, s0, s21, $0xb8;
	[tilespmem:$0x18CA8] =	vst v63  }
0x6c: {  	s12 =	simm.s32 $0xC8A8  }
0x6d: {  	[tilespmem:s12], [sflag:$0x1] =	stream.indirect.gather [hbm4b:s5+s21], $0x2, s24, s21, $0xb8;
	[tilespmem:$0x18CA8] =	vst v63  }
0x6e: {  	s15 =	simm.s32 $0xCCA8  }
0x6f: {  	[tilespmem:s15], [sflag:$0x1] =	stream.indirect.gather [hbm4b:s5+s21], $0x2, s29, s21, $0xb8;
	[tilespmem:$0x18CA8] =	vst v63  }
0x70: {  	s12 =	simm.s32 $0x600;
	s15 =	simm.s32 $0xD0A8  }
0x71: {  	[tilespmem:s15], [sflag:$0x1] =	stream.indirect.gather [hbm4b:s5+s21], $0x2, s12, s21, $0xb8;
	[tilespmem:$0x18CA8] =	vst v63  }
0x72: {  	s15 =	simm.s32 $0x800  }
0x73: {  	[tilespmem:s22], [sflag:$0x1] =	stream.indirect.gather [hbm4b:s6+s21], $0x2, s15, s21, $0xb8;
	[tilespmem:$0x18CA8] =	vst v63  }
0x74: {  	s12 =	simm.s32 $0xA00;
	s15 =	simm.s32 $0x108A8  }
0x75: {  	[tilespmem:s15], [sflag:$0x1] =	stream.indirect.gather [hbm4b:s6+s21], $0x2, s12, s21, $0xb8;
	[tilespmem:$0x18CA8] =	vst v63  }
0x76: {  	s12 =	simm.s32 $0xC00;
	s15 =	simm.s32 $0x10CA8  }
0x77: {  	[tilespmem:s15], [sflag:$0x1] =	stream.indirect.gather [hbm4b:s6+s21], $0x2, s12, s21, $0xb8;
	[tilespmem:$0x18CA8] =	vst v63  }
0x78: {  	s12 =	simm.s32 $0xE00;
	s15 =	simm.s32 $0x110A8  }
0x79: {  	[tilespmem:s15], [sflag:$0x1] =	stream.indirect.gather [hbm4b:s6+s21], $0x2, s12, s21, $0xb8;
	[tilespmem:$0x18CA8] =	vst v63  }
0x7a: {  	s15 =	simm.s32 $0x1000  }
0x7b: {  	[tilespmem:s10], [sflag:$0x1] =	stream.indirect.gather [hbm4b:s7+s21], $0x2, s15, s21, $0xb8;
	[tilespmem:$0x18CA8] =	vst v63  }
0x7c: {  	s12 =	simm.s32 $0x1200;
	s15 =	simm.s32 $0x148A8  }
0x7d: {  	[tilespmem:s15], [sflag:$0x1] =	stream.indirect.gather [hbm4b:s7+s21], $0x2, s12, s21, $0xb8;
	[tilespmem:$0x18CA8] =	vst v63  }
0x7e: {  	s12 =	simm.s32 $0x1400;
	s15 =	simm.s32 $0x14CA8  }
0x7f: {  	[tilespmem:s15], [sflag:$0x1] =	stream.indirect.gather [hbm4b:s7+s21], $0x2, s12, s21, $0xb8;
	[tilespmem:$0x18CA8] =	vst v63  }
0x80: {  	_ = 	snop  }
0x81: {  	[tilespmem:s25], [sflag:$0x1] =	stream.indirect.gather [hbm4b:s7+s21], $0x2, s23, s21, $0xb8;
	[tilespmem:$0x18CA8] =	vst v63  }
.LBB2_3:
0x82: {  	v4 =	vld [tilespmem:s31+$0x0];
	_ =	sdelay $0x1  }
0x83: {  	v5 =	vld [tilespmem:s11+$0x0];
	_ =	sdelay $0x2  }
0x84: {  	v4 =	vadd.f32 $9.000000000e+01, v4;
	_ =	sdelay $0x1  }
0x85: {  	v6 =	vmul.f32 v4, v0;
	v4 =	vmul.f32 v5, v2;
	_ =	sdelay $0x1  }
0x86: {  	v5 =	vadd.f32 v4, v4;
	v4 =	vmul.f32 $9.000000000e+01, v6;
	_ =	sdelay $0x1  }
0x87: {  	v7 =	vmul.f32 $9.000000000e+01, v5;
	v8 =	vtrunc.f32 v4  }
0x88: {  	v8 =	vcvt.f32.s32 v8  }
0x89: {  	v9 =	vtrunc.f32 v7  }
0x8a: {  	v9 =	vcvt.f32.s32 v9;
	vm0 =	vlt.s32 v8, $0x5A  }
0x8b: {  	v10 =	vadd.s32 $0x1, v8;
	vm15 =	veq.s32 v8, $0x0;
	vm2 =	vgt.s32 v8, $0x59  }
0x8c: {  	v11 =	vnsel vm0, $0x5A, v8;
	vm11 =	vlt.s32 v10, $0x5A;
	vm4 =	vmor vm15, vm2  }
0x8d: {  	vm5 =	veq.s32 v10, $0x0;
	vm6 =	vgt.s32 v10, $0x59;
	vm12 =	vlt.s32 v9, $0xB4  }
0x8e: {  	v13 =	vadd.s32 $0x1, v9;
	vm1 =	vgt.s32 v9, $0xB3;
	v15 =	vcvt.s32.f32 v11  }
0x8f: {  	v11 =	vmul.u32 $0xB5, v11;
	v14 =	vnsel vm12, $0xB4, v9;
	vm13 =	vlt.s32 v13, $0xB4  }
0x90: {  	vm14 =	vgt.s32 v13, $0xB3;
	v38 =	vnsel vm13, $0xB4, v13;
	v16 =	vsel vm1, $0x0, v14  }
0x91: {  	v12 =	vnsel vm11, $0x5A, v10;
	v39 =	vsel vm14, $0x0, v38;
	v40 =	vsel vm4, $0x0, v16  }
0x92: {  	v17 =	vmul.u32 $0xB5, v12;
	v41 =	vsel vm4, $0x0, v39;
	v10 =	vadd.s32 v11, v40  }
0x93: {  	vm1 =	vmor vm5, vm6;
	v11 =	vadd.s32 v11, v41;
	v10 =	vshll.u32 v10, $0x1  }
0x94: {  	v42 =	vsub.f32 v4, v15;
	v43 =	vsel vm1, $0x0, v16;
	v11 =	vshll.u32 v11, $0x1  }
0x95: {  	v14 =	vcvt.s32.f32 v14;
	v9 =	vcvt.s32.f32 v38;
	v15 =	vadd.s32 v17, v43  }
0x96: {  	v12 =	vcvt.s32.f32 v12;
	v8 =	vsel vm1, $0x0, v39;
	v15 =	vshll.u32 v15, $0x1  }
0x97: {  	v14 =	vsub.f32 v7, v14;
	v7 =	vsub.f32 v7, v9;
	v8 =	vadd.s32 v17, v8  }
0x98: {  	v4 =	vsub.f32 v4, v12;
	v44 =	vand.u32 $0x7FFFFFFF, v42;
	v8 =	vshll.u32 v8, $0x1;
	v45 =	vld.idx.msk [tilespmem:v10+s16+$0x0], $0xffff  }
0x99: {  	v9 =	vsub.f32 $1.000000000e+00, v44;
	v46 =	vand.u32 $0x7FFFFFFF, v14;
	v7 =	vand.u32 $0x7FFFFFFF, v7;
	v47 =	vld.idx.msk [tilespmem:v11+s16+$0x0], $0xffff  }
0x9a: {  	v4 =	vand.u32 $0x7FFFFFFF, v4;
	v13 =	vsub.f32 $1.000000000e+00, v46;
	v7 =	vsub.f32 $1.000000000e+00, v7  }
0x9b: {  	v4 =	vsub.f32 $1.000000000e+00, v4;
	v48 =	vld.idx.msk [tilespmem:v15+s16+$0x0], $0xffff  }
0x9c: {  	v49 =	vmul.f32 v13, v9;
	v9 =	vmul.f32 v7, v9  }
0x9d: {  	v13 =	vmul.f32 v13, v4;
	v18 =	vld.idx.msk [tilespmem:v8+s16+$0x0], $0xffff  }
0x9e: {  	v19 =	vmov s0;
	v12 =	vmul.f32 v49, v45;
	v14 =	vmul.f32 v9, v47  }
0x9f: {  	v19 =	vshll.u32 v19, $0x4;
	v54 =	vmul.f32 $4.500000000e+01, v6;
	v7 =	vmul.f32 v7, v4  }
0xa0: {  	v4 =	vor.u32 v3, v19;
	v50 =	vmul.f32 v13, v48;
	v12 =	vadd.f32 v14, v12  }
0xa1: {  	v55 =	vmul.f32 $4.500000000e+01, v5;
	v56 =	vtrunc.f32 v54;
	v51 =	vor.u32 $0x6, v4  }
0xa2: {  	v10 =	vor.u32 $0x1, v10;
	v52 =	vmul.f32 v7, v18;
	v12 =	vadd.f32 v12, v50  }
0xa3: {  	v58 =	vcvt.f32.s32 v56;
	v59 =	vtrunc.f32 v55;
	v11 =	vor.u32 $0x1, v11  }
0xa4: {  	v60 =	vcvt.f32.s32 v59;
	v12 =	vadd.f32 v12, v52  }
0xa5: {  	vm7 =	vlt.s32 v58, $0x2D;
	v62 =	vadd.s32 $0x1, v58;
	v53 =	vor.u32 $0x1, v15  }
0xa6: {  	v61 =	vnsel vm7, $0x2D, v58;
	vm8 =	vlt.s32 v62, $0x2D;
	vm9 =	vlt.s32 v60, $0x5A;
	[tilespmem:v51+s26+$0x0] =	vst.idx.msk $0xffff, v12  }
0xa7: {  	v63 =	vadd.s32 $0x1, v60;
	vm11 =	vgt.s32 v60, $0x59;
	v8 =	vor.u32 $0x1, v8;
	v10 =	vld.idx.msk [tilespmem:v10+s16+$0x0], $0xffff  }
0xa8: {  	v22 =	vnsel vm8, $0x2D, v62;
	v26 =	vmul.u32 $0x5B, v61;
	v21 =	vnsel vm9, $0x5A, v60;
	v11 =	vld.idx.msk [tilespmem:v11+s16+$0x0], $0xffff  }
0xa9: {  	vm10 =	vlt.s32 v63, $0x5A;
	vm12 =	vgt.s32 v63, $0x59;
	v30 =	vmul.u32 $0x5B, v22  }
0xaa: {  	v31 =	vcvt.s32.f32 v22;
	v23 =	vnsel vm10, $0x5A, v63;
	v24 =	vsel vm11, $0x0, v21;
	v12 =	vld.idx.msk [tilespmem:v53+s16+$0x0], $0xffff  }
0xab: {  	vm13 =	veq.s32 v58, $0x0;
	vm5 =	vgt.s32 v62, $0x2C;
	vm14 =	vgt.s32 v58, $0x2C  }
0xac: {  	v25 =	vsel vm12, $0x0, v23;
	v16 =	vcvt.s32.f32 v21;
	vm15 =	vmor vm13, vm14;
	v8 =	vld.idx.msk [tilespmem:v8+s16+$0x0], $0xffff  }
0xad: {  	vm4 =	veq.s32 v62, $0x0;
	v10 =	vmul.f32 v49, v10;
	v9 =	vmul.f32 v9, v11  }
0xae: {  	vm1 =	vmor vm4, vm5;
	v28 =	vsel vm15, $0x0, v24;
	v29 =	vsel vm15, $0x0, v25  }
0xaf: {  	v15 =	vadd.s32 v26, v28;
	v57 =	vmul.f32 v13, v12;
	v9 =	vadd.f32 v9, v10  }
0xb0: {  	v17 =	vcvt.s32.f32 v23;
	v27 =	vor.u32 $0x7, v4;
	v15 =	vshll.u32 v15, $0x1  }
0xb1: {  	v7 =	vmul.f32 v7, v8;
	v12 =	vadd.s32 v26, v29;
	v9 =	vadd.f32 v9, v57  }
0xb2: {  	v33 =	vsub.f32 v55, v16;
	v18 =	vsel vm1, $0x0, v24;
	v12 =	vshll.u32 v12, $0x1  }
0xb3: {  	v18 =	vadd.s32 v30, v18;
	v8 =	vcvt.s32.f32 v61;
	v7 =	vadd.f32 v9, v7  }
0xb4: {  	v32 =	vshll.u32 v18, $0x1;
	v11 =	vsub.f32 v55, v17;
	v9 =	vsel vm1, $0x0, v25  }
0xb5: {  	v8 =	vsub.f32 v54, v8;
	v9 =	vadd.s32 v30, v9;
	[tilespmem:v27+s26+$0x0] =	vst.idx.msk $0xffff, v7  }
0xb6: {  	v13 =	vand.u32 $0x7FFFFFFF, v33;
	v7 =	vsub.f32 v54, v31;
	v9 =	vshll.u32 v9, $0x1;
	v34 =	vld.idx.msk [tilespmem:v15+s18+$0x0], $0xffff  }
0xb7: {  	v13 =	vsub.f32 $1.000000000e+00, v13;
	v11 =	vand.u32 $0x7FFFFFFF, v11;
	v8 =	vand.u32 $0x7FFFFFFF, v8;
	v35 =	vld.idx.msk [tilespmem:v12+s18+$0x0], $0xffff  }
0xb8: {  	v11 =	vsub.f32 $1.000000000e+00, v11;
	v8 =	vsub.f32 $1.000000000e+00, v8;
	v7 =	vand.u32 $0x7FFFFFFF, v7  }
0xb9: {  	v36 =	vld.idx.msk [tilespmem:v32+s18+$0x0], $0xffff;
	v7 =	vsub.f32 $1.000000000e+00, v7  }
0xba: {  	v37 =	vmul.f32 v13, v8;
	v8 =	vmul.f32 v11, v8  }
0xbb: {  	v13 =	vmul.f32 v13, v7;
	v38 =	vld.idx.msk [tilespmem:v9+s18+$0x0], $0xffff  }
0xbc: {  	v14 =	vmul.f32 v34, v37;
	v16 =	vmul.f32 v35, v8  }
0xbd: {  	v43 =	vmul.f32 $2.200000000e+01, v6  }
0xbe: {  	v7 =	vmul.f32 v11, v7;
	v40 =	vmul.f32 v36, v13;
	v39 =	vadd.f32 v16, v14  }
0xbf: {  	v44 =	vmul.f32 $2.200000000e+01, v5;
	v41 =	vor.u32 $0x8, v4;
	v45 =	vtrunc.f32 v43  }
0xc0: {  	v15 =	vor.u32 $0x1, v15;
	v11 =	vadd.f32 v40, v39;
	v42 =	vmul.f32 v38, v7  }
0xc1: {  	v46 =	vcvt.f32.s32 v45;
	v47 =	vtrunc.f32 v44;
	v12 =	vor.u32 $0x1, v12  }
0xc2: {  	v48 =	vcvt.f32.s32 v47;
	v11 =	vadd.f32 v42, v11  }
0xc3: {  	v58 =	vor.u32 $0x9, v4;
	vm6 =	vlt.s32 v46, $0x16;
	v10 =	vor.u32 $0x1, v32  }
0xc4: {  	vm12 =	veq.s32 v46, $0x0;
	vm13 =	vgt.s32 v46, $0x15;
	vm8 =	vlt.s32 v48, $0x2C;
	[tilespmem:v41+s26+$0x0] =	vst.idx.msk $0xffff, v11  }
0xc5: {  	vm10 =	vgt.s32 v48, $0x2B;
	v50 =	vadd.s32 $0x1, v46;
	v9 =	vor.u32 $0x1, v9;
	v11 =	vld.idx.msk [tilespmem:v15+s18+$0x0], $0xffff  }
0xc6: {  	vm14 =	vmor vm12, vm13;
	vm7 =	vlt.s32 v50, $0x16;
	vm15 =	veq.s32 v50, $0x0;
	v12 =	vld.idx.msk [tilespmem:v12+s18+$0x0], $0xffff  }
0xc7: {  	vm4 =	vgt.s32 v50, $0x15;
	v52 =	vnsel vm8, $0x2C, v48;
	v51 =	vadd.s32 $0x1, v48  }
0xc8: {  	vm9 =	vlt.s32 v51, $0x2C;
	v53 =	vnsel vm7, $0x16, v50;
	vm11 =	vgt.s32 v51, $0x2B;
	v10 =	vld.idx.msk [tilespmem:v10+s18+$0x0], $0xffff  }
0xc9: {  	v62 =	vcvt.s32.f32 v53;
	v49 =	vnsel vm6, $0x16, v46;
	v55 =	vsel vm10, $0x0, v52  }
0xca: {  	v61 =	vmul.u32 $0x2D, v53;
	v57 =	vmul.u32 $0x2D, v49;
	vm1 =	vmor vm15, vm4;
	v9 =	vld.idx.msk [tilespmem:v9+s18+$0x0], $0xffff  }
0xcb: {  	v54 =	vnsel vm9, $0x2C, v51;
	v11 =	vmul.f32 v11, v37;
	v8 =	vmul.f32 v12, v8  }
0xcc: {  	v59 =	vsel vm14, $0x0, v55;
	v18 =	vsel vm1, $0x0, v55;
	v56 =	vsel vm11, $0x0, v54  }
0xcd: {  	v15 =	vadd.s32 v57, v59;
	v10 =	vmul.f32 v10, v13;
	v8 =	vadd.f32 v8, v11  }
0xce: {  	v18 =	vadd.s32 v61, v18;
	v60 =	vsel vm14, $0x0, v56;
	v15 =	vshll.u32 v15, $0x1  }
0xcf: {  	v7 =	vmul.f32 v9, v7;
	v11 =	vadd.s32 v57, v60;
	v8 =	vadd.f32 v10, v8  }
0xd0: {  	v17 =	vcvt.s32.f32 v54;
	v16 =	vcvt.s32.f32 v52;
	v11 =	vshll.u32 v11, $0x1  }
0xd1: {  	v63 =	vshll.u32 v18, $0x1;
	v9 =	vcvt.s32.f32 v49;
	v7 =	vadd.f32 v7, v8  }
0xd2: {  	v20 =	vsub.f32 v44, v16;
	v12 =	vsub.f32 v44, v17;
	v8 =	vsel vm1, $0x0, v56  }
0xd3: {  	v9 =	vsub.f32 v43, v9;
	v8 =	vadd.s32 v61, v8;
	[tilespmem:v58+s26+$0x0] =	vst.idx.msk $0xffff, v7  }
0xd4: {  	v13 =	vand.u32 $0x7FFFFFFF, v20;
	v7 =	vsub.f32 v43, v62;
	v8 =	vshll.u32 v8, $0x1;
	v21 =	vld.idx.msk [tilespmem:v15+s19+$0x0], $0xffff  }
0xd5: {  	v13 =	vsub.f32 $1.000000000e+00, v13;
	v12 =	vand.u32 $0x7FFFFFFF, v12;
	v9 =	vand.u32 $0x7FFFFFFF, v9;
	v22 =	vld.idx.msk [tilespmem:v11+s19+$0x0], $0xffff  }
0xd6: {  	v12 =	vsub.f32 $1.000000000e+00, v12;
	v9 =	vsub.f32 $1.000000000e+00, v9;
	v7 =	vand.u32 $0x7FFFFFFF, v7  }
0xd7: {  	v23 =	vld.idx.msk [tilespmem:v63+s19+$0x0], $0xffff;
	v7 =	vsub.f32 $1.000000000e+00, v7  }
0xd8: {  	v24 =	vmul.f32 v13, v9;
	v9 =	vmul.f32 v12, v9  }
0xd9: {  	v13 =	vmul.f32 v13, v7;
	v25 =	vld.idx.msk [tilespmem:v8+s19+$0x0], $0xffff  }
0xda: {  	v14 =	vmul.f32 v21, v24;
	v16 =	vmul.f32 v22, v9;
	_ =	sdelay $0x1  }
0xdb: {  	v7 =	vmul.f32 v12, v7;
	v27 =	vmul.f32 v23, v13;
	v26 =	vadd.f32 v16, v14  }
0xdc: {  	v28 =	vor.u32 $0xA, v4  }
0xdd: {  	v15 =	vor.u32 $0x1, v15;
	v12 =	vadd.f32 v27, v26;
	v29 =	vmul.f32 v25, v7  }
0xde: {  	v11 =	vor.u32 $0x1, v11  }
0xdf: {  	v8 =	vor.u32 $0x1, v8;
	v12 =	vadd.f32 v29, v12  }
0xe0: {  	v10 =	vor.u32 $0x1, v63  }
0xe1: {  	[tilespmem:v28+s26+$0x0] =	vst.idx.msk $0xffff, v12  }
0xe2: {  	v12 =	vld.idx.msk [tilespmem:v15+s19+$0x0], $0xffff  }
0xe3: {  	v11 =	vld.idx.msk [tilespmem:v11+s19+$0x0], $0xffff  }
0xe4: {  	v8 =	vld.idx.msk [tilespmem:v8+s19+$0x0], $0xffff  }
0xe5: {  	v5 =	vmul.f32 $1.100000000e+01, v5;
	v10 =	vld.idx.msk [tilespmem:v10+s19+$0x0], $0xffff;
	_ =	sdelay $0x1  }
0xe6: {  	v6 =	vmul.f32 $1.100000000e+01, v6;
	v32 =	vtrunc.f32 v5  }
0xe7: {  	v12 =	vmul.f32 v12, v24;
	v9 =	vmul.f32 v11, v9  }
0xe8: {  	v7 =	vmul.f32 v8, v7;
	v8 =	vcvt.f32.s32 v32  }
0xe9: {  	v31 =	vtrunc.f32 v6;
	v34 =	vor.u32 $0xB, v4;
	v10 =	vmul.f32 v10, v13  }
0xea: {  	v9 =	vadd.f32 v9, v12;
	vm7 =	vlt.s32 v8, $0x16;
	v37 =	vadd.s32 $0x1, v8  }
0xeb: {  	vm9 =	vgt.s32 v8, $0x15;
	v38 =	vnsel vm7, $0x16, v8;
	vm8 =	vlt.s32 v37, $0x16  }
0xec: {  	vm10 =	vgt.s32 v37, $0x15;
	v30 =	vadd.f32 v10, v9;
	v9 =	vcvt.f32.s32 v31  }
0xed: {  	v39 =	vnsel vm8, $0x16, v37;
	v41 =	vsel vm9, $0x0, v38;
	v15 =	vcvt.s32.f32 v38  }
0xee: {  	v42 =	vsel vm10, $0x0, v39;
	v8 =	vcvt.s32.f32 v39;
	v7 =	vadd.f32 v7, v30  }
0xef: {  	vm5 =	vlt.s32 v9, $0xB;
	v33 =	vadd.s32 $0x1, v9;
	vm11 =	veq.s32 v9, $0x0  }
0xf0: {  	vm12 =	vgt.s32 v9, $0xA;
	v35 =	vnsel vm5, $0xB, v9;
	vm6 =	vlt.s32 v33, $0xB  }
0xf1: {  	vm13 =	vmor vm11, vm12;
	vm14 =	veq.s32 v33, $0x0;
	v12 =	vmul.u32 $0x17, v35  }
0xf2: {  	vm15 =	vgt.s32 v33, $0xA;
	v36 =	vnsel vm6, $0xB, v33;
	v43 =	vsel vm13, $0x0, v41  }
0xf3: {  	vm1 =	vmor vm14, vm15;
	v44 =	vsel vm13, $0x0, v42;
	v10 =	vadd.s32 v12, v43  }
0xf4: {  	v45 =	vmul.u32 $0x17, v36;
	v12 =	vadd.s32 v12, v44;
	v10 =	vshll.u32 v10, $0x1  }
0xf5: {  	v50 =	vsub.f32 v5, v15;
	v47 =	vsel vm1, $0x0, v41;
	v12 =	vshll.u32 v12, $0x1  }
0xf6: {  	v5 =	vsub.f32 v5, v8;
	v40 =	vcvt.s32.f32 v35;
	v16 =	vadd.s32 v45, v47  }
0xf7: {  	v48 =	vcvt.s32.f32 v36;
	v9 =	vsel vm1, $0x0, v42;
	v49 =	vshll.u32 v16, $0x1  }
0xf8: {  	[tilespmem:v34+s26+$0x0] =	vst.idx.msk $0xffff, v7;
	v46 =	vsub.f32 v6, v40;
	v51 =	vadd.s32 v45, v9  }
0xf9: {  	v13 =	vand.u32 $0x7FFFFFFF, v50;
	v6 =	vsub.f32 v6, v48;
	v8 =	vshll.u32 v51, $0x1;
	v53 =	vld.idx.msk [tilespmem:v10+s20+$0x0], $0xffff  }
0xfa: {  	v5 =	vand.u32 $0x7FFFFFFF, v5;
	v13 =	vsub.f32 $1.000000000e+00, v13;
	v52 =	vand.u32 $0x7FFFFFFF, v46;
	v54 =	vld.idx.msk [tilespmem:v12+s20+$0x0], $0xffff  }
0xfb: {  	v5 =	vsub.f32 $1.000000000e+00, v5;
	v9 =	vsub.f32 $1.000000000e+00, v52;
	v6 =	vand.u32 $0x7FFFFFFF, v6  }
0xfc: {  	v6 =	vsub.f32 $1.000000000e+00, v6;
	v55 =	vld.idx.msk [tilespmem:v49+s20+$0x0], $0xffff  }
0xfd: {  	v56 =	vmul.f32 v13, v9;
	v9 =	vmul.f32 v5, v9  }
0xfe: {  	v13 =	vmul.f32 v13, v6;
	v57 =	vld.idx.msk [tilespmem:v8+s20+$0x0], $0xffff  }
0xff: {  	v7 =	vmul.f32 v53, v56;
	v14 =	vmul.f32 v54, v9;
	_ =	sdelay $0x1  }
0x100: {  	v5 =	vmul.f32 v5, v6;
	v59 =	vmul.f32 v55, v13;
	v58 =	vadd.f32 v14, v7  }
0x101: {  	v60 =	vor.u32 $0xC, v4  }
0x102: {  	v10 =	vor.u32 $0x1, v10;
	v61 =	vmul.f32 v57, v5;
	v6 =	vadd.f32 v59, v58  }
0x103: {  	v12 =	vor.u32 $0x1, v12  }
0x104: {  	v6 =	vadd.f32 v61, v6  }
0x105: {  	v62 =	vor.u32 $0x1, v49  }
0x106: {  	[tilespmem:v60+s26+$0x0] =	vst.idx.msk $0xffff, v6  }
0x107: {  	v8 =	vor.u32 $0x1, v8;
	v6 =	vld.idx.msk [tilespmem:v10+s20+$0x0], $0xffff  }
0x108: {  	v63 =	vld.idx.msk [tilespmem:v12+s20+$0x0], $0xffff;
	_ =	sdelay $0x1  }
0x109: {  	v7 =	vld.idx.msk [tilespmem:v62+s20+$0x0], $0xffff;
	_ =	sdelay $0x1  }
0x10a: {  	v8 =	vld.idx.msk [tilespmem:v8+s20+$0x0], $0xffff  }
0x10b: {  	v6 =	vmul.f32 v6, v56;
	v9 =	vmul.f32 v63, v9;
	_ =	sdelay $0x1  }
0x10c: {  	v7 =	vmul.f32 v7, v13;
	v6 =	vadd.f32 v9, v6  }
0x10d: {  	p0 =	sne.s32 s0, $0x70;
	v4 =	vor.u32 $0xD, v4  }
.Ltmp0:
0x10e: {  	v5 =	vmul.f32 v8, v5;
	v6 =	vadd.f32 v7, v6;
	(pc) =	sbr.rel @p0 .LBB2_3-.Ltmp0, $3  }
0x10f: {  	_ = 	snop  }
0x110: {  	v5 =	vadd.f32 v5, v6;
	_ =	sdelay $0x1  }
0x111: {  	s31 =	sadd.s32 $0x10, s31;
	s11 =	sadd.s32 $0x10, s11;
	s0 =	sadd.s32 $0x10, s0;
	[tilespmem:v4+s26+$0x0] =	vst.idx.msk $0xffff, v5  }
0x112: {  	_ =	swait.ge [sflag:s8], $0x100  }
0x113: {  	[sflag:s8] =	ssyncset.done $0x0  }
0x114: {  	[sflag:s8] =	ssyncadd.s32 $0xFFFFFF00  }
0x115: {  	_ =	swait.ge [sflag:s8], $0x100  }
0x116: {  	[sflag:s8] =	ssyncset.done $0x0  }
0x117: {  	[sflag:s8] =	ssyncadd.s32 $0xFFFFFF00  }
0x118: {  	_ =	swait.ge [sflag:s8], $0x100  }
0x119: {  	[sflag:s8] =	ssyncset.done $0x0  }
0x11a: {  	[sflag:s8] =	ssyncadd.s32 $0xFFFFFF00  }
0x11b: {  	_ =	swait.ge [sflag:s8], $0x100  }
0x11c: {  	[sflag:s8] =	ssyncset.done $0x0  }
0x11d: {  	[sflag:s8] =	ssyncadd.s32 $0xFFFFFF00  }
0x11e: {  	_ =	swait.ge [sflag:s8], $0x100  }
0x11f: {  	[sflag:s8] =	ssyncset.done $0x0  }
0x120: {  	[sflag:s8] =	ssyncadd.s32 $0xFFFFFF00  }
0x121: {  	_ =	swait.ge [sflag:s8], $0x100  }
0x122: {  	[sflag:s8] =	ssyncset.done $0x0  }
0x123: {  	[sflag:s8] =	ssyncadd.s32 $0xFFFFFF00  }
0x124: {  	_ =	swait.ge [sflag:s8], $0x100  }
0x125: {  	[sflag:s8] =	ssyncset.done $0x0  }
0x126: {  	[sflag:s8] =	ssyncadd.s32 $0xFFFFFF00  }
0x127: {  	_ =	swait.ge [sflag:s8], $0x100  }
0x128: {  	[sflag:s8] =	ssyncset.done $0x0  }
0x129: {  	[sflag:s8] =	ssyncadd.s32 $0xFFFFFF00  }
0x12a: {  	_ =	swait.ge [sflag:s8], $0x100  }
0x12b: {  	[sflag:s8] =	ssyncset.done $0x0  }
0x12c: {  	[sflag:s8] =	ssyncadd.s32 $0xFFFFFF00  }
0x12d: {  	_ =	swait.ge [sflag:s8], $0x100  }
0x12e: {  	[sflag:s8] =	ssyncset.done $0x0  }
0x12f: {  	[sflag:s8] =	ssyncadd.s32 $0xFFFFFF00  }
0x130: {  	_ =	swait.ge [sflag:s8], $0x100  }
0x131: {  	[sflag:s8] =	ssyncset.done $0x0  }
0x132: {  	[sflag:s8] =	ssyncadd.s32 $0xFFFFFF00  }
0x133: {  	_ =	swait.ge [sflag:s8], $0x100  }
0x134: {  	[sflag:s8] =	ssyncset.done $0x0  }
0x135: {  	s31 =	simm.s32 $0x1880;
	[sflag:s8] =	ssyncadd.s32 $0xFFFFFF00  }
0x136: {  	s0 =	simm.s32 $0x1800;
	v4 =	vld [tilespmem:s31+$0x0]  }
0x137: {  	v5 =	vld [tilespmem:s0+$0x0];
	_ =	sdelay $0x3  }
0x138: {  	v4 =	vmul.f32 v4, v2  }
0x139: {  	v5 =	vadd.f32 $9.000000000e+01, v5  }
0x13a: {  	v12 =	vadd.f32 v4, v4  }
0x13b: {  	v16 =	vmul.f32 v5, v0  }
0x13c: {  	v10 =	vmul.f32 $7.200000000e+02, v12  }
0x13d: {  	s11 =	simm.s32 $0x0;
	v11 =	vmul.f32 $7.200000000e+02, v16  }
0x13e: {  	v6 =	vmul.u32 $0x8, v1;
	v13 =	vor.u32 s11, v1;
	v4 =	vtrunc.f32 v10  }
0x13f: {  	v5 =	vmov s11;
	v7 =	vtrunc.f32 v11;
	v9 =	vcvt.f32.s32 v4  }
0x140: {  	v14 =	vshll.u32 v5, $0x3;
	v4 =	vor.u32 $0x400, v6;
	v5 =	vcvt.f32.s32 v7  }
0x141: {  	v8 =	vshll.u32 v13, $0x3;
	v7 =	vor.u32 v4, v14;
	vm0 =	vlt.s32 v9, $0x5A0  }
0x142: {  	v15 =	vadd.s32 $0x1, v9;
	vm1 =	vlt.s32 v5, $0x2D0;
	v17 =	vadd.s32 $0x1, v5  }
0x143: {  	v9 =	vnsel vm0, $0x5A0, v9;
	v5 =	vnsel vm1, $0x2D0, v5;
	vm6 =	vlt.s32 v15, $0x5A0  }
0x144: {  	vm7 =	vlt.s32 v17, $0x2D0;
	v18 =	vcvt.s32.f32 v5;
	v9 =	vcvt.s32.f32 v9  }
0x145: {  	v5 =	vor.u32 $0x800, v6;
	v17 =	vnsel vm7, $0x2D0, v17;
	v15 =	vnsel vm6, $0x5A0, v15  }
0x146: {  	v15 =	vcvt.s32.f32 v15;
	v18 =	vsub.f32 v11, v18;
	v19 =	vsub.f32 v10, v9  }
0x147: {  	v6 =	vor.u32 $0xC00, v6;
	v17 =	vcvt.s32.f32 v17;
	v9 =	vor.u32 v5, v14  }
0x148: {  	v20 =	vld.idx.msk [tilespmem:v8+s9+$0x0], $0xffff;
	v15 =	vsub.f32 v10, v15;
	v18 =	vand.u32 $0x7FFFFFFF, v18;
	v19 =	vand.u32 $0x7FFFFFFF, v19  }
0x149: {  	v10 =	vor.u32 v6, v14;
	v47 =	vsub.f32 $1.000000000e+00, v18;
	v48 =	vsub.f32 $1.000000000e+00, v19  }
0x14a: {  	v49 =	vld.idx.msk [tilespmem:v7+s9+$0x0], $0xffff;
	v11 =	vsub.f32 v11, v17;
	v15 =	vand.u32 $0x7FFFFFFF, v15  }
0x14b: {  	v15 =	vsub.f32 $1.000000000e+00, v15;
	v21 =	vmul.f32 v48, v47  }
0x14c: {  	v11 =	vand.u32 $0x7FFFFFFF, v11;
	v50 =	vld.idx.msk [tilespmem:v9+s9+$0x0], $0xffff  }
0x14d: {  	v11 =	vsub.f32 $1.000000000e+00, v11;
	v22 =	vmul.f32 v15, v47;
	v51 =	vmul.f32 v21, v20  }
0x14e: {  	v52 =	vld.idx.msk [tilespmem:v10+s9+$0x0], $0xffff  }
0x14f: {  	v18 =	vmul.f32 v48, v11;
	v19 =	vmul.f32 v22, v49;
	v14 =	vadd.f32 $0.0e+00, v51;
	_ =	sdelay $0x1  }
0x150: {  	v23 =	vmul.f32 v15, v11;
	v53 =	vmul.f32 v18, v50;
	v14 =	vadd.f32 v19, v14  }
0x151: {  	v11 =	vshll.u32 v13, $0x4  }
0x152: {  	v55 =	vmul.f32 v23, v52;
	v54 =	vadd.f32 v14, v53;
	v14 =	vor.u32 $0x1, v8;
	_ =	sdelay $0x1  }
0x153: {  	v15 =	vor.u32 $0x1, v7;
	v13 =	vadd.f32 v54, v55;
	_ =	sdelay $0x1  }
0x154: {  	v17 =	vor.u32 $0x1, v9;
	[tilespmem:v11+s26+$0x0] =	vst.idx.msk $0xffff, v13  }
0x155: {  	v56 =	vld.idx.msk [tilespmem:v14+s9+$0x0], $0xffff  }
0x156: {  	v13 =	vor.u32 $0x1, v10  }
0x157: {  	v57 =	vmul.f32 $3.600000000e+02, v16;
	v24 =	vld.idx.msk [tilespmem:v15+s9+$0x0], $0xffff  }
0x158: {  	v27 =	vmul.f32 $3.600000000e+02, v12  }
0x159: {  	v25 =	vtrunc.f32 v57;
	v26 =	vld.idx.msk [tilespmem:v17+s9+$0x0], $0xffff  }
0x15a: {  	v28 =	vtrunc.f32 v27;
	v19 =	vmul.f32 v21, v56  }
0x15b: {  	v25 =	vcvt.f32.s32 v25;
	v28 =	vcvt.f32.s32 v28;
	v58 =	vld.idx.msk [tilespmem:v13+s9+$0x0], $0xffff  }
0x15c: {  	v22 =	vmul.f32 v22, v24;
	v19 =	vadd.f32 $0.0e+00, v19  }
0x15d: {  	vm8 =	vlt.s32 v25, $0x168;
	vm9 =	vlt.s32 v28, $0x2D0;
	v60 =	vadd.s32 $0x1, v28  }
0x15e: {  	v63 =	vadd.s32 $0x1, v25;
	v18 =	vmul.f32 v18, v26;
	v19 =	vadd.f32 v22, v19  }
0x15f: {  	v59 =	vnsel vm8, $0x168, v25;
	v28 =	vnsel vm9, $0x2D0, v28;
	v61 =	vor.u32 $0x1, v11  }
0x160: {  	v29 =	vcvt.s32.f32 v28;
	v62 =	vmul.f32 v23, v58;
	v18 =	vadd.f32 v19, v18  }
0x161: {  	vm10 =	vlt.s32 v60, $0x2D0;
	vm11 =	vlt.s32 v63, $0x168;
	v24 =	vcvt.s32.f32 v59  }
0x162: {  	v30 =	vsub.f32 v27, v29;
	v22 =	vnsel vm10, $0x2D0, v60;
	v18 =	vadd.f32 v18, v62  }
0x163: {  	v21 =	vnsel vm11, $0x168, v63;
	v24 =	vsub.f32 v57, v24;
	v22 =	vcvt.s32.f32 v22  }
0x164: {  	v32 =	vcvt.s32.f32 v21;
	[tilespmem:v61+s26+$0x0] =	vst.idx.msk $0xffff, v18  }
0x165: {  	v31 =	vand.u32 $0x7FFFFFFF, v24;
	v19 =	vand.u32 $0x7FFFFFFF, v30;
	v33 =	vsub.f32 v27, v22;
	v34 =	vld.idx.msk [tilespmem:v8+s22+$0x0], $0xffff  }
0x166: {  	v23 =	vsub.f32 $1.000000000e+00, v31;
	v19 =	vsub.f32 $1.000000000e+00, v19  }
0x167: {  	v35 =	vand.u32 $0x7FFFFFFF, v33;
	v18 =	vsub.f32 v57, v32;
	v36 =	vld.idx.msk [tilespmem:v7+s22+$0x0], $0xffff  }
0x168: {  	v37 =	vmul.f32 v19, v23;
	v20 =	vsub.f32 $1.000000000e+00, v35  }
0x169: {  	v38 =	vld.idx.msk [tilespmem:v9+s22+$0x0], $0xffff;
	v18 =	vand.u32 $0x7FFFFFFF, v18  }
0x16a: {  	v23 =	vmul.f32 v20, v23;
	v18 =	vsub.f32 $1.000000000e+00, v18;
	v22 =	vmul.f32 v34, v37  }
0x16b: {  	v26 =	vld.idx.msk [tilespmem:v10+s22+$0x0], $0xffff  }
0x16c: {  	v19 =	vmul.f32 v19, v18;
	v21 =	vmul.f32 v36, v23;
	v22 =	vadd.f32 $0.0e+00, v22;
	_ =	sdelay $0x1  }
0x16d: {  	v18 =	vmul.f32 v20, v18;
	v40 =	vmul.f32 v38, v19;
	v39 =	vadd.f32 v21, v22  }
0x16e: {  	v41 =	vor.u32 $0x2, v11  }
0x16f: {  	v42 =	vmul.f32 v26, v18;
	v20 =	vadd.f32 v40, v39;
	_ =	sdelay $0x1  }
0x170: {  	v20 =	vadd.f32 v42, v20;
	_ =	sdelay $0x1  }
0x171: {  	[tilespmem:v41+s26+$0x0] =	vst.idx.msk $0xffff, v20  }
0x172: {  	v20 =	vld.idx.msk [tilespmem:v14+s22+$0x0], $0xffff;
	_ =	sdelay $0x1  }
0x173: {  	v12 =	vmul.f32 $1.800000000e+02, v12;
	v43 =	vld.idx.msk [tilespmem:v15+s22+$0x0], $0xffff;
	_ =	sdelay $0x1  }
0x174: {  	v16 =	vmul.f32 $1.800000000e+02, v16;
	v46 =	vtrunc.f32 v12;
	v45 =	vld.idx.msk [tilespmem:v17+s22+$0x0], $0xffff  }
0x175: {  	v47 =	vcvt.f32.s32 v46;
	v20 =	vmul.f32 v20, v37  }
0x176: {  	v44 =	vtrunc.f32 v16;
	v48 =	vld.idx.msk [tilespmem:v13+s22+$0x0], $0xffff  }
0x177: {  	vm13 =	vlt.s32 v47, $0x168;
	v21 =	vmul.f32 v43, v23;
	v20 =	vadd.f32 $0.0e+00, v20  }
0x178: {  	v51 =	vor.u32 $0x3, v11;
	v50 =	vnsel vm13, $0x168, v47;
	v22 =	vcvt.f32.s32 v44  }
0x179: {  	v24 =	vadd.s32 $0x1, v47;
	v19 =	vmul.f32 v45, v19;
	v20 =	vadd.f32 v21, v20  }
0x17a: {  	vm15 =	vlt.s32 v24, $0x168;
	vm12 =	vlt.s32 v22, $0xB4;
	v49 =	vadd.s32 $0x1, v22  }
0x17b: {  	v22 =	vnsel vm12, $0xB4, v22;
	v18 =	vmul.f32 v48, v18;
	v19 =	vadd.f32 v19, v20  }
0x17c: {  	v54 =	vnsel vm15, $0x168, v24;
	v52 =	vcvt.s32.f32 v22;
	v21 =	vcvt.s32.f32 v50  }
0x17d: {  	v57 =	vcvt.s32.f32 v54;
	vm14 =	vlt.s32 v49, $0xB4;
	v18 =	vadd.f32 v18, v19  }
0x17e: {  	v53 =	vnsel vm14, $0xB4, v49;
	v55 =	vsub.f32 v16, v52;
	v56 =	vsub.f32 v12, v21  }
0x17f: {  	v22 =	vcvt.s32.f32 v53;
	[tilespmem:v51+s26+$0x0] =	vst.idx.msk $0xffff, v18  }
0x180: {  	v58 =	vand.u32 $0x7FFFFFFF, v55;
	v12 =	vsub.f32 v12, v57;
	v59 =	vand.u32 $0x7FFFFFFF, v56;
	v8 =	vld.idx.msk [tilespmem:v8+s10+$0x0], $0xffff  }
0x181: {  	v19 =	vsub.f32 $1.000000000e+00, v59;
	v18 =	vsub.f32 $1.000000000e+00, v58  }
0x182: {  	v16 =	vsub.f32 v16, v22;
	v12 =	vand.u32 $0x7FFFFFFF, v12;
	v7 =	vld.idx.msk [tilespmem:v7+s10+$0x0], $0xffff  }
0x183: {  	v12 =	vsub.f32 $1.000000000e+00, v12;
	v60 =	vmul.f32 v19, v18  }
0x184: {  	v16 =	vand.u32 $0x7FFFFFFF, v16;
	v9 =	vld.idx.msk [tilespmem:v9+s10+$0x0], $0xffff  }
0x185: {  	v16 =	vsub.f32 $1.000000000e+00, v16;
	v18 =	vmul.f32 v12, v18;
	v8 =	vmul.f32 v8, v60  }
0x186: {  	v10 =	vld.idx.msk [tilespmem:v10+s10+$0x0], $0xffff  }
0x187: {  	v19 =	vmul.f32 v19, v16;
	v61 =	vmul.f32 v7, v18;
	v8 =	vadd.f32 $0.0e+00, v8;
	_ =	sdelay $0x1  }
0x188: {  	v7 =	vmul.f32 v12, v16;
	v9 =	vmul.f32 v9, v19;
	v8 =	vadd.f32 v61, v8  }
0x189: {  	v62 =	vor.u32 $0x4, v11  }
0x18a: {  	v8 =	vadd.f32 v9, v8;
	v9 =	vmul.f32 v10, v7;
	_ =	sdelay $0x1  }
0x18b: {  	v8 =	vadd.f32 v9, v8;
	_ =	sdelay $0x1  }
0x18c: {  	[tilespmem:v62+s26+$0x0] =	vst.idx.msk $0xffff, v8  }
0x18d: {  	v8 =	vld.idx.msk [tilespmem:v14+s10+$0x0], $0xffff;
	_ =	sdelay $0x2  }
0x18e: {  	v9 =	vld.idx.msk [tilespmem:v15+s10+$0x0], $0xffff;
	_ =	sdelay $0x1  }
0x18f: {  	v10 =	vld.idx.msk [tilespmem:v17+s10+$0x0], $0xffff;
	v8 =	vmul.f32 v8, v60;
	_ =	sdelay $0x1  }
0x190: {  	v63 =	vadd.f32 $0.0e+00, v8;
	v8 =	vld.idx.msk [tilespmem:v13+s10+$0x0], $0xffff  }
0x191: {  	v9 =	vmul.f32 v9, v18;
	_ =	sdelay $0x1  }
0x192: {  	s11 =	simm.s32 $0x10;
	v11 =	vor.u32 $0x5, v11;
	v10 =	vmul.f32 v10, v19;
	v9 =	vadd.f32 v9, v63  }
.LBB2_5:
0x193: {  	p0 =	sne.s32 s11, $0x70;
	s0 =	sadd.s32 $0x10, s0;
	s31 =	sadd.s32 $0x10, s31  }
0x194: {  	v7 =	vmul.f32 v8, v7;
	s12 =	smov.u32 s11;
	s11 =	sadd.s32 $0x10, s11;
	v9 =	vadd.f32 v10, v9;
	_ =	sdelay $0x1  }
0x195: {  	v7 =	vadd.f32 v7, v9;
	_ =	sdelay $0x1  }
0x196: {  	[tilespmem:v11+s26+$0x0] =	vst.idx.msk $0xffff, v7  }
0x197: {  	v7 =	vld [tilespmem:s31+$0x0]  }
0x198: {  	v8 =	vld [tilespmem:s0+$0x0];
	_ =	sdelay $0x3  }
0x199: {  	v7 =	vmul.f32 v7, v2  }
0x19a: {  	v8 =	vadd.f32 $9.000000000e+01, v8  }
0x19b: {  	v11 =	vadd.f32 v7, v7  }
0x19c: {  	v15 =	vmul.f32 v8, v0  }
0x19d: {  	v12 =	vor.u32 s12, v1;
	v13 =	vmul.f32 $7.200000000e+02, v11;
	v17 =	vmul.f32 $3.600000000e+02, v11  }
0x19e: {  	v14 =	vmul.f32 $7.200000000e+02, v15  }
0x19f: {  	v7 =	vshll.u32 v12, $0x3;
	v8 =	vmov s12;
	v9 =	vtrunc.f32 v13  }
0x1a0: {  	v16 =	vshll.u32 v8, $0x3;
	v10 =	vtrunc.f32 v14;
	v9 =	vcvt.f32.s32 v9  }
0x1a1: {  	v8 =	vor.u32 v4, v16;
	v18 =	vmul.f32 $3.600000000e+02, v15;
	v10 =	vcvt.f32.s32 v10  }
0x1a2: {  	vm0 =	vlt.s32 v9, $0x5A0;
	v19 =	vadd.s32 $0x1, v9  }
0x1a3: {  	vm1 =	vlt.s32 v10, $0x2D0;
	v20 =	vadd.s32 $0x1, v10;
	v21 =	vnsel vm0, $0x5A0, v9  }
0x1a4: {  	vm0 =	vlt.s32 v19, $0x5A0;
	v9 =	vor.u32 v5, v16;
	v10 =	vnsel vm1, $0x2D0, v10;
	v22 =	vld.idx.msk [tilespmem:v7+s9+$0x0], $0xffff  }
0x1a5: {  	vm1 =	vlt.s32 v20, $0x2D0;
	v21 =	vcvt.s32.f32 v21;
	v10 =	vcvt.s32.f32 v10  }
0x1a6: {  	v24 =	vtrunc.f32 v18;
	v19 =	vnsel vm0, $0x5A0, v19;
	v20 =	vnsel vm1, $0x2D0, v20;
	v23 =	vld.idx.msk [tilespmem:v8+s9+$0x0], $0xffff  }
0x1a7: {  	v19 =	vcvt.s32.f32 v19;
	v21 =	vsub.f32 v13, v21;
	v25 =	vsub.f32 v14, v10  }
0x1a8: {  	v20 =	vcvt.s32.f32 v20;
	v10 =	vor.u32 v6, v16;
	v16 =	vcvt.f32.s32 v24  }
0x1a9: {  	v13 =	vsub.f32 v13, v19;
	v21 =	vand.u32 $0x7FFFFFFF, v21;
	v24 =	vand.u32 $0x7FFFFFFF, v25;
	v19 =	vld.idx.msk [tilespmem:v9+s9+$0x0], $0xffff  }
0x1aa: {  	v21 =	vsub.f32 $1.000000000e+00, v21;
	vm0 =	vlt.s32 v16, $0x168;
	v24 =	vsub.f32 $1.000000000e+00, v24  }
0x1ab: {  	v14 =	vsub.f32 v14, v20;
	v13 =	vand.u32 $0x7FFFFFFF, v13;
	v20 =	vnsel vm0, $0x168, v16  }
0x1ac: {  	v13 =	vsub.f32 $1.000000000e+00, v13;
	v20 =	vcvt.s32.f32 v20;
	v25 =	vmul.f32 v21, v24  }
0x1ad: {  	v26 =	vtrunc.f32 v17;
	v14 =	vand.u32 $0x7FFFFFFF, v14;
	v16 =	vadd.s32 $0x1, v16  }
0x1ae: {  	v14 =	vsub.f32 $1.000000000e+00, v14;
	v24 =	vmul.f32 v13, v24;
	v22 =	vmul.f32 v25, v22;
	v27 =	vld.idx.msk [tilespmem:v10+s9+$0x0], $0xffff  }
0x1af: {  	v26 =	vcvt.f32.s32 v26;
	vm0 =	vlt.s32 v16, $0x168;
	v20 =	vsub.f32 v18, v20  }
0x1b0: {  	v21 =	vmul.f32 v21, v14;
	v23 =	vmul.f32 v24, v23;
	v22 =	vadd.f32 $0.0e+00, v22  }
0x1b1: {  	v28 =	vmul.f32 v13, v14;
	v14 =	vnsel vm0, $0x168, v16;
	v13 =	vand.u32 $0x7FFFFFFF, v20  }
0x1b2: {  	v19 =	vmul.f32 v21, v19;
	v20 =	vsub.f32 $1.000000000e+00, v13;
	v16 =	vadd.f32 v23, v22  }
0x1b3: {  	vm0 =	vlt.s32 v26, $0x2D0;
	v13 =	vshll.u32 v12, $0x4;
	v22 =	vadd.s32 $0x1, v26  }
0x1b4: {  	v12 =	vor.u32 $0x1, v7;
	v16 =	vadd.f32 v16, v19;
	v19 =	vmul.f32 v28, v27  }
0x1b5: {  	v23 =	vnsel vm0, $0x2D0, v26;
	v26 =	vcvt.s32.f32 v14;
	vm0 =	vlt.s32 v22, $0x2D0  }
0x1b6: {  	v14 =	vor.u32 $0x1, v8;
	v16 =	vadd.f32 v16, v19;
	v19 =	vcvt.s32.f32 v23  }
0x1b7: {  	v22 =	vnsel vm0, $0x2D0, v22;
	v18 =	vsub.f32 v18, v26;
	v23 =	vmul.f32 $1.800000000e+02, v15  }
0x1b8: {  	v22 =	vcvt.s32.f32 v22;
	v15 =	vor.u32 $0x1, v9;
	[tilespmem:v13+s26+$0x0] =	vst.idx.msk $0xffff, v16;
	v19 =	vsub.f32 v17, v19  }
0x1b9: {  	v27 =	vmul.f32 $1.800000000e+02, v11;
	v18 =	vand.u32 $0x7FFFFFFF, v18;
	v11 =	vtrunc.f32 v23;
	v26 =	vld.idx.msk [tilespmem:v12+s9+$0x0], $0xffff  }
0x1ba: {  	v16 =	vor.u32 $0x1, v10;
	v17 =	vsub.f32 v17, v22;
	v19 =	vand.u32 $0x7FFFFFFF, v19  }
0x1bb: {  	v30 =	vtrunc.f32 v27;
	v29 =	vcvt.f32.s32 v11;
	v11 =	vor.u32 $0x5, v13;
	v22 =	vld.idx.msk [tilespmem:v14+s9+$0x0], $0xffff  }
0x1bc: {  	v30 =	vcvt.f32.s32 v30;
	v17 =	vand.u32 $0x7FFFFFFF, v17  }
0x1bd: {  	v17 =	vsub.f32 $1.000000000e+00, v17;
	vm0 =	vlt.s32 v29, $0xB4;
	v32 =	vadd.s32 $0x1, v29;
	v31 =	vld.idx.msk [tilespmem:v15+s9+$0x0], $0xffff  }
0x1be: {  	vm1 =	vlt.s32 v30, $0x168;
	v29 =	vnsel vm0, $0xB4, v29;
	vm0 =	vlt.s32 v32, $0xB4  }
0x1bf: {  	v32 =	vnsel vm0, $0xB4, v32;
	v29 =	vcvt.s32.f32 v29;
	v25 =	vmul.f32 v25, v26;
	v26 =	vld.idx.msk [tilespmem:v16+s9+$0x0], $0xffff  }
0x1c0: {  	v33 =	vnsel vm1, $0x168, v30;
	v30 =	vadd.s32 $0x1, v30;
	v32 =	vcvt.s32.f32 v32  }
0x1c1: {  	v25 =	vadd.f32 $0.0e+00, v25;
	v22 =	vmul.f32 v24, v22;
	v24 =	vsub.f32 v23, v29  }
0x1c2: {  	vm0 =	vlt.s32 v30, $0x168;
	v23 =	vsub.f32 v23, v32;
	v29 =	vcvt.s32.f32 v33  }
0x1c3: {  	v22 =	vadd.f32 v22, v25;
	v21 =	vmul.f32 v21, v31;
	v24 =	vand.u32 $0x7FFFFFFF, v24  }
0x1c4: {  	v25 =	vor.u32 $0x1, v13;
	v23 =	vand.u32 $0x7FFFFFFF, v23;
	v24 =	vsub.f32 $1.000000000e+00, v24  }
0x1c5: {  	v23 =	vsub.f32 $1.000000000e+00, v23;
	v21 =	vadd.f32 v22, v21;
	v22 =	vmul.f32 v28, v26  }
0x1c6: {  	v26 =	vnsel vm0, $0x168, v30;
	v28 =	vsub.f32 v27, v29  }
0x1c7: {  	v21 =	vadd.f32 v21, v22;
	v22 =	vcvt.s32.f32 v26  }
0x1c8: {  	v26 =	vand.u32 $0x7FFFFFFF, v28  }
0x1c9: {  	[tilespmem:v25+s26+$0x0] =	vst.idx.msk $0xffff, v21;
	v21 =	vsub.f32 v27, v22  }
0x1ca: {  	v22 =	vld.idx.msk [tilespmem:v7+s22+$0x0], $0xffff  }
0x1cb: {  	v21 =	vand.u32 $0x7FFFFFFF, v21  }
0x1cc: {  	v19 =	vsub.f32 $1.000000000e+00, v19;
	v25 =	vld.idx.msk [tilespmem:v8+s22+$0x0], $0xffff;
	_ =	sdelay $0x1  }
0x1cd: {  	v27 =	vmul.f32 v19, v20;
	v28 =	vld.idx.msk [tilespmem:v9+s22+$0x0], $0xffff;
	_ =	sdelay $0x1  }
0x1ce: {  	v18 =	vsub.f32 $1.000000000e+00, v18;
	v20 =	vmul.f32 v17, v20;
	v22 =	vmul.f32 v22, v27;
	v29 =	vld.idx.msk [tilespmem:v10+s22+$0x0], $0xffff;
	_ =	sdelay $0x1  }
0x1cf: {  	v19 =	vmul.f32 v19, v18;
	v22 =	vadd.f32 $0.0e+00, v22;
	v25 =	vmul.f32 v25, v20;
	_ =	sdelay $0x1  }
0x1d0: {  	v17 =	vmul.f32 v17, v18;
	v18 =	vadd.f32 v25, v22;
	v22 =	vmul.f32 v28, v19  }
0x1d1: {  	v25 =	vor.u32 $0x2, v13  }
0x1d2: {  	v18 =	vadd.f32 v22, v18;
	v22 =	vmul.f32 v29, v17;
	_ =	sdelay $0x1  }
0x1d3: {  	v18 =	vadd.f32 v22, v18;
	_ =	sdelay $0x1  }
0x1d4: {  	[tilespmem:v25+s26+$0x0] =	vst.idx.msk $0xffff, v18  }
0x1d5: {  	v18 =	vld.idx.msk [tilespmem:v12+s22+$0x0], $0xffff  }
0x1d6: {  	v22 =	vld.idx.msk [tilespmem:v14+s22+$0x0], $0xffff  }
0x1d7: {  	v25 =	vld.idx.msk [tilespmem:v15+s22+$0x0], $0xffff  }
0x1d8: {  	v28 =	vld.idx.msk [tilespmem:v16+s22+$0x0], $0xffff;
	_ =	sdelay $0x2  }
0x1d9: {  	v18 =	vmul.f32 v18, v27;
	_ =	sdelay $0x1  }
0x1da: {  	v20 =	vmul.f32 v22, v20;
	v18 =	vadd.f32 $0.0e+00, v18;
	_ =	sdelay $0x1  }
0x1db: {  	v19 =	vmul.f32 v25, v19;
	v18 =	vadd.f32 v20, v18  }
0x1dc: {  	v20 =	vor.u32 $0x3, v13  }
0x1dd: {  	v17 =	vmul.f32 v28, v17;
	v18 =	vadd.f32 v19, v18;
	_ =	sdelay $0x1  }
0x1de: {  	v17 =	vadd.f32 v17, v18;
	_ =	sdelay $0x1  }
0x1df: {  	[tilespmem:v20+s26+$0x0] =	vst.idx.msk $0xffff, v17  }
0x1e0: {  	v7 =	vld.idx.msk [tilespmem:v7+s10+$0x0], $0xffff  }
0x1e1: {  	v8 =	vld.idx.msk [tilespmem:v8+s10+$0x0], $0xffff  }
0x1e2: {  	v17 =	vsub.f32 $1.000000000e+00, v26;
	v9 =	vld.idx.msk [tilespmem:v9+s10+$0x0], $0xffff  }
0x1e3: {  	v10 =	vld.idx.msk [tilespmem:v10+s10+$0x0], $0xffff  }
0x1e4: {  	v18 =	vsub.f32 $1.000000000e+00, v21;
	v19 =	vmul.f32 v17, v24;
	_ =	sdelay $0x1  }
0x1e5: {  	v20 =	vmul.f32 v18, v24;
	v7 =	vmul.f32 v7, v19;
	_ =	sdelay $0x1  }
0x1e6: {  	v17 =	vmul.f32 v17, v23;
	v8 =	vmul.f32 v8, v20;
	v21 =	vadd.f32 $0.0e+00, v7;
	_ =	sdelay $0x1  }
0x1e7: {  	v7 =	vmul.f32 v18, v23;
	v9 =	vmul.f32 v9, v17;
	v8 =	vadd.f32 v8, v21  }
0x1e8: {  	v13 =	vor.u32 $0x4, v13  }
0x1e9: {  	v8 =	vadd.f32 v9, v8;
	v9 =	vmul.f32 v10, v7;
	_ =	sdelay $0x1  }
0x1ea: {  	v8 =	vadd.f32 v9, v8;
	_ =	sdelay $0x1  }
0x1eb: {  	[tilespmem:v13+s26+$0x0] =	vst.idx.msk $0xffff, v8  }
0x1ec: {  	v9 =	vld.idx.msk [tilespmem:v12+s10+$0x0], $0xffff  }
0x1ed: {  	v10 =	vld.idx.msk [tilespmem:v14+s10+$0x0], $0xffff  }
0x1ee: {  	v12 =	vld.idx.msk [tilespmem:v15+s10+$0x0], $0xffff  }
0x1ef: {  	v8 =	vld.idx.msk [tilespmem:v16+s10+$0x0], $0xffff;
	_ =	sdelay $0x2  }
.Ltmp1:
0x1f0: {  	v9 =	vmul.f32 v9, v19;
	(pc) =	sbr.rel @p0 .LBB2_5-.Ltmp1, $3  }
0x1f1: {  	_ = 	snop  }
0x1f2: {  	v10 =	vmul.f32 v10, v20;
	v9 =	vadd.f32 $0.0e+00, v9;
	_ =	sdelay $0x1  }
0x1f3: {  	v9 =	vadd.f32 v10, v9;
	v10 =	vmul.f32 v12, v17  }
0x1f4: {  	_ = 	snop  }
0x1f5: {  	v5 =	vmul.f32 v8, v7;
	v4 =	vadd.f32 v10, v9;
	_ =	sdelay $0x1  }
0x1f6: {  	s28 =	sadd.s32 $0x1, s28;
	v4 =	vadd.f32 v5, v4  }
0x1f7: {  	s0 =	sshll.u32 s30, $0x1;
	p0 =	sne.s32 s28, $0xF8  }
.Ltmp2:
0x1f8: {  	s0 =	sadd.s32 s13, s0;
	[tilespmem:v11+s26+$0x0] =	vst.idx.msk $0xffff, v4;
	(pc) =	sbr.rel @p0 .LBB2_2-.Ltmp2, $4  }
0x1f9: {  	[hbm4b:s0+s2] =	stream.linear.scatter [tilespmem:s26], [sflag:$0x2], $0x800, $0x38;
	[tilespmem:$0x18CA8] =	vst v63  }
0x1fa: {  	_ =	swait.ge [sflag:s17], $0x800  }
0x1fb: {  	[sflag:s17] =	ssyncset.done $0x0  }
0x1fc: {  	[sflag:s17] =	ssyncadd.s32 $0xFFFFF800  }
0x1fd: {  	s1 =	rddreg [dreg:$0x8]  }
0x1fe: {  	s0 =	rddreg [dreg:$0x7];
	s1 =	sadd.s32 $0x1, s1  }
0x1ff: {  	p0 =	sne.s32 s1, s0  }
.Ltmp3:
0x200: {  	_ = 	snop;
	(pc) =	sbr.rel @p0 .LBB2_1-.Ltmp3, $1  }
0x201: {  	_ =	sdelay $0x3  }
0x202: {  	_ =	sfence.sel $0x180000  }
0x203: {  	[bflag:$0x0] =	sbarrier.arrive $0xFFFF  }
0x204: {  	_ =	strace $0x90000047  }
0x205: {  	s0 =	stileid.u32;
	[bflag:$0x2] =	sbarrier.arrive $0xFFFF  }
0x206: {  	p0 =	sne.s32 s0, $0x0;
	s0 =	rddreg [dreg:$0x2]  }
0x207: {  	s0 =	sadd.s32 @!p0 $0x100000, s0  }
0x208: {  	[sflag:s0] =	ssyncadd.tile.s32 @!p0 $0x1;
	_ =	shalt  }
.Lfunc_end2:
_tile_overlayer_lowered:
.L_overlay_start_2:
0x209: {  	(tag) =	ssettag $0x2  }
0x20a: {  	s0 =	rddreg [dreg:$0x0];
	s2 =	stileid.u32  }
0x20b: {  	s1 =	rddreg [dreg:$0x1];
	p0 =	sne.s32 s2, $0x0  }
0x20c: {  	s3 =	rddreg [dreg:$0x2];
	[bflag:$0x3] =	sbarrier.arrive $0xFFFF;
	s2 =	simm.s32 @!p0 $0x1C02  }
0x20d: {  	[timem:s3], [sflag:s2] =	dma.local @!p0 [hbm:s0], s1  }
0x20e: {  	s0 =	simm.s32 @!p0 $0x2  }
0x20f: {  	_ =	swait.ge @!p0 [sflag:s0], s1  }
0x210: {  	s1 =	ssub.s32 @!p0 $0x0, s1;
	[sflag:s0] =	ssyncset.done @!p0 $0x0  }
0x211: {  	[sflag:s0] =	ssyncadd.s32 @!p0 s1  }
0x212: {  	[bflag:$0x3] =	sbarrier.arrive $0xFFFF  }
0x213: {  	_ =	shalt  }

// kernel: sparse-core-data-format-call.cloned.1.call-start
scs
called_computation_lowered:
.L_overlay_start_0:
0x0: {  	s2 =	sld [smem:$0x3FD9]  }
0x1: {  	s3 =	sld [smem:$0x3FFE];
	_ =	sdelay $0x1  }
0x2: {  	s1 =	srdreg.scid  }
0x3: {  	s0 =	sand.u32 $0x1, s1  }
0x4: {  	s18 =	sshll.u32 s0, $0xA;
	s2 =	sadd.s32 s3, s2  }
0x5: {  	s2 =	sadd.s32 s2, s18  }
0x6: {  	[smem:$0x3FC0] =	sst s2  }
0x7: {  	_ = 	snop  }
0x8: {  	s2 =	sld [smem:$0x3FD0];
	(tm) =	ssettm $0x1  }
0x9: {  	s19 =	sld [smem:$0x3FFB];
	_ =	sdelay $0x3  }
0xa: {  	_ =	strace s19  }
0xb: {  	s3 =	sld [smem:$0x3FFC];
	_ =	sdelay $0x3  }
0xc: {  	_ =	strace s3  }
0xd: {  	s3 =	sld [smem:$0x3FFD];
	_ =	sdelay $0x3  }
0xe: {  	_ =	strace s3  }
0xf: {  	_ =	strace $0x8FFFFFFF  }
0x10: {  	s20 =	sld [smem:$0x3FDB];
	_ =	sdelay $0x1  }
0x11: {  	s4 =	simm.s32 $_scs_section_size  }
0x12: {  	s5 =	simm.s32 $_size__tile_overlayer_lowered;
	s6 =	simm.s32 $_tile_overlayer_lowered  }
0x13: {  	s23 =	simm.s32 $0x1BFF;
	s22 =	sshll.u32 s6, $0x1;
	s3 =	sadd.s32 s4, s20  }
0x14: {  	s7 =	simm.s32 $0x0;
	s21 =	sshll.u32 s5, $0x1;
	s5 =	sadd.s32 s22, s3  }
0x15: {  	[timem:s7], [sflag:s23] =	dma.local [hbm:s5], s21  }
0x16: {  	_ =	swait.ge [sflag:s23], s21  }
0x17: {  	s4 =	ssub.s32 $0x0, s21;
	[sflag:s23] =	ssyncset.done $0x0  }
0x18: {  	[sflag:s23] =	ssyncadd.s32 s4;
	_ =	sdelay $0x1  }
0x19: {  	s24 =	simm.s32 $0x1B8B  }
0x1a: {  	_ =	swait.ge [sflag:s24], $0x1  }
0x1b: {  	[sflag:s24] =	ssyncset.done $0x0  }
0x1c: {  	s26 =	simm.s32 $0x1B8E;
	s25 =	sld [smem:$0x3FFE];
	[sflag:s24] =	ssyncadd.s32 $0xFFFFFFFF  }
0x1d: {  	s27 =	simm.s32 $execute0_lowered;
	[smem:$0x3FD2] =	sst s26  }
0x1e: {  	s5 =	sshll.u32 s27, $0x1;
	_ =	strace $0x80000049;
	[dreg:$0x1] =	wrdreg $0xFFFFFFFF  }
0x1f: {  	s28 =	simm.s32 $_size_execute0_lowered;
	s3 =	sadd.s32 s3, s5;
	[dreg:$0x0] =	wrdreg $0x0  }
0x20: {  	s5 =	sshll.u32 s28, $0x1;
	[dreg:$0x2] =	wrdreg s3  }
0x21: {  	[dreg:$0x3] =	wrdreg s5  }
0x22: {  	[dreg:$0x4] =	wrdreg $0xC0  }
0x23: {  	_ =	task [dreg:s7], $0x5FFFF  }
0x24: {  	[dreg:$0x1] =	wrdreg $0xFFFFFFFF  }
0x25: {  	[dreg:$0x0] =	wrdreg $0x60  }
0x26: {  	[dreg:$0x2] =	wrdreg s25  }
0x27: {  	[dreg:$0x3] =	wrdreg s2  }
0x28: {  	[dreg:$0x4] =	wrdreg $0x9  }
0x29: {  	_ =	task.clear_ibuf [dreg:s7], $0x5FFFF;
	_ =	strace $0x90000049  }
0x2a: {  	s29 =	simm.s32 $0x9;
	_ =	strace $0x8000004B  }
0x2b: {  	_ =	swait.ge [sflag:s29], $0x1  }
0x2c: {  	[sflag:s29] =	ssyncadd.s32 $0xFFFFFFFF  }
0x2d: {  	_ =	strace $0x9000004B  }
0x2e: {  	_ =	sfence  }
0x2f: {  	s30 =	sld [smem:$0x0];
	_ =	sdelay $0x2  }
0x30: {  	s31 =	sshll.u32 s1, $0xD;
	s1 =	sshrl.u32 s1, $0x2  }
0x31: {  	s3 =	sand.u32 $0x4000, s31;
	s1 =	sadd.s32 s1, s30  }
0x32: {  	s0 =	sor.u32 s3, s0;
	s1 =	sshll.u32 s1, $0x11  }
0x33: {  	s0 =	sor.u32 s1, s0  }
0x34: {  	s0 =	sadd.s32 $0x8F2B, s0  }
0x35: {  	[sflag:s0] =	ssyncadd.remote.s32 $0x1  }
0x36: {  	_ =	sfence.sel $0xFFFF  }
0x37: {  	[dreg:$0x0] =	wrdreg $0xFFFFFFFF;
	(pc) =	sbr.abs _section_cstart, $3  }
0x38: {  	[dreg:$0x1] =	wrdreg $0xFFFFFFFF  }
0x39: {  	_ =	task.clear_ibuf [dreg:s7], $0x2FFFF;
	_ =	strace $0x9FFFFFFF  }
0x3a: {  	(tm) =	ssettm $0x7FFFFFFF  }
0x3b: {  	_ =	shalt  }
tec
execute0_lowered:
.L_overlay_start_1:
0x0: {  	(tag) =	ssettag $0x1  }
0x1: {  	s4 =	rddreg [dreg:$0x0]  }
0x2: {  	s0 =	srdreg.scid;
	s2 =	rddreg [dreg:$0x1]  }
0x3: {  	s1 =	stileid.u32;
	s5 =	simm.s32 $0x1;
	s0 =	sshll.u32 s0, $0x4  }
0x4: {  	s7 =	simm.s32 $0x2;
	s11 =	simm.s32 $0x0;
	s3 =	sand.u32 $0x10, s0  }
.Ltmp0:
0x5: {  	p0 =	por $0x0, $0x0;
	s3 =	sor.u32 s1, s3;
	(pc) =	sbr.rel .LBB1_1-.Ltmp0, $4  }
0x6: {  	s8 =	simm.s32 $0x7A1400;
	s10 =	simm.s32 $0x0;
	s3 =	sshll.u32 s3, $0x7  }
0x7: {  	s0 =	rddreg [dreg:$0x2];
	_ =	strace $0x8000004A;
	s6 =	ssub.s32 $0xF4200, s3  }
0x8: {  	s4 =	sadd.s32 $0x131CA00, s4;
	[sflag:s5] =	ssyncpa.u1 $0x0;
	s6 =	sshrl.u32 s6, $0xC  }
0x9: {  	[sflag:s7] =	ssyncpa.u1 $0x0;
	s9 =	smov.u32 s3;
	s7 =	sadd.s32 $0x2, s6  }
.LBB1_5:
0xa: {  	s13 =	sadd.s32 $0x1000, s9  }
0xb: {  	p2 =	sgt.s32 s13, $0xF423F  }
0xc: {  	s13 =	smov.u32 @p2 s3;
	p2 =	sne.s32 s10, s7  }
.Ltmp1:
0xd: {  	p1 =	slt.u32 s10, $0x2;
	(pc) =	sbr.rel @!p2 .LBB1_6-.Ltmp1, $4  }
0xe: {  	s12 =	simm.s32 @!p1 $0x2  }
0xf: {  	s14 =	sadd.s32 $0x1, s10;
	_ =	swait.ge @!p1 [sflag:s12], $0x800  }
0x10: {  	s11 =	smov.u32 s9;
	p0 =	por !p0, !p0;
	[sflag:s12] =	ssyncset.done @!p1 $0x0  }
0x11: {  	s10 =	smov.u32 s14;
	s9 =	smov.u32 s13;
	[sflag:s12] =	ssyncadd.s32 @!p1 $0xFFFFF800  }
.LBB1_1:
0x12: {  	p1 =	sgt.u32 s10, s6  }
0x13: {  	s13 =	smov.u32 s9;
	p2 =	sgt.s32 @!p1 s9, $0xF41C0  }
0x14: {  	s12 =	sand.u32 @!p1 $0x1FFFFFF, s9;
	s14 =	sshra.s32 @!p1 s9, $0x1F;
	p2 =	por !p2, p1  }
0x15: {  	s15 =	smulhi.u32 @!p1 $0x218DEF5, s12;
	s14 =	sand.u32 @!p1 s14, s9;
	s13 =	simm.s32 @p2 $0xF41C0  }
0x16: {  	s13 =	ssub.s32 @!p1 s13, s14  }
0x17: {  	s14 =	sshrl.u32 @!p1 s15, $0xD;
	s13 =	sadd.s32 @!p1 $0xFFF0BE40, s13  }
0x18: {  	s15 =	sxor.u32 @!p1 $0xFFFFFFFF, s10;
	s14 =	smul.u32 @!p1 $0xF4240, s14;
	s16 =	sshll.u32 @!p1 s13, $0x6  }
0x19: {  	s15 =	sshll.u32 @!p1 s15, $0xB;
	p2 =	sgt.s32 @!p1 s13, $0x7F;
	s13 =	ssub.s32 @!p1 $0x2000, s16  }
0x1a: {  	s12 =	ssub.s32 @!p1 s12, s14;
	p2 =	por !p2, p1;
	s14 =	sand.u32 @!p1 $0x800, s15  }
0x1b: {  	s15 =	simm.s32 @!p1 $0x10;
	s13 =	sshrl.u32 @!p1 s13, $0x2;
	s12 =	sshll.u32 @!p1 s12, $0x4  }
0x1c: {  	s16 =	simm.s32 @!p1 $0x80;
	s13 =	simm.s32 @!p2 $0x0;
	s12 =	sadd.s32 @!p1 s4, s12  }
0x1d: {  	[tilespmem:s14], [sflag:$0x1] =	stream.strided.gather @!p1 [hbm4b:s12+s15], s13, s16, s15, $0x38;
	[tilespmem:$0x2020] =	vst v63  }
0x1e: {  	p1 =	seq.s32 s10, $0x0  }
0x1f: {  	p2 =	sge.u32 @!p1 s10, s7  }
0x20: {  	p1 =	por p1, p2  }
.Ltmp2:
0x21: {  	_ = 	snop;
	(pc) =	sbr.rel @p1 .LBB1_5-.Ltmp2, $1  }
0x22: {  	_ =	sdelay $0x3  }
0x23: {  	p1 =	sgt.s32 s11, $0xF41C0;
	s12 =	smov.u32 s11;
	s13 =	sshra.s32 s11, $0x1F  }
0x24: {  	s12 =	simm.s32 @!p1 $0xF41C0;
	s13 =	sand.u32 s13, s11  }
0x25: {  	s12 =	ssub.s32 s12, s13  }
0x26: {  	s12 =	sadd.s32 $0xFFF0BE40, s12  }
0x27: {  	s29 =	sshll.u32 s12, $0x6  }
0x28: {  	s13 =	ssub.s32 $0x2000, s29  }
0x29: {  	p1 =	sgt.s32 s12, $0x7F;
	s12 =	sshrl.u32 s13, $0x2  }
0x2a: {  	s13 =	simm.s32 $0x1;
	s12 =	simm.s32 @p1 $0x0  }
0x2b: {  	s13 =	simm.s32 @!p0 $0x0;
	_ =	swait.ge [sflag:s5], s12  }
0x2c: {  	s14 =	sshll.u32 s13, $0xB;
	s12 =	ssub.s32 $0x0, s12;
	[sflag:s5] =	ssyncset.done $0x0  }
0x2d: {  	s15 =	sor.u32 $0x40, s14;
	[sflag:s5] =	ssyncadd.s32 s12  }
0x2e: {  	v1 =	vld [tilespmem:s15+$0x30]  }
0x2f: {  	s30 =	smul.u32 $0x2040, s13;
	v4 =	vld [tilespmem:s15+$0xFFFFFFD0]  }
0x30: {  	v5 =	vld [tilespmem:s15+$0xFFFFFFE0]  }
0x31: {  	s31 =	sand.u32 $0x1, s10;
	s12 =	sshrl.u32 s30, $0x2;
	v2 =	vld [tilespmem:s15+$0xFFFFFFF0]  }
0x32: {  	s13 =	smul.u32 $0x2040, s31;
	s12 =	sor.u32 $0x1007, s12;
	v3 =	vld [tilespmem:s15+$0x0]  }
0x33: {  	v0 =	vld [tilespmem:s15+$0x10];
	[tilespmem:s12+$0x0 ss:$0x81] =	vst.msk $0xffff, v1  }
0x34: {  	s13 =	sshrl.u32 s13, $0x2;
	[tilespmem:s12+$0xFFFFFFFA ss:$0x81] =	vst.msk $0xffff, v4;
	v4 =	vld [tilespmem:s15+$0x20]  }
0x35: {  	s14 =	simm.s32 $0x0;
	s13 =	sor.u32 $0x1000, s13;
	v1 =	vld [tilespmem:s15+$0xFFFFFFC0];
	[tilespmem:s12+$0xFFFFFFFB ss:$0x81] =	vst.msk $0xffff, v5;
	s15 =	sadd.s32 $0x80, s15  }
.LBB1_3:
0x36: {  	v5 =	vld [tilespmem:s15+$0x30];
	s14 =	sadd.s32 $0x8, s14;
	[tilespmem:s12+$0xFFFFFFFC ss:$0x81] =	vst.msk $0xffff, v2  }
0x37: {  	v6 =	vld [tilespmem:s15+$0xFFFFFFD0];
	p1 =	slt.u32 s14, $0x78;
	[tilespmem:s12+$0xFFFFFFFD ss:$0x81] =	vst.msk $0xffff, v3  }
0x38: {  	v7 =	vld [tilespmem:s15+$0xFFFFFFE0];
	[tilespmem:s12+$0xFFFFFFFE ss:$0x81] =	vst.msk $0xffff, v0  }
.Ltmp3:
0x39: {  	v2 =	vld [tilespmem:s15+$0xFFFFFFF0];
	[tilespmem:s12+$0xFFFFFFFF ss:$0x81] =	vst.msk $0xffff, v4;
	(pc) =	sbr.rel @p1 .LBB1_3-.Ltmp3, $4  }
0x3a: {  	v3 =	vld [tilespmem:s15+$0x0];
	[tilespmem:s12+$0xFFFFFFF9 ss:$0x81] =	vst.msk $0xffff, v1;
	s12 =	sadd.s32 $0x8, s12  }
0x3b: {  	v0 =	vld [tilespmem:s15+$0x10];
	[tilespmem:s12+$0x0 ss:$0x81] =	vst.msk $0xffff, v5  }
0x3c: {  	[tilespmem:s12+$0xFFFFFFFA ss:$0x81] =	vst.msk $0xffff, v6;
	v4 =	vld [tilespmem:s15+$0x20]  }
0x3d: {  	v1 =	vld [tilespmem:s15+$0xFFFFFFC0];
	[tilespmem:s12+$0xFFFFFFFB ss:$0x81] =	vst.msk $0xffff, v7;
	s15 =	sadd.s32 $0x80, s15  }
0x3e: {  	s14 =	sshll.u32 s11, $0x3  }
0x3f: {  	s30 =	sand.u32 $0x7F, s11;
	s14 =	sand.u32 $0xFFFFFC00, s14  }
0x40: {  	s11 =	sor.u32 s30, s14  }
0x41: {  	s15 =	smulhi.u32 $0x218D6287, s11;
	_ =	sdelay $0x1  }
0x42: {  	s14 =	smulhi.u32 $0x218D6287, s14;
	s15 =	sshrl.u32 s15, $0x11  }
0x43: {  	s15 =	smul.u32 $0xF4280, s15  }
0x44: {  	[tilespmem:s12+$0xFFFFFFFC ss:$0x81] =	vst.msk $0xffff, v2;
	s14 =	sshrl.u32 s14, $0x11  }
.Ltmp4:
0x45: {  	[tilespmem:s12+$0xFFFFFFFD ss:$0x81] =	vst.msk $0xffff, v3;
	s14 =	sand.u32 $0xF, s14;
	s11 =	ssub.s32 s11, s15;
	(pc) =	sbr.rel .LBB1_5-.Ltmp4, $4  }
0x46: {  	[tilespmem:s12+$0xFFFFFFFE ss:$0x81] =	vst.msk $0xffff, v0;
	s14 =	smul.u32 $0x1E850, s14;
	s15 =	sshrl.u32 s11, $0x3;
	s11 =	sand.u32 $0x7, s11  }
0x47: {  	[tilespmem:s12+$0xFFFFFFFF ss:$0x81] =	vst.msk $0xffff, v4;
	s15 =	sadd.s32 s2, s15;
	s11 =	sshll.u32 s11, $0x12  }
0x48: {  	[tilespmem:s12+$0xFFFFFFF9 ss:$0x81] =	vst.msk $0xffff, v1;
	s31 =	sadd.s32 s14, s15;
	s11 =	sor.u32 $0x400, s11  }
0x49: {  	[hbm4b:s31+s11] =	stream.strided.scatter [tilespmem:s13], [sflag:$0x2], $0x800, s8, s11, $0x20;
	[tilespmem:$0x2020] =	vst v63  }
.LBB1_6:
0x4a: {  	_ =	sfence.sel $0x180000  }
0x4b: {  	s2 =	simm.s32 $0x1;
	[bflag:$0x0] =	sbarrier.arrive $0xFFFF  }
0x4c: {  	s31 =	simm.s32 $0x2;
	[sflag:s2] =	ssyncpa.u1 $0x1  }
0x4d: {  	[sflag:s31] =	ssyncpa.u1 $0x1  }
0x4e: {  	p0 =	sne.s32 s1, $0x0;
	_ =	strace $0x9000004A  }
0x4f: {  	s0 =	sadd.s32 @!p0 $0x100000, s0;
	[bflag:$0x2] =	sbarrier.arrive $0xFFFF  }
0x50: {  	[sflag:s0] =	ssyncadd.tile.s32 @!p0 $0x1;
	_ =	shalt  }
.Lfunc_end1:
_tile_overlayer_lowered:
.L_overlay_start_2:
0x51: {  	(tag) =	ssettag $0x2  }
0x52: {  	s0 =	rddreg [dreg:$0x0];
	s2 =	stileid.u32  }
0x53: {  	s1 =	rddreg [dreg:$0x1];
	p0 =	sne.s32 s2, $0x0  }
0x54: {  	s3 =	rddreg [dreg:$0x2];
	[bflag:$0x3] =	sbarrier.arrive $0xFFFF;
	s2 =	simm.s32 @!p0 $0x1C01  }
0x55: {  	[timem:s3], [sflag:s2] =	dma.local @!p0 [hbm:s0], s1  }
0x56: {  	s0 =	simm.s32 @!p0 $0x1  }
0x57: {  	_ =	swait.ge @!p0 [sflag:s0], s1  }
0x58: {  	s1 =	ssub.s32 @!p0 $0x0, s1;
	[sflag:s0] =	ssyncset.done @!p0 $0x0  }
0x59: {  	[sflag:s0] =	ssyncadd.s32 @!p0 s1  }
0x5a: {  	[bflag:$0x3] =	sbarrier.arrive $0xFFFF  }
0x5b: {  	_ =	shalt  }

</sc_bundles>
